<compile_context>
chip_gen: v7x
topology: tpu7x:2x2x1
jax: 0.10.2.dev20260603
libtpu: 0.0.44.dev20260713+nightly
codegen_flags: <defaults>
</compile_context>

<pallas_src>
import functools

import jax
import jax.numpy as jnp
from jax import lax
from jax.experimental import pallas as pl
from jax.experimental.pallas import tpu as pltpu
from jax.experimental.pallas import tpu_sc as plsc

D = 128
NC, NS = 2, 16
NW = NC * NS
CHUNK = 128
RING = 4
LEAD = 2
LANES = 16


def _sc_aggregate(x, adj, n_nodes):
    e = adj.shape[1]
    assert e % CHUNK == 0
    n_chunks = e // CHUNK
    U = RING
    base_rounds = n_chunks // NW // U
    rem = n_chunks - base_rounds * U * NW
    assert rem % U == 0, "edge count must split into U-chunk rounds"
    extra_tiles = rem // U
    assert extra_tiles <= NW and base_rounds >= 1
    n_acc = ((n_nodes + NS * CHUNK - 1) // (NS * CHUNK)) * (NS * CHUNK)
    rows_per_tile = n_acc // NS
    n_pieces = rows_per_tile // CHUNK
    mesh = plsc.VectorSubcoreMesh(core_axis_name="c", subcore_axis_name="s")

    @functools.partial(
        pl.kernel,
        out_type=(
            jax.ShapeDtypeStruct((NC, n_acc, D), jnp.float32),
            jax.ShapeDtypeStruct((NW, n_acc), jnp.float32),
        ),
        mesh=mesh,
        scratch_types=(
            [pltpu.VMEM_SHARED((n_acc, D), jnp.bfloat16)]
            + [pltpu.VMEM((n_acc,), jnp.float32)]
            + [pltpu.VMEM((2, CHUNK), jnp.int32) for _ in range(RING)]
            + [pltpu.VMEM((CHUNK, D), jnp.bfloat16) for _ in range(RING)]
            + [pltpu.VMEM((CHUNK, D), jnp.float32)]
            + [pltpu.SemaphoreType.DMA for _ in range(2 * RING)]
        ),
        compiler_params=pltpu.CompilerParams(
            needs_layout_passes=False, use_tc_tiling_on_sc=False),
    )
    def agg(x_hbm, adj_hbm, out_hbm, deg_hbm, acc, hist, *bufs):
        eidxs = bufs[:RING]
        rows = bufs[RING:2 * RING]
        frow = bufs[2 * RING]
        gsems = bufs[2 * RING + 1:3 * RING + 1]
        ssems = bufs[3 * RING + 1:4 * RING + 1]
        c = lax.axis_index("c")
        s = lax.axis_index("s")

        zvf = jnp.zeros((LANES,), jnp.float32)

        zvb = jnp.zeros((2 * LANES,), jnp.bfloat16)

        def fill(i, carry):
            for j in range(D // (2 * LANES)):
                rows[0][i, pl.ds(j * 2 * LANES, 2 * LANES)] = zvb
            return carry

        lax.fori_loop(0, CHUNK, fill, 0)
        r0 = s * rows_per_tile
        for k in range(n_pieces):
            pltpu.sync_copy(rows[0], acc.at[pl.ds(r0 + k * CHUNK, CHUNK)])

        wid = c * NS + s
        chunk0 = wid * base_rounds * U + U * jnp.minimum(wid, extra_tiles)
        my_chunks = U * (base_rounds + jnp.where(wid < extra_tiles, 1, 0))
        ones16 = jnp.ones((LANES,), jnp.float32)

        for q in range(LEAD):
            pltpu.sync_copy(adj_hbm.at[:, pl.ds((chunk0 + q) * CHUNK, CHUNK)],
                            eidxs[q])
            pltpu.async_copy(x_hbm.at[eidxs[q].at[0]], rows[q], gsems[q])

        def fill_hist(i, carry):
            hist[pl.ds(i * LANES, LANES)] = zvf
            return carry

        lax.fori_loop(0, n_acc // LANES, fill_hist, 0)
        plsc.subcore_barrier()

        def outer(t, carry):
            for b in range(U):
                g = t * U + b
                eidx, row = eidxs[b], rows[b]
                pltpu.make_async_copy(x_hbm.at[eidx.at[0]], row, gsems[b]).wait()
                pltpu.async_copy(row, acc.at[eidx.at[1]], ssems[b], add=True)
                for j in range(CHUNK // LANES):
                    idx16 = eidx[1, pl.ds(j * LANES, LANES)]
                    plsc.addupdate_scatter(hist, [idx16], ones16)

                nb = (b + LEAD) % RING
                neidx, nrow = eidxs[nb], rows[nb]

                @pl.when(g + LEAD < my_chunks)
                def _():
                    @pl.when(g >= RING - LEAD)
                    def _():
                        pltpu.make_async_copy(
                            nrow, acc.at[neidx.at[1]], ssems[nb]).wait()

                    cb = (chunk0 + g + LEAD) * CHUNK
                    pltpu.sync_copy(adj_hbm.at[:, pl.ds(cb, CHUNK)], neidx)
                    pltpu.async_copy(x_hbm.at[neidx.at[0]], nrow, gsems[nb])

            return carry

        lax.fori_loop(0, base_rounds + jnp.where(wid < extra_tiles, 1, 0),
                      outer, 0)
        for b in range(RING):
            pltpu.make_async_copy(rows[b], acc.at[eidxs[b].at[1]],
                                  ssems[b]).wait()
        plsc.subcore_barrier()

        col_even = lax.iota(jnp.int32, LANES) * 2
        col_odd = col_even + 1
        lo_mask = jnp.full((LANES,), -65536, jnp.int32)

        def cvt_row(i, carry):
            irow = jnp.full((LANES,), i, jnp.int32)
            for j in range(D // (2 * LANES)):
                wbits = plsc.bitcast(rows[0][i, pl.ds(j * 2 * LANES, 2 * LANES)],
                                     jnp.int32)
                f_even = plsc.bitcast(wbits << 16, jnp.float32)
                f_odd = plsc.bitcast(wbits & lo_mask, jnp.float32)
                base = jnp.full((LANES,), j * 2 * LANES, jnp.int32)
                plsc.store_scatter(frow, [irow, base + col_even], f_even)
                plsc.store_scatter(frow, [irow, base + col_odd], f_odd)
            return carry

        for k in range(n_pieces):
            pltpu.sync_copy(acc.at[pl.ds(r0 + k * CHUNK, CHUNK)], rows[0])
            lax.fori_loop(0, CHUNK, cvt_row, 0)
            pltpu.sync_copy(frow, out_hbm.at[c, pl.ds(r0 + k * CHUNK, CHUNK)])
        pltpu.sync_copy(hist, deg_hbm.at[wid])

    return agg(x, adj)


def _tc_head(x, partial, degs, W, b):
    n = x.shape[0]
    R = 1024
    grid = ((n + R - 1) // R,)

    def body(x_ref, p_ref, d_ref, w_ref, b_ref, o_ref):
        xb = x_ref[...]
        p = p_ref[...]
        ssum = p[0] + p[1]
        deg = jnp.sum(d_ref[...], axis=0)[:, None]
        mean = ssum / jnp.maximum(deg, 1.0)
        w = w_ref[...]
        h = (
            jnp.dot(xb, w[:D], preferred_element_type=jnp.float32)
            + jnp.dot(mean, w[D:], preferred_element_type=jnp.float32)
            + b_ref[...]
        )
        h = jnp.maximum(h, 0.0)
        nrm = jnp.sqrt(jnp.sum(h * h, axis=1, keepdims=True))
        o_ref[...] = h / jnp.maximum(nrm, 1e-12)

    return pl.pallas_call(
        body,
        grid=grid,
        in_specs=[
            pl.BlockSpec((R, D), lambda i: (i, 0)),
            pl.BlockSpec((NC, R, D), lambda i: (0, i, 0)),
            pl.BlockSpec((NW, R), lambda i: (0, i)),
            pl.BlockSpec((2 * D, D), lambda i: (0, 0)),
            pl.BlockSpec((1, D), lambda i: (0, 0)),
        ],
        out_specs=pl.BlockSpec((R, D), lambda i: (i, 0)),
        out_shape=jax.ShapeDtypeStruct((n, D), jnp.float32),
    )(x, partial, degs, W, b.reshape(1, D))


def kernel(input_matrix, adjacency_coo_matrix, W, b):
    x = input_matrix
    n = x.shape[0]
    adj = adjacency_coo_matrix.astype(jnp.int32)
    partial, degs = _sc_aggregate(x.astype(jnp.bfloat16), adj, n)
    return _tc_head(x, partial, degs, W, b)

# --- scband reference (transcript-rebuilt; emitter-appended) ---
"""Pipeline reference for scband-graph-sagelayer-7284264534191 (READ-ONLY COPY).

The authoritative reference and input builder live on the scoring server;
editing this copy changes nothing except your own understanding.
"""

import jax, jax.numpy as jnp
import numpy as np

N_NODES = 10000
N_EDGES = 320000
D_FEAT = 128
D_OUT = 128


def setup_inputs(seed: int = 0) -> dict:
    key = jax.random.key(seed)
    k1, k2, k3 = jax.random.split(key, 3)
    input_matrix = jax.random.normal(k1, (N_NODES, D_FEAT), dtype=jnp.float32)
    adjacency_coo_matrix = jax.random.randint(k2, (2, N_EDGES), 0, N_NODES)
    # Learned params of the mean GraphSAGE aggregator: W [2*d_feat, d_out], bias [d_out]
    W = jax.random.normal(k3, (2 * D_FEAT, D_OUT), dtype=jnp.float32) * (1.0 / np.sqrt(2 * D_FEAT))
    b = jnp.zeros((D_OUT,), dtype=jnp.float32)
    return {"input_matrix": input_matrix, "adjacency_coo_matrix": adjacency_coo_matrix, "W": W, "b": b}


def reference(input_matrix, adjacency_coo_matrix, W, b):
    # Mean aggregator: for each dst node, mean of src-neighbor features
    src = adjacency_coo_matrix[0]
    dst = adjacency_coo_matrix[1]
    msgs = jnp.take(input_matrix, src, axis=0)                     # gather  [E, d]
    neigh_sum = jnp.zeros_like(input_matrix).at[dst].add(msgs)     # scatter-add [N, d]
    deg = jnp.zeros((input_matrix.shape[0],), dtype=input_matrix.dtype).at[dst].add(1.0)
    neigh_mean = neigh_sum / jnp.maximum(deg, 1.0)[:, None]
    h = jnp.concatenate([input_matrix, neigh_mean], axis=1) @ W + b
    # activation (F.relu default)
    h = jax.nn.relu(h)
    # F.normalize: L2-normalize rows with eps=1e-12
    norm = jnp.linalg.norm(h, axis=1, keepdims=True)
    return h / jnp.maximum(norm, 1e-12)

if __name__ == "__main__":
    import jax
    _d = setup_inputs()
    print(jax.jit(kernel)(*tuple(_d.values())))

</pallas_src>

<mosaic_0001>
#map = affine_map<(d0, d1) -> (0, 0)>
#map1 = affine_map<(d0, d1) -> (0, 0, 0)>
module attributes {stable_mosaic.version = 14 : i64} {
  func.func @agg(%arg0: i32, %arg1: i32, %arg2: memref<10000x128xbf16, #tpu.memory_space<hbm>>, %arg3: memref<2x320000xi32, #tpu.memory_space<hbm>>, %arg4: memref<2x10240x128xf32, #tpu.memory_space<hbm>>, %arg5: memref<32x10240xf32, #tpu.memory_space<hbm>>, %arg6: memref<10240x128xbf16, #tpu.memory_space<vmem_shared>>, %arg7: memref<10240xf32, #tpu.memory_space<vmem>>, %arg8: memref<2x128xi32, #tpu.memory_space<vmem>>, %arg9: memref<2x128xi32, #tpu.memory_space<vmem>>, %arg10: memref<2x128xi32, #tpu.memory_space<vmem>>, %arg11: memref<2x128xi32, #tpu.memory_space<vmem>>, %arg12: memref<128x128xbf16, #tpu.memory_space<vmem>>, %arg13: memref<128x128xbf16, #tpu.memory_space<vmem>>, %arg14: memref<128x128xbf16, #tpu.memory_space<vmem>>, %arg15: memref<128x128xbf16, #tpu.memory_space<vmem>>, %arg16: memref<128x128xf32, #tpu.memory_space<vmem>>, %arg17: memref<!tpu.dma_semaphore, #tpu.memory_space<semaphore_mem>>, %arg18: memref<!tpu.dma_semaphore, #tpu.memory_space<semaphore_mem>>, %arg19: memref<!tpu.dma_semaphore, #tpu.memory_space<semaphore_mem>>, %arg20: memref<!tpu.dma_semaphore, #tpu.memory_space<semaphore_mem>>, %arg21: memref<!tpu.dma_semaphore, #tpu.memory_space<semaphore_mem>>, %arg22: memref<!tpu.dma_semaphore, #tpu.memory_space<semaphore_mem>>, %arg23: memref<!tpu.dma_semaphore, #tpu.memory_space<semaphore_mem>>, %arg24: memref<!tpu.dma_semaphore, #tpu.memory_space<semaphore_mem>>) attributes {dimension_semantics = [#tpu.dimension_semantics<core_parallel>, #tpu.dimension_semantics<subcore_parallel>], iteration_bounds = array<i64: 2, 16>, scalar_prefetch = 0 : i64, scratch_operands = 19 : i64, tpu.core_type = #tpu.core_type<sc_vector_subcore>, window_params = [{transform_indices = #map}, {transform_indices = #map}, {transform_indices = #map1}, {transform_indices = #map}]} {
    %broadcast_in_dim3A = arith.constant 0.000000e+00 : f32
    %broadcast_in_dim3A_0 = vector.broadcast %broadcast_in_dim3A : f32 to vector<16xf32>
    %broadcast_in_dim3A_1 = arith.constant 0.000000e+00 : bf16
    %broadcast_in_dim3A_2 = vector.broadcast %broadcast_in_dim3A_1 : bf16 to vector<32xbf16>
    %scan3A = arith.constant 0 : i32
    %scan3A_3 = arith.constant 0 : i32
    %scan3A_4 = arith.constant 128 : i32
    %scan3A_5 = arith.addi %scan3A_3, %scan3A_4 : i32
    %scan3A_6 = arith.constant 1 : i32
    scf.for %scan3A_166 = %scan3A_3 to %scan3A_5 step %scan3A_6  : i32 {
      %swap3A = arith.index_cast %scan3A_166 : i32 to index
      %swap3A_167 = arith.constant 0 : index
      %swap3A_168 = tpu.vector_load %arg12[%swap3A, %swap3A_167] {strides = array<i32>} : memref<128x128xbf16, #tpu.memory_space<vmem>>, vector<32xbf16>,
      tpu.vector_store %arg12[%swap3A, %swap3A_167], %broadcast_in_dim3A_2 {strides = array<i32>} : memref<128x128xbf16, #tpu.memory_space<vmem>>, vector<32xbf16>,
      %swap3A_169 = arith.index_cast %scan3A_166 : i32 to index
      %swap3A_170 = arith.constant 32 : index
      %swap3A_171 = tpu.vector_load %arg12[%swap3A_169, %swap3A_170] {strides = array<i32>} : memref<128x128xbf16, #tpu.memory_space<vmem>>, vector<32xbf16>,
      tpu.vector_store %arg12[%swap3A_169, %swap3A_170], %broadcast_in_dim3A_2 {strides = array<i32>} : memref<128x128xbf16, #tpu.memory_space<vmem>>, vector<32xbf16>,
      %swap3A_172 = arith.index_cast %scan3A_166 : i32 to index
      %swap3A_173 = arith.constant 64 : index
      %swap3A_174 = tpu.vector_load %arg12[%swap3A_172, %swap3A_173] {strides = array<i32>} : memref<128x128xbf16, #tpu.memory_space<vmem>>, vector<32xbf16>,
      tpu.vector_store %arg12[%swap3A_172, %swap3A_173], %broadcast_in_dim3A_2 {strides = array<i32>} : memref<128x128xbf16, #tpu.memory_space<vmem>>, vector<32xbf16>,
      %swap3A_175 = arith.index_cast %scan3A_166 : i32 to index
      %swap3A_176 = arith.constant 96 : index
      %swap3A_177 = tpu.vector_load %arg12[%swap3A_175, %swap3A_176] {strides = array<i32>} : memref<128x128xbf16, #tpu.memory_space<vmem>>, vector<32xbf16>,
      tpu.vector_store %arg12[%swap3A_175, %swap3A_176], %broadcast_in_dim3A_2 {strides = array<i32>} : memref<128x128xbf16, #tpu.memory_space<vmem>>, vector<32xbf16>,
    }
    %scan3A_7 = arith.constant 128 : i32
    %mul3A = arith.constant 640 : i32
    %mul3A_8 = arith.muli %arg1, %mul3A : i32
    %add3A = arith.constant 0 : i32
    %add3A_9 = arith.addi %mul3A_8, %add3A : i32
    "tpu.region"() ({
      %run_scoped3A = tpu.sem_alloc : memref<!tpu.dma_semaphore, #tpu.memory_space<semaphore_mem>>
      %dma_start3A_166 = arith.constant 0 : i32
      %dma_start3A_167 = tpu.memref_slice %arg6[%add3A_9, %dma_start3A_166] : memref<10240x128xbf16, #tpu.memory_space<vmem_shared>> -> memref<128x128xbf16, #tpu.memory_space<vmem_shared>>
      %dma_start3A_168 = arith.constant 0 : i32
      %dma_start3A_169 = tpu.memref_slice %arg6[%add3A_9, %dma_start3A_168] : memref<10240x128xbf16, #tpu.memory_space<vmem_shared>> -> memref<128x128xbf16, #tpu.memory_space<vmem_shared>>
      tpu.enqueue_dma source(%arg12 : memref<128x128xbf16, #tpu.memory_space<vmem>>) target(%dma_start3A_169 : memref<128x128xbf16, #tpu.memory_space<vmem_shared>>) target_semaphore(%run_scoped3A : memref<!tpu.dma_semaphore, #tpu.memory_space<semaphore_mem>>)
      %dma_wait3A_170 = arith.constant 0 : i32
      %dma_wait3A_171 = tpu.memref_slice %arg6[%add3A_9, %dma_wait3A_170] : memref<10240x128xbf16, #tpu.memory_space<vmem_shared>> -> memref<128x128xbf16, #tpu.memory_space<vmem_shared>>
      %dma_wait3A_172 = arith.constant 0 : i32
      %dma_wait3A_173 = tpu.memref_slice %arg6[%add3A_9, %dma_wait3A_172] : memref<10240x128xbf16, #tpu.memory_space<vmem_shared>> -> memref<128x128xbf16, #tpu.memory_space<vmem_shared>>
      tpu.wait_dma2 semaphore(%run_scoped3A : memref<!tpu.dma_semaphore, #tpu.memory_space<semaphore_mem>>) src(%arg12 : memref<128x128xbf16, #tpu.memory_space<vmem>>) dst(%dma_wait3A_173 : memref<128x128xbf16, #tpu.memory_space<vmem_shared>>)
      tpu.yield
    }) : () -> ()
    %add3A_10 = arith.constant 128 : i32
    %add3A_11 = arith.addi %mul3A_8, %add3A_10 : i32
    "tpu.region"() ({
      %run_scoped3A = tpu.sem_alloc : memref<!tpu.dma_semaphore, #tpu.memory_space<semaphore_mem>>
      %dma_start3A_166 = arith.constant 0 : i32
      %dma_start3A_167 = tpu.memref_slice %arg6[%add3A_11, %dma_start3A_166] : memref<10240x128xbf16, #tpu.memory_space<vmem_shared>> -> memref<128x128xbf16, #tpu.memory_space<vmem_shared>>
      %dma_start3A_168 = arith.constant 0 : i32
      %dma_start3A_169 = tpu.memref_slice %arg6[%add3A_11, %dma_start3A_168] : memref<10240x128xbf16, #tpu.memory_space<vmem_shared>> -> memref<128x128xbf16, #tpu.memory_space<vmem_shared>>
      tpu.enqueue_dma source(%arg12 : memref<128x128xbf16, #tpu.memory_space<vmem>>) target(%dma_start3A_169 : memref<128x128xbf16, #tpu.memory_space<vmem_shared>>) target_semaphore(%run_scoped3A : memref<!tpu.dma_semaphore, #tpu.memory_space<semaphore_mem>>)
      %dma_wait3A_170 = arith.constant 0 : i32
      %dma_wait3A_171 = tpu.memref_slice %arg6[%add3A_11, %dma_wait3A_170] : memref<10240x128xbf16, #tpu.memory_space<vmem_shared>> -> memref<128x128xbf16, #tpu.memory_space<vmem_shared>>
      %dma_wait3A_172 = arith.constant 0 : i32
      %dma_wait3A_173 = tpu.memref_slice %arg6[%add3A_11, %dma_wait3A_172] : memref<10240x128xbf16, #tpu.memory_space<vmem_shared>> -> memref<128x128xbf16, #tpu.memory_space<vmem_shared>>
      tpu.wait_dma2 semaphore(%run_scoped3A : memref<!tpu.dma_semaphore, #tpu.memory_space<semaphore_mem>>) src(%arg12 : memref<128x128xbf16, #tpu.memory_space<vmem>>) dst(%dma_wait3A_173 : memref<128x128xbf16, #tpu.memory_space<vmem_shared>>)
      tpu.yield
    }) : () -> ()
    %add3A_12 = arith.constant 256 : i32
    %add3A_13 = arith.addi %mul3A_8, %add3A_12 : i32
    "tpu.region"() ({
      %run_scoped3A = tpu.sem_alloc : memref<!tpu.dma_semaphore, #tpu.memory_space<semaphore_mem>>
      %dma_start3A_166 = arith.constant 0 : i32
      %dma_start3A_167 = tpu.memref_slice %arg6[%add3A_13, %dma_start3A_166] : memref<10240x128xbf16, #tpu.memory_space<vmem_shared>> -> memref<128x128xbf16, #tpu.memory_space<vmem_shared>>
      %dma_start3A_168 = arith.constant 0 : i32
      %dma_start3A_169 = tpu.memref_slice %arg6[%add3A_13, %dma_start3A_168] : memref<10240x128xbf16, #tpu.memory_space<vmem_shared>> -> memref<128x128xbf16, #tpu.memory_space<vmem_shared>>
      tpu.enqueue_dma source(%arg12 : memref<128x128xbf16, #tpu.memory_space<vmem>>) target(%dma_start3A_169 : memref<128x128xbf16, #tpu.memory_space<vmem_shared>>) target_semaphore(%run_scoped3A : memref<!tpu.dma_semaphore, #tpu.memory_space<semaphore_mem>>)
      %dma_wait3A_170 = arith.constant 0 : i32
      %dma_wait3A_171 = tpu.memref_slice %arg6[%add3A_13, %dma_wait3A_170] : memref<10240x128xbf16, #tpu.memory_space<vmem_shared>> -> memref<128x128xbf16, #tpu.memory_space<vmem_shared>>
      %dma_wait3A_172 = arith.constant 0 : i32
      %dma_wait3A_173 = tpu.memref_slice %arg6[%add3A_13, %dma_wait3A_172] : memref<10240x128xbf16, #tpu.memory_space<vmem_shared>> -> memref<128x128xbf16, #tpu.memory_space<vmem_shared>>
      tpu.wait_dma2 semaphore(%run_scoped3A : memref<!tpu.dma_semaphore, #tpu.memory_space<semaphore_mem>>) src(%arg12 : memref<128x128xbf16, #tpu.memory_space<vmem>>) dst(%dma_wait3A_173 : memref<128x128xbf16, #tpu.memory_space<vmem_shared>>)
      tpu.yield
    }) : () -> ()
    %add3A_14 = arith.constant 384 : i32
    %add3A_15 = arith.addi %mul3A_8, %add3A_14 : i32
    "tpu.region"() ({
      %run_scoped3A = tpu.sem_alloc : memref<!tpu.dma_semaphore, #tpu.memory_space<semaphore_mem>>
      %dma_start3A_166 = arith.constant 0 : i32
      %dma_start3A_167 = tpu.memref_slice %arg6[%add3A_15, %dma_start3A_166] : memref<10240x128xbf16, #tpu.memory_space<vmem_shared>> -> memref<128x128xbf16, #tpu.memory_space<vmem_shared>>
      %dma_start3A_168 = arith.constant 0 : i32
      %dma_start3A_169 = tpu.memref_slice %arg6[%add3A_15, %dma_start3A_168] : memref<10240x128xbf16, #tpu.memory_space<vmem_shared>> -> memref<128x128xbf16, #tpu.memory_space<vmem_shared>>
      tpu.enqueue_dma source(%arg12 : memref<128x128xbf16, #tpu.memory_space<vmem>>) target(%dma_start3A_169 : memref<128x128xbf16, #tpu.memory_space<vmem_shared>>) target_semaphore(%run_scoped3A : memref<!tpu.dma_semaphore, #tpu.memory_space<semaphore_mem>>)
      %dma_wait3A_170 = arith.constant 0 : i32
      %dma_wait3A_171 = tpu.memref_slice %arg6[%add3A_15, %dma_wait3A_170] : memref<10240x128xbf16, #tpu.memory_space<vmem_shared>> -> memref<128x128xbf16, #tpu.memory_space<vmem_shared>>
      %dma_wait3A_172 = arith.constant 0 : i32
      %dma_wait3A_173 = tpu.memref_slice %arg6[%add3A_15, %dma_wait3A_172] : memref<10240x128xbf16, #tpu.memory_space<vmem_shared>> -> memref<128x128xbf16, #tpu.memory_space<vmem_shared>>
      tpu.wait_dma2 semaphore(%run_scoped3A : memref<!tpu.dma_semaphore, #tpu.memory_space<semaphore_mem>>) src(%arg12 : memref<128x128xbf16, #tpu.memory_space<vmem>>) dst(%dma_wait3A_173 : memref<128x128xbf16, #tpu.memory_space<vmem_shared>>)
      tpu.yield
    }) : () -> ()
    %add3A_16 = arith.constant 512 : i32
    %add3A_17 = arith.addi %mul3A_8, %add3A_16 : i32
    "tpu.region"() ({
      %run_scoped3A = tpu.sem_alloc : memref<!tpu.dma_semaphore, #tpu.memory_space<semaphore_mem>>
      %dma_start3A_166 = arith.constant 0 : i32
      %dma_start3A_167 = tpu.memref_slice %arg6[%add3A_17, %dma_start3A_166] : memref<10240x128xbf16, #tpu.memory_space<vmem_shared>> -> memref<128x128xbf16, #tpu.memory_space<vmem_shared>>
      %dma_start3A_168 = arith.constant 0 : i32
      %dma_start3A_169 = tpu.memref_slice %arg6[%add3A_17, %dma_start3A_168] : memref<10240x128xbf16, #tpu.memory_space<vmem_shared>> -> memref<128x128xbf16, #tpu.memory_space<vmem_shared>>
      tpu.enqueue_dma source(%arg12 : memref<128x128xbf16, #tpu.memory_space<vmem>>) target(%dma_start3A_169 : memref<128x128xbf16, #tpu.memory_space<vmem_shared>>) target_semaphore(%run_scoped3A : memref<!tpu.dma_semaphore, #tpu.memory_space<semaphore_mem>>)
      %dma_wait3A_170 = arith.constant 0 : i32
      %dma_wait3A_171 = tpu.memref_slice %arg6[%add3A_17, %dma_wait3A_170] : memref<10240x128xbf16, #tpu.memory_space<vmem_shared>> -> memref<128x128xbf16, #tpu.memory_space<vmem_shared>>
      %dma_wait3A_172 = arith.constant 0 : i32
      %dma_wait3A_173 = tpu.memref_slice %arg6[%add3A_17, %dma_wait3A_172] : memref<10240x128xbf16, #tpu.memory_space<vmem_shared>> -> memref<128x128xbf16, #tpu.memory_space<vmem_shared>>
      tpu.wait_dma2 semaphore(%run_scoped3A : memref<!tpu.dma_semaphore, #tpu.memory_space<semaphore_mem>>) src(%arg12 : memref<128x128xbf16, #tpu.memory_space<vmem>>) dst(%dma_wait3A_173 : memref<128x128xbf16, #tpu.memory_space<vmem_shared>>)
      tpu.yield
    }) : () -> ()
    %mul3A_18 = arith.constant 16 : i32
    %mul3A_19 = arith.muli %arg0, %mul3A_18 : i32
    %add3A_20 = arith.addi %mul3A_19, %arg1 : i32
    %mul3A_21 = arith.constant 19 : i32
    %mul3A_22 = arith.muli %add3A_20, %mul3A_21 : i32
    %mul3A_23 = arith.constant 4 : i32
    %mul3A_24 = arith.muli %mul3A_22, %mul3A_23 : i32
    %min3A = arith.constant 17 : i32
    %min3A_25 = arith.minsi %add3A_20, %min3A : i32
    %mul3A_26 = arith.constant 4 : i32
    %mul3A_27 = arith.muli %mul3A_26, %min3A_25 : i32
    %add3A_28 = arith.addi %mul3A_24, %mul3A_27 : i32
    %lt3A = arith.constant 17 : i32
    %lt3A_29 = arith.cmpi slt, %add3A_20, %lt3A : i32
    %jit3A = arith.constant 1 : i32
    %jit3A_30 = arith.constant 0 : i32
    %select_n3A = arith.select %lt3A_29, %jit3A, %jit3A_30 : i32
    %add3A_31 = arith.constant 19 : i32
    %add3A_32 = arith.addi %add3A_31, %select_n3A : i32
    %mul3A_33 = arith.constant 4 : i32
    %mul3A_34 = arith.muli %mul3A_33, %add3A_32 : i32
    %broadcast_in_dim3A_35 = arith.constant 1.000000e+00 : f32
    %broadcast_in_dim3A_36 = vector.broadcast %broadcast_in_dim3A_35 : f32 to vector<16xf32>
    %add3A_37 = arith.constant 0 : i32
    %add3A_38 = arith.addi %add3A_28, %add3A_37 : i32
    %mul3A_39 = arith.constant 128 : i32
    %mul3A_40 = arith.muli %add3A_38, %mul3A_39 : i32
    "tpu.region"() ({
      %run_scoped3A = tpu.sem_alloc : memref<!tpu.dma_semaphore, #tpu.memory_space<semaphore_mem>>
      %dma_start3A_166 = arith.constant 0 : i32
      %dma_start3A_167 = tpu.memref_slice %arg3[%dma_start3A_166, %mul3A_40] : memref<2x320000xi32, #tpu.memory_space<hbm>> -> memref<2x128xi32, #tpu.memory_space<hbm>>
      %dma_start3A_168 = arith.constant 0 : i32
      %dma_start3A_169 = tpu.memref_slice %arg3[%dma_start3A_168, %mul3A_40] : memref<2x320000xi32, #tpu.memory_space<hbm>> -> memref<2x128xi32, #tpu.memory_space<hbm>>
      tpu.enqueue_dma source(%dma_start3A_169 : memref<2x128xi32, #tpu.memory_space<hbm>>) target(%arg8 : memref<2x128xi32, #tpu.memory_space<vmem>>) target_semaphore(%run_scoped3A : memref<!tpu.dma_semaphore, #tpu.memory_space<semaphore_mem>>)
      %dma_wait3A_170 = arith.constant 0 : i32
      %dma_wait3A_171 = tpu.memref_slice %arg3[%dma_wait3A_170, %mul3A_40] : memref<2x320000xi32, #tpu.memory_space<hbm>> -> memref<2x128xi32, #tpu.memory_space<hbm>>
      %dma_wait3A_172 = arith.constant 0 : i32
      %dma_wait3A_173 = tpu.memref_slice %arg3[%dma_wait3A_172, %mul3A_40] : memref<2x320000xi32, #tpu.memory_space<hbm>> -> memref<2x128xi32, #tpu.memory_space<hbm>>
      tpu.wait_dma2 semaphore(%run_scoped3A : memref<!tpu.dma_semaphore, #tpu.memory_space<semaphore_mem>>) src(%dma_wait3A_173 : memref<2x128xi32, #tpu.memory_space<hbm>>) dst(%arg8 : memref<2x128xi32, #tpu.memory_space<vmem>>)
      tpu.yield
    }) : () -> ()
    %dma_start3A = arith.constant 0 : i32
    %dma_start3A_41 = arith.constant 0 : i32
    %dma_start3A_42 = tpu.memref_slice %arg8[%dma_start3A, %dma_start3A_41] : memref<2x128xi32, #tpu.memory_space<vmem>> -> memref<1x128xi32, #tpu.memory_space<vmem>>
    %dma_start3A_43 = tpu.memref_squeeze %dma_start3A_42 : memref<1x128xi32, #tpu.memory_space<vmem>> -> memref<128xi32, #tpu.memory_space<vmem>>
    %dma_start3A_44 = arith.constant 0 : i32
    %dma_start3A_45 = arith.constant 0 : i32
    %dma_start3A_46 = tpu.memref_slice %arg2[%dma_start3A_44, %dma_start3A_45] : memref<10000x128xbf16, #tpu.memory_space<hbm>> -> memref<10000x128xbf16, #tpu.memory_space<hbm>>
    tpu.enqueue_indirect_dma source(%dma_start3A_46 : memref<10000x128xbf16, #tpu.memory_space<hbm>>) target(%arg12 : memref<128x128xbf16, #tpu.memory_space<vmem>>) offsets(%dma_start3A_43 : memref<128xi32, #tpu.memory_space<vmem>>) semaphore(%arg17 : memref<!tpu.dma_semaphore, #tpu.memory_space<semaphore_mem>>)
    %add3A_47 = arith.constant 1 : i32
    %add3A_48 = arith.addi %add3A_28, %add3A_47 : i32
    %mul3A_49 = arith.constant 128 : i32
    %mul3A_50 = arith.muli %add3A_48, %mul3A_49 : i32
    "tpu.region"() ({
      %run_scoped3A = tpu.sem_alloc : memref<!tpu.dma_semaphore, #tpu.memory_space<semaphore_mem>>
      %dma_start3A_166 = arith.constant 0 : i32
      %dma_start3A_167 = tpu.memref_slice %arg3[%dma_start3A_166, %mul3A_50] : memref<2x320000xi32, #tpu.memory_space<hbm>> -> memref<2x128xi32, #tpu.memory_space<hbm>>
      %dma_start3A_168 = arith.constant 0 : i32
      %dma_start3A_169 = tpu.memref_slice %arg3[%dma_start3A_168, %mul3A_50] : memref<2x320000xi32, #tpu.memory_space<hbm>> -> memref<2x128xi32, #tpu.memory_space<hbm>>
      tpu.enqueue_dma source(%dma_start3A_169 : memref<2x128xi32, #tpu.memory_space<hbm>>) target(%arg9 : memref<2x128xi32, #tpu.memory_space<vmem>>) target_semaphore(%run_scoped3A : memref<!tpu.dma_semaphore, #tpu.memory_space<semaphore_mem>>)
      %dma_wait3A_170 = arith.constant 0 : i32
      %dma_wait3A_171 = tpu.memref_slice %arg3[%dma_wait3A_170, %mul3A_50] : memref<2x320000xi32, #tpu.memory_space<hbm>> -> memref<2x128xi32, #tpu.memory_space<hbm>>
      %dma_wait3A_172 = arith.constant 0 : i32
      %dma_wait3A_173 = tpu.memref_slice %arg3[%dma_wait3A_172, %mul3A_50] : memref<2x320000xi32, #tpu.memory_space<hbm>> -> memref<2x128xi32, #tpu.memory_space<hbm>>
      tpu.wait_dma2 semaphore(%run_scoped3A : memref<!tpu.dma_semaphore, #tpu.memory_space<semaphore_mem>>) src(%dma_wait3A_173 : memref<2x128xi32, #tpu.memory_space<hbm>>) dst(%arg9 : memref<2x128xi32, #tpu.memory_space<vmem>>)
      tpu.yield
    }) : () -> ()
    %dma_start3A_51 = arith.constant 0 : i32
    %dma_start3A_52 = arith.constant 0 : i32
    %dma_start3A_53 = tpu.memref_slice %arg9[%dma_start3A_51, %dma_start3A_52] : memref<2x128xi32, #tpu.memory_space<vmem>> -> memref<1x128xi32, #tpu.memory_space<vmem>>
    %dma_start3A_54 = tpu.memref_squeeze %dma_start3A_53 : memref<1x128xi32, #tpu.memory_space<vmem>> -> memref<128xi32, #tpu.memory_space<vmem>>
    %dma_start3A_55 = arith.constant 0 : i32
    %dma_start3A_56 = arith.constant 0 : i32
    %dma_start3A_57 = tpu.memref_slice %arg2[%dma_start3A_55, %dma_start3A_56] : memref<10000x128xbf16, #tpu.memory_space<hbm>> -> memref<10000x128xbf16, #tpu.memory_space<hbm>>
    tpu.enqueue_indirect_dma source(%dma_start3A_57 : memref<10000x128xbf16, #tpu.memory_space<hbm>>) target(%arg13 : memref<128x128xbf16, #tpu.memory_space<vmem>>) offsets(%dma_start3A_54 : memref<128xi32, #tpu.memory_space<vmem>>) semaphore(%arg18 : memref<!tpu.dma_semaphore, #tpu.memory_space<semaphore_mem>>)
    %scan3A_58 = arith.constant 0 : i32
    %scan3A_59 = arith.constant 0 : i32
    %scan3A_60 = arith.constant 640 : i32
    %scan3A_61 = arith.addi %scan3A_59, %scan3A_60 : i32
    %scan3A_62 = arith.constant 1 : i32
    scf.for %scan3A_166 = %scan3A_59 to %scan3A_61 step %scan3A_62  : i32 {
      %mul3A_167 = arith.constant 16 : i32
      %mul3A_168 = arith.muli %scan3A_166, %mul3A_167 : i32
      %swap3A = arith.index_cast %mul3A_168 : i32 to index
      %swap3A_169 = tpu.vector_load %arg7[%swap3A] {strides = array<i32>} : memref<10240xf32, #tpu.memory_space<vmem>>, vector<16xf32>,
      tpu.vector_store %arg7[%swap3A], %broadcast_in_dim3A_0 {strides = array<i32>} : memref<10240xf32, #tpu.memory_space<vmem>>, vector<16xf32>,
    }
    %scan3A_63 = arith.constant 640 : i32
    %barrier3A = arith.constant 0 : index
    tpu.barrier barrier_id(%barrier3A)
    %lt3A_64 = arith.constant 17 : i32
    %lt3A_65 = arith.cmpi slt, %add3A_20, %lt3A_64 : i32
    %jit3A_66 = arith.constant 1 : i32
    %jit3A_67 = arith.constant 0 : i32
    %select_n3A_68 = arith.select %lt3A_65, %jit3A_66, %jit3A_67 : i32
    %add3A_69 = arith.constant 19 : i32
    %add3A_70 = arith.addi %add3A_69, %select_n3A_68 : i32
    %while3A = arith.constant 0 : i32
    %while3A_71 = arith.constant 0 : i32
    %while3A_72 = arith.subi %add3A_70, %while3A_71 : i32
    %while3A_73 = arith.addi %while3A_71, %while3A_72 : i32
    %while3A_74 = arith.constant 1 : i32
    %while3A_75 = arith.divsi %while3A_72, %while3A_74 : i32
    %while3A_76 = arith.muli %while3A_75, %while3A_74 : i32
    %while3A_77 = arith.addi %while3A_71, %while3A_76 : i32
    %while3A_78 = arith.constant 1 : i32
    scf.for %while3A_166 = %while3A_71 to %while3A_77 step %while3A_78  : i32 {
      %mul3A_167 = arith.constant 4 : i32
      %mul3A_168 = arith.muli %while3A_166, %mul3A_167 : i32
      %add3A_169 = arith.constant 0 : i32
      %add3A_170 = arith.addi %mul3A_168, %add3A_169 : i32
      %dma_wait3A_171 = arith.constant 0 : i32
      %dma_wait3A_172 = arith.constant 0 : i32
      %dma_wait3A_173 = tpu.memref_slice %arg8[%dma_wait3A_171, %dma_wait3A_172] : memref<2x128xi32, #tpu.memory_space<vmem>> -> memref<1x128xi32, #tpu.memory_space<vmem>>
      %dma_wait3A_174 = tpu.memref_squeeze %dma_wait3A_173 : memref<1x128xi32, #tpu.memory_space<vmem>> -> memref<128xi32, #tpu.memory_space<vmem>>
      %dma_wait3A_175 = arith.constant 0 : i32
      %dma_wait3A_176 = arith.constant 0 : i32
      %dma_wait3A_177 = tpu.memref_slice %arg2[%dma_wait3A_175, %dma_wait3A_176] : memref<10000x128xbf16, #tpu.memory_space<hbm>> -> memref<10000x128xbf16, #tpu.memory_space<hbm>>
      tpu.wait_indirect_dma semaphore(%arg17 : memref<!tpu.dma_semaphore, #tpu.memory_space<semaphore_mem>>) src(%dma_wait3A_177 : memref<10000x128xbf16, #tpu.memory_space<hbm>>) dst(%arg12 : memref<128x128xbf16, #tpu.memory_space<vmem>>)
      %dma_start3A_178 = arith.constant 1 : i32
      %dma_start3A_179 = arith.constant 0 : i32
      %dma_start3A_180 = tpu.memref_slice %arg8[%dma_start3A_178, %dma_start3A_179] : memref<2x128xi32, #tpu.memory_space<vmem>> -> memref<1x128xi32, #tpu.memory_space<vmem>>
      %dma_start3A_181 = tpu.memref_squeeze %dma_start3A_180 : memref<1x128xi32, #tpu.memory_space<vmem>> -> memref<128xi32, #tpu.memory_space<vmem>>
      %dma_start3A_182 = arith.constant 0 : i32
      %dma_start3A_183 = arith.constant 0 : i32
      %dma_start3A_184 = tpu.memref_slice %arg6[%dma_start3A_182, %dma_start3A_183] : memref<10240x128xbf16, #tpu.memory_space<vmem_shared>> -> memref<10240x128xbf16, #tpu.memory_space<vmem_shared>>
      tpu.enqueue_indirect_dma source(%arg12 : memref<128x128xbf16, #tpu.memory_space<vmem>>) target(%dma_start3A_184 : memref<10240x128xbf16, #tpu.memory_space<vmem_shared>>) offsets(%dma_start3A_181 : memref<128xi32, #tpu.memory_space<vmem>>) semaphore(%arg21 : memref<!tpu.dma_semaphore, #tpu.memory_space<semaphore_mem>>) {add = true}
      %get3A = arith.constant 1 : i32
      %get3A_185 = arith.index_cast %get3A : i32 to index
      %get3A_186 = arith.constant 0 : index
      %get3A_187 = tpu.vector_load %arg8[%get3A_185, %get3A_186] {strides = array<i32>} : memref<2x128xi32, #tpu.memory_space<vmem>>, vector<16xi32>,
      tpu.vector_store_idx %arg7[%get3A_187], %broadcast_in_dim3A_36 {add = true} : memref<10240xf32, #tpu.memory_space<vmem>>[vector<16xi32>], vector<16xf32>,
      %get3A_188 = arith.constant 1 : i32
      %get3A_189 = arith.index_cast %get3A_188 : i32 to index
      %get3A_190 = arith.constant 16 : index
      %get3A_191 = tpu.vector_load %arg8[%get3A_189, %get3A_190] {strides = array<i32>} : memref<2x128xi32, #tpu.memory_space<vmem>>, vector<16xi32>,
      tpu.vector_store_idx %arg7[%get3A_191], %broadcast_in_dim3A_36 {add = true} : memref<10240xf32, #tpu.memory_space<vmem>>[vector<16xi32>], vector<16xf32>,
      %get3A_192 = arith.constant 1 : i32
      %get3A_193 = arith.index_cast %get3A_192 : i32 to index
      %get3A_194 = arith.constant 32 : index
      %get3A_195 = tpu.vector_load %arg8[%get3A_193, %get3A_194] {strides = array<i32>} : memref<2x128xi32, #tpu.memory_space<vmem>>, vector<16xi32>,
      tpu.vector_store_idx %arg7[%get3A_195], %broadcast_in_dim3A_36 {add = true} : memref<10240xf32, #tpu.memory_space<vmem>>[vector<16xi32>], vector<16xf32>,
      %get3A_196 = arith.constant 1 : i32
      %get3A_197 = arith.index_cast %get3A_196 : i32 to index
      %get3A_198 = arith.constant 48 : index
      %get3A_199 = tpu.vector_load %arg8[%get3A_197, %get3A_198] {strides = array<i32>} : memref<2x128xi32, #tpu.memory_space<vmem>>, vector<16xi32>,
      tpu.vector_store_idx %arg7[%get3A_199], %broadcast_in_dim3A_36 {add = true} : memref<10240xf32, #tpu.memory_space<vmem>>[vector<16xi32>], vector<16xf32>,
      %get3A_200 = arith.constant 1 : i32
      %get3A_201 = arith.index_cast %get3A_200 : i32 to index
      %get3A_202 = arith.constant 64 : index
      %get3A_203 = tpu.vector_load %arg8[%get3A_201, %get3A_202] {strides = array<i32>} : memref<2x128xi32, #tpu.memory_space<vmem>>, vector<16xi32>,
      tpu.vector_store_idx %arg7[%get3A_203], %broadcast_in_dim3A_36 {add = true} : memref<10240xf32, #tpu.memory_space<vmem>>[vector<16xi32>], vector<16xf32>,
      %get3A_204 = arith.constant 1 : i32
      %get3A_205 = arith.index_cast %get3A_204 : i32 to index
      %get3A_206 = arith.constant 80 : index
      %get3A_207 = tpu.vector_load %arg8[%get3A_205, %get3A_206] {strides = array<i32>} : memref<2x128xi32, #tpu.memory_space<vmem>>, vector<16xi32>,
      tpu.vector_store_idx %arg7[%get3A_207], %broadcast_in_dim3A_36 {add = true} : memref<10240xf32, #tpu.memory_space<vmem>>[vector<16xi32>], vector<16xf32>,
      %get3A_208 = arith.constant 1 : i32
      %get3A_209 = arith.index_cast %get3A_208 : i32 to index
      %get3A_210 = arith.constant 96 : index
      %get3A_211 = tpu.vector_load %arg8[%get3A_209, %get3A_210] {strides = array<i32>} : memref<2x128xi32, #tpu.memory_space<vmem>>, vector<16xi32>,
      tpu.vector_store_idx %arg7[%get3A_211], %broadcast_in_dim3A_36 {add = true} : memref<10240xf32, #tpu.memory_space<vmem>>[vector<16xi32>], vector<16xf32>,
      %get3A_212 = arith.constant 1 : i32
      %get3A_213 = arith.index_cast %get3A_212 : i32 to index
      %get3A_214 = arith.constant 112 : index
      %get3A_215 = tpu.vector_load %arg8[%get3A_213, %get3A_214] {strides = array<i32>} : memref<2x128xi32, #tpu.memory_space<vmem>>, vector<16xi32>,
      tpu.vector_store_idx %arg7[%get3A_215], %broadcast_in_dim3A_36 {add = true} : memref<10240xf32, #tpu.memory_space<vmem>>[vector<16xi32>], vector<16xf32>,
      %add3A_216 = arith.constant 2 : i32
      %add3A_217 = arith.addi %add3A_170, %add3A_216 : i32
      %lt3A_218 = arith.cmpi slt, %add3A_217, %mul3A_34 : i32
      %convert_element_type3A = arith.extui %lt3A_218 : i1 to i32
      %cond3A = arith.constant 0 : i32
      %cond3A_219 = arith.cmpi ne, %convert_element_type3A, %cond3A : i32
      scf.if %cond3A_219 {
        %ge3A = arith.constant 2 : i32
        %ge3A_388 = arith.cmpi sge, %add3A_170, %ge3A : i32
        %convert_element_type3A_389 = arith.extui %ge3A_388 : i1 to i32
        %cond3A_390 = arith.constant 0 : i32
        %cond3A_391 = arith.cmpi ne, %convert_element_type3A_389, %cond3A_390 : i32
        scf.if %cond3A_391 {
          %dma_wait3A_404 = arith.constant 1 : i32
          %dma_wait3A_405 = arith.constant 0 : i32
          %dma_wait3A_406 = tpu.memref_slice %arg10[%dma_wait3A_404, %dma_wait3A_405] : memref<2x128xi32, #tpu.memory_space<vmem>> -> memref<1x128xi32, #tpu.memory_space<vmem>>
          %dma_wait3A_407 = tpu.memref_squeeze %dma_wait3A_406 : memref<1x128xi32, #tpu.memory_space<vmem>> -> memref<128xi32, #tpu.memory_space<vmem>>
          %dma_wait3A_408 = arith.constant 0 : i32
          %dma_wait3A_409 = arith.constant 0 : i32
          %dma_wait3A_410 = tpu.memref_slice %arg6[%dma_wait3A_408, %dma_wait3A_409] : memref<10240x128xbf16, #tpu.memory_space<vmem_shared>> -> memref<10240x128xbf16, #tpu.memory_space<vmem_shared>>
          tpu.wait_indirect_dma semaphore(%arg23 : memref<!tpu.dma_semaphore, #tpu.memory_space<semaphore_mem>>) src(%arg14 : memref<128x128xbf16, #tpu.memory_space<vmem>>) dst(%dma_wait3A_410 : memref<10240x128xbf16, #tpu.memory_space<vmem_shared>>)
        } else {
        }
        %add3A_392 = arith.addi %add3A_28, %add3A_170 : i32
        %add3A_393 = arith.constant 2 : i32
        %add3A_394 = arith.addi %add3A_392, %add3A_393 : i32
        %mul3A_395 = arith.constant 128 : i32
        %mul3A_396 = arith.muli %add3A_394, %mul3A_395 : i32
        "tpu.region"() ({
          %run_scoped3A = tpu.sem_alloc : memref<!tpu.dma_semaphore, #tpu.memory_space<semaphore_mem>>
          %dma_start3A_404 = arith.constant 0 : i32
          %dma_start3A_405 = tpu.memref_slice %arg3[%dma_start3A_404, %mul3A_396] : memref<2x320000xi32, #tpu.memory_space<hbm>> -> memref<2x128xi32, #tpu.memory_space<hbm>>
          %dma_start3A_406 = arith.constant 0 : i32
          %dma_start3A_407 = tpu.memref_slice %arg3[%dma_start3A_406, %mul3A_396] : memref<2x320000xi32, #tpu.memory_space<hbm>> -> memref<2x128xi32, #tpu.memory_space<hbm>>
          tpu.enqueue_dma source(%dma_start3A_407 : memref<2x128xi32, #tpu.memory_space<hbm>>) target(%arg10 : memref<2x128xi32, #tpu.memory_space<vmem>>) target_semaphore(%run_scoped3A : memref<!tpu.dma_semaphore, #tpu.memory_space<semaphore_mem>>)
          %dma_wait3A_408 = arith.constant 0 : i32
          %dma_wait3A_409 = tpu.memref_slice %arg3[%dma_wait3A_408, %mul3A_396] : memref<2x320000xi32, #tpu.memory_space<hbm>> -> memref<2x128xi32, #tpu.memory_space<hbm>>
          %dma_wait3A_410 = arith.constant 0 : i32
          %dma_wait3A_411 = tpu.memref_slice %arg3[%dma_wait3A_410, %mul3A_396] : memref<2x320000xi32, #tpu.memory_space<hbm>> -> memref<2x128xi32, #tpu.memory_space<hbm>>
          tpu.wait_dma2 semaphore(%run_scoped3A : memref<!tpu.dma_semaphore, #tpu.memory_space<semaphore_mem>>) src(%dma_wait3A_411 : memref<2x128xi32, #tpu.memory_space<hbm>>) dst(%arg10 : memref<2x128xi32, #tpu.memory_space<vmem>>)
          tpu.yield
        }) : () -> ()
        %dma_start3A_397 = arith.constant 0 : i32
        %dma_start3A_398 = arith.constant 0 : i32
        %dma_start3A_399 = tpu.memref_slice %arg10[%dma_start3A_397, %dma_start3A_398] : memref<2x128xi32, #tpu.memory_space<vmem>> -> memref<1x128xi32, #tpu.memory_space<vmem>>
        %dma_start3A_400 = tpu.memref_squeeze %dma_start3A_399 : memref<1x128xi32, #tpu.memory_space<vmem>> -> memref<128xi32, #tpu.memory_space<vmem>>
        %dma_start3A_401 = arith.constant 0 : i32
        %dma_start3A_402 = arith.constant 0 : i32
        %dma_start3A_403 = tpu.memref_slice %arg2[%dma_start3A_401, %dma_start3A_402] : memref<10000x128xbf16, #tpu.memory_space<hbm>> -> memref<10000x128xbf16, #tpu.memory_space<hbm>>
        tpu.enqueue_indirect_dma source(%dma_start3A_403 : memref<10000x128xbf16, #tpu.memory_space<hbm>>) target(%arg14 : memref<128x128xbf16, #tpu.memory_space<vmem>>) offsets(%dma_start3A_400 : memref<128xi32, #tpu.memory_space<vmem>>) semaphore(%arg19 : memref<!tpu.dma_semaphore, #tpu.memory_space<semaphore_mem>>)
      } else {
      }
      %mul3A_220 = arith.constant 4 : i32
      %mul3A_221 = arith.muli %while3A_166, %mul3A_220 : i32
      %add3A_222 = arith.constant 1 : i32
      %add3A_223 = arith.addi %mul3A_221, %add3A_222 : i32
      %dma_wait3A_224 = arith.constant 0 : i32
      %dma_wait3A_225 = arith.constant 0 : i32
      %dma_wait3A_226 = tpu.memref_slice %arg9[%dma_wait3A_224, %dma_wait3A_225] : memref<2x128xi32, #tpu.memory_space<vmem>> -> memref<1x128xi32, #tpu.memory_space<vmem>>
      %dma_wait3A_227 = tpu.memref_squeeze %dma_wait3A_226 : memref<1x128xi32, #tpu.memory_space<vmem>> -> memref<128xi32, #tpu.memory_space<vmem>>
      %dma_wait3A_228 = arith.constant 0 : i32
      %dma_wait3A_229 = arith.constant 0 : i32
      %dma_wait3A_230 = tpu.memref_slice %arg2[%dma_wait3A_228, %dma_wait3A_229] : memref<10000x128xbf16, #tpu.memory_space<hbm>> -> memref<10000x128xbf16, #tpu.memory_space<hbm>>
      tpu.wait_indirect_dma semaphore(%arg18 : memref<!tpu.dma_semaphore, #tpu.memory_space<semaphore_mem>>) src(%dma_wait3A_230 : memref<10000x128xbf16, #tpu.memory_space<hbm>>) dst(%arg13 : memref<128x128xbf16, #tpu.memory_space<vmem>>)
      %dma_start3A_231 = arith.constant 1 : i32
      %dma_start3A_232 = arith.constant 0 : i32
      %dma_start3A_233 = tpu.memref_slice %arg9[%dma_start3A_231, %dma_start3A_232] : memref<2x128xi32, #tpu.memory_space<vmem>> -> memref<1x128xi32, #tpu.memory_space<vmem>>
      %dma_start3A_234 = tpu.memref_squeeze %dma_start3A_233 : memref<1x128xi32, #tpu.memory_space<vmem>> -> memref<128xi32, #tpu.memory_space<vmem>>
      %dma_start3A_235 = arith.constant 0 : i32
      %dma_start3A_236 = arith.constant 0 : i32
      %dma_start3A_237 = tpu.memref_slice %arg6[%dma_start3A_235, %dma_start3A_236] : memref<10240x128xbf16, #tpu.memory_space<vmem_shared>> -> memref<10240x128xbf16, #tpu.memory_space<vmem_shared>>
      tpu.enqueue_indirect_dma source(%arg13 : memref<128x128xbf16, #tpu.memory_space<vmem>>) target(%dma_start3A_237 : memref<10240x128xbf16, #tpu.memory_space<vmem_shared>>) offsets(%dma_start3A_234 : memref<128xi32, #tpu.memory_space<vmem>>) semaphore(%arg22 : memref<!tpu.dma_semaphore, #tpu.memory_space<semaphore_mem>>) {add = true}
      %get3A_238 = arith.constant 1 : i32
      %get3A_239 = arith.index_cast %get3A_238 : i32 to index
      %get3A_240 = arith.constant 0 : index
      %get3A_241 = tpu.vector_load %arg9[%get3A_239, %get3A_240] {strides = array<i32>} : memref<2x128xi32, #tpu.memory_space<vmem>>, vector<16xi32>,
      tpu.vector_store_idx %arg7[%get3A_241], %broadcast_in_dim3A_36 {add = true} : memref<10240xf32, #tpu.memory_space<vmem>>[vector<16xi32>], vector<16xf32>,
      %get3A_242 = arith.constant 1 : i32
      %get3A_243 = arith.index_cast %get3A_242 : i32 to index
      %get3A_244 = arith.constant 16 : index
      %get3A_245 = tpu.vector_load %arg9[%get3A_243, %get3A_244] {strides = array<i32>} : memref<2x128xi32, #tpu.memory_space<vmem>>, vector<16xi32>,
      tpu.vector_store_idx %arg7[%get3A_245], %broadcast_in_dim3A_36 {add = true} : memref<10240xf32, #tpu.memory_space<vmem>>[vector<16xi32>], vector<16xf32>,
      %get3A_246 = arith.constant 1 : i32
      %get3A_247 = arith.index_cast %get3A_246 : i32 to index
      %get3A_248 = arith.constant 32 : index
      %get3A_249 = tpu.vector_load %arg9[%get3A_247, %get3A_248] {strides = array<i32>} : memref<2x128xi32, #tpu.memory_space<vmem>>, vector<16xi32>,
      tpu.vector_store_idx %arg7[%get3A_249], %broadcast_in_dim3A_36 {add = true} : memref<10240xf32, #tpu.memory_space<vmem>>[vector<16xi32>], vector<16xf32>,
      %get3A_250 = arith.constant 1 : i32
      %get3A_251 = arith.index_cast %get3A_250 : i32 to index
      %get3A_252 = arith.constant 48 : index
      %get3A_253 = tpu.vector_load %arg9[%get3A_251, %get3A_252] {strides = array<i32>} : memref<2x128xi32, #tpu.memory_space<vmem>>, vector<16xi32>,
      tpu.vector_store_idx %arg7[%get3A_253], %broadcast_in_dim3A_36 {add = true} : memref<10240xf32, #tpu.memory_space<vmem>>[vector<16xi32>], vector<16xf32>,
      %get3A_254 = arith.constant 1 : i32
      %get3A_255 = arith.index_cast %get3A_254 : i32 to index
      %get3A_256 = arith.constant 64 : index
      %get3A_257 = tpu.vector_load %arg9[%get3A_255, %get3A_256] {strides = array<i32>} : memref<2x128xi32, #tpu.memory_space<vmem>>, vector<16xi32>,
      tpu.vector_store_idx %arg7[%get3A_257], %broadcast_in_dim3A_36 {add = true} : memref<10240xf32, #tpu.memory_space<vmem>>[vector<16xi32>], vector<16xf32>,
      %get3A_258 = arith.constant 1 : i32
      %get3A_259 = arith.index_cast %get3A_258 : i32 to index
      %get3A_260 = arith.constant 80 : index
      %get3A_261 = tpu.vector_load %arg9[%get3A_259, %get3A_260] {strides = array<i32>} : memref<2x128xi32, #tpu.memory_space<vmem>>, vector<16xi32>,
      tpu.vector_store_idx %arg7[%get3A_261], %broadcast_in_dim3A_36 {add = true} : memref<10240xf32, #tpu.memory_space<vmem>>[vector<16xi32>], vector<16xf32>,
      %get3A_262 = arith.constant 1 : i32
      %get3A_263 = arith.index_cast %get3A_262 : i32 to index
      %get3A_264 = arith.constant 96 : index
      %get3A_265 = tpu.vector_load %arg9[%get3A_263, %get3A_264] {strides = array<i32>} : memref<2x128xi32, #tpu.memory_space<vmem>>, vector<16xi32>,
      tpu.vector_store_idx %arg7[%get3A_265], %broadcast_in_dim3A_36 {add = true} : memref<10240xf32, #tpu.memory_space<vmem>>[vector<16xi32>], vector<16xf32>,
      %get3A_266 = arith.constant 1 : i32
      %get3A_267 = arith.index_cast %get3A_266 : i32 to index
      %get3A_268 = arith.constant 112 : index
      %get3A_269 = tpu.vector_load %arg9[%get3A_267, %get3A_268] {strides = array<i32>} : memref<2x128xi32, #tpu.memory_space<vmem>>, vector<16xi32>,
      tpu.vector_store_idx %arg7[%get3A_269], %broadcast_in_dim3A_36 {add = true} : memref<10240xf32, #tpu.memory_space<vmem>>[vector<16xi32>], vector<16xf32>,
      %add3A_270 = arith.constant 2 : i32
      %add3A_271 = arith.addi %add3A_223, %add3A_270 : i32
      %lt3A_272 = arith.cmpi slt, %add3A_271, %mul3A_34 : i32
      %convert_element_type3A_273 = arith.extui %lt3A_272 : i1 to i32
      %cond3A_274 = arith.constant 0 : i32
      %cond3A_275 = arith.cmpi ne, %convert_element_type3A_273, %cond3A_274 : i32
      scf.if %cond3A_275 {
        %ge3A = arith.constant 2 : i32
        %ge3A_388 = arith.cmpi sge, %add3A_223, %ge3A : i32
        %convert_element_type3A_389 = arith.extui %ge3A_388 : i1 to i32
        %cond3A_390 = arith.constant 0 : i32
        %cond3A_391 = arith.cmpi ne, %convert_element_type3A_389, %cond3A_390 : i32
        scf.if %cond3A_391 {
          %dma_wait3A_404 = arith.constant 1 : i32
          %dma_wait3A_405 = arith.constant 0 : i32
          %dma_wait3A_406 = tpu.memref_slice %arg11[%dma_wait3A_404, %dma_wait3A_405] : memref<2x128xi32, #tpu.memory_space<vmem>> -> memref<1x128xi32, #tpu.memory_space<vmem>>
          %dma_wait3A_407 = tpu.memref_squeeze %dma_wait3A_406 : memref<1x128xi32, #tpu.memory_space<vmem>> -> memref<128xi32, #tpu.memory_space<vmem>>
          %dma_wait3A_408 = arith.constant 0 : i32
          %dma_wait3A_409 = arith.constant 0 : i32
          %dma_wait3A_410 = tpu.memref_slice %arg6[%dma_wait3A_408, %dma_wait3A_409] : memref<10240x128xbf16, #tpu.memory_space<vmem_shared>> -> memref<10240x128xbf16, #tpu.memory_space<vmem_shared>>
          tpu.wait_indirect_dma semaphore(%arg24 : memref<!tpu.dma_semaphore, #tpu.memory_space<semaphore_mem>>) src(%arg15 : memref<128x128xbf16, #tpu.memory_space<vmem>>) dst(%dma_wait3A_410 : memref<10240x128xbf16, #tpu.memory_space<vmem_shared>>)
        } else {
        }
        %add3A_392 = arith.addi %add3A_28, %add3A_223 : i32
        %add3A_393 = arith.constant 2 : i32
        %add3A_394 = arith.addi %add3A_392, %add3A_393 : i32
        %mul3A_395 = arith.constant 128 : i32
        %mul3A_396 = arith.muli %add3A_394, %mul3A_395 : i32
        "tpu.region"() ({
          %run_scoped3A = tpu.sem_alloc : memref<!tpu.dma_semaphore, #tpu.memory_space<semaphore_mem>>
          %dma_start3A_404 = arith.constant 0 : i32
          %dma_start3A_405 = tpu.memref_slice %arg3[%dma_start3A_404, %mul3A_396] : memref<2x320000xi32, #tpu.memory_space<hbm>> -> memref<2x128xi32, #tpu.memory_space<hbm>>
          %dma_start3A_406 = arith.constant 0 : i32
          %dma_start3A_407 = tpu.memref_slice %arg3[%dma_start3A_406, %mul3A_396] : memref<2x320000xi32, #tpu.memory_space<hbm>> -> memref<2x128xi32, #tpu.memory_space<hbm>>
          tpu.enqueue_dma source(%dma_start3A_407 : memref<2x128xi32, #tpu.memory_space<hbm>>) target(%arg11 : memref<2x128xi32, #tpu.memory_space<vmem>>) target_semaphore(%run_scoped3A : memref<!tpu.dma_semaphore, #tpu.memory_space<semaphore_mem>>)
          %dma_wait3A_408 = arith.constant 0 : i32
          %dma_wait3A_409 = tpu.memref_slice %arg3[%dma_wait3A_408, %mul3A_396] : memref<2x320000xi32, #tpu.memory_space<hbm>> -> memref<2x128xi32, #tpu.memory_space<hbm>>
          %dma_wait3A_410 = arith.constant 0 : i32
          %dma_wait3A_411 = tpu.memref_slice %arg3[%dma_wait3A_410, %mul3A_396] : memref<2x320000xi32, #tpu.memory_space<hbm>> -> memref<2x128xi32, #tpu.memory_space<hbm>>
          tpu.wait_dma2 semaphore(%run_scoped3A : memref<!tpu.dma_semaphore, #tpu.memory_space<semaphore_mem>>) src(%dma_wait3A_411 : memref<2x128xi32, #tpu.memory_space<hbm>>) dst(%arg11 : memref<2x128xi32, #tpu.memory_space<vmem>>)
          tpu.yield
        }) : () -> ()
        %dma_start3A_397 = arith.constant 0 : i32
        %dma_start3A_398 = arith.constant 0 : i32
        %dma_start3A_399 = tpu.memref_slice %arg11[%dma_start3A_397, %dma_start3A_398] : memref<2x128xi32, #tpu.memory_space<vmem>> -> memref<1x128xi32, #tpu.memory_space<vmem>>
        %dma_start3A_400 = tpu.memref_squeeze %dma_start3A_399 : memref<1x128xi32, #tpu.memory_space<vmem>> -> memref<128xi32, #tpu.memory_space<vmem>>
        %dma_start3A_401 = arith.constant 0 : i32
        %dma_start3A_402 = arith.constant 0 : i32
        %dma_start3A_403 = tpu.memref_slice %arg2[%dma_start3A_401, %dma_start3A_402] : memref<10000x128xbf16, #tpu.memory_space<hbm>> -> memref<10000x128xbf16, #tpu.memory_space<hbm>>
        tpu.enqueue_indirect_dma source(%dma_start3A_403 : memref<10000x128xbf16, #tpu.memory_space<hbm>>) target(%arg15 : memref<128x128xbf16, #tpu.memory_space<vmem>>) offsets(%dma_start3A_400 : memref<128xi32, #tpu.memory_space<vmem>>) semaphore(%arg20 : memref<!tpu.dma_semaphore, #tpu.memory_space<semaphore_mem>>)
      } else {
      }
      %mul3A_276 = arith.constant 4 : i32
      %mul3A_277 = arith.muli %while3A_166, %mul3A_276 : i32
      %add3A_278 = arith.constant 2 : i32
      %add3A_279 = arith.addi %mul3A_277, %add3A_278 : i32
      %dma_wait3A_280 = arith.constant 0 : i32
      %dma_wait3A_281 = arith.constant 0 : i32
      %dma_wait3A_282 = tpu.memref_slice %arg10[%dma_wait3A_280, %dma_wait3A_281] : memref<2x128xi32, #tpu.memory_space<vmem>> -> memref<1x128xi32, #tpu.memory_space<vmem>>
      %dma_wait3A_283 = tpu.memref_squeeze %dma_wait3A_282 : memref<1x128xi32, #tpu.memory_space<vmem>> -> memref<128xi32, #tpu.memory_space<vmem>>
      %dma_wait3A_284 = arith.constant 0 : i32
      %dma_wait3A_285 = arith.constant 0 : i32
      %dma_wait3A_286 = tpu.memref_slice %arg2[%dma_wait3A_284, %dma_wait3A_285] : memref<10000x128xbf16, #tpu.memory_space<hbm>> -> memref<10000x128xbf16, #tpu.memory_space<hbm>>
      tpu.wait_indirect_dma semaphore(%arg19 : memref<!tpu.dma_semaphore, #tpu.memory_space<semaphore_mem>>) src(%dma_wait3A_286 : memref<10000x128xbf16, #tpu.memory_space<hbm>>) dst(%arg14 : memref<128x128xbf16, #tpu.memory_space<vmem>>)
      %dma_start3A_287 = arith.constant 1 : i32
      %dma_start3A_288 = arith.constant 0 : i32
      %dma_start3A_289 = tpu.memref_slice %arg10[%dma_start3A_287, %dma_start3A_288] : memref<2x128xi32, #tpu.memory_space<vmem>> -> memref<1x128xi32, #tpu.memory_space<vmem>>
      %dma_start3A_290 = tpu.memref_squeeze %dma_start3A_289 : memref<1x128xi32, #tpu.memory_space<vmem>> -> memref<128xi32, #tpu.memory_space<vmem>>
      %dma_start3A_291 = arith.constant 0 : i32
      %dma_start3A_292 = arith.constant 0 : i32
      %dma_start3A_293 = tpu.memref_slice %arg6[%dma_start3A_291, %dma_start3A_292] : memref<10240x128xbf16, #tpu.memory_space<vmem_shared>> -> memref<10240x128xbf16, #tpu.memory_space<vmem_shared>>
      tpu.enqueue_indirect_dma source(%arg14 : memref<128x128xbf16, #tpu.memory_space<vmem>>) target(%dma_start3A_293 : memref<10240x128xbf16, #tpu.memory_space<vmem_shared>>) offsets(%dma_start3A_290 : memref<128xi32, #tpu.memory_space<vmem>>) semaphore(%arg23 : memref<!tpu.dma_semaphore, #tpu.memory_space<semaphore_mem>>) {add = true}
      %get3A_294 = arith.constant 1 : i32
      %get3A_295 = arith.index_cast %get3A_294 : i32 to index
      %get3A_296 = arith.constant 0 : index
      %get3A_297 = tpu.vector_load %arg10[%get3A_295, %get3A_296] {strides = array<i32>} : memref<2x128xi32, #tpu.memory_space<vmem>>, vector<16xi32>,
      tpu.vector_store_idx %arg7[%get3A_297], %broadcast_in_dim3A_36 {add = true} : memref<10240xf32, #tpu.memory_space<vmem>>[vector<16xi32>], vector<16xf32>,
      %get3A_298 = arith.constant 1 : i32
      %get3A_299 = arith.index_cast %get3A_298 : i32 to index
      %get3A_300 = arith.constant 16 : index
      %get3A_301 = tpu.vector_load %arg10[%get3A_299, %get3A_300] {strides = array<i32>} : memref<2x128xi32, #tpu.memory_space<vmem>>, vector<16xi32>,
      tpu.vector_store_idx %arg7[%get3A_301], %broadcast_in_dim3A_36 {add = true} : memref<10240xf32, #tpu.memory_space<vmem>>[vector<16xi32>], vector<16xf32>,
      %get3A_302 = arith.constant 1 : i32
      %get3A_303 = arith.index_cast %get3A_302 : i32 to index
      %get3A_304 = arith.constant 32 : index
      %get3A_305 = tpu.vector_load %arg10[%get3A_303, %get3A_304] {strides = array<i32>} : memref<2x128xi32, #tpu.memory_space<vmem>>, vector<16xi32>,
      tpu.vector_store_idx %arg7[%get3A_305], %broadcast_in_dim3A_36 {add = true} : memref<10240xf32, #tpu.memory_space<vmem>>[vector<16xi32>], vector<16xf32>,
      %get3A_306 = arith.constant 1 : i32
      %get3A_307 = arith.index_cast %get3A_306 : i32 to index
      %get3A_308 = arith.constant 48 : index
      %get3A_309 = tpu.vector_load %arg10[%get3A_307, %get3A_308] {strides = array<i32>} : memref<2x128xi32, #tpu.memory_space<vmem>>, vector<16xi32>,
      tpu.vector_store_idx %arg7[%get3A_309], %broadcast_in_dim3A_36 {add = true} : memref<10240xf32, #tpu.memory_space<vmem>>[vector<16xi32>], vector<16xf32>,
      %get3A_310 = arith.constant 1 : i32
      %get3A_311 = arith.index_cast %get3A_310 : i32 to index
      %get3A_312 = arith.constant 64 : index
      %get3A_313 = tpu.vector_load %arg10[%get3A_311, %get3A_312] {strides = array<i32>} : memref<2x128xi32, #tpu.memory_space<vmem>>, vector<16xi32>,
      tpu.vector_store_idx %arg7[%get3A_313], %broadcast_in_dim3A_36 {add = true} : memref<10240xf32, #tpu.memory_space<vmem>>[vector<16xi32>], vector<16xf32>,
      %get3A_314 = arith.constant 1 : i32
      %get3A_315 = arith.index_cast %get3A_314 : i32 to index
      %get3A_316 = arith.constant 80 : index
      %get3A_317 = tpu.vector_load %arg10[%get3A_315, %get3A_316] {strides = array<i32>} : memref<2x128xi32, #tpu.memory_space<vmem>>, vector<16xi32>,
      tpu.vector_store_idx %arg7[%get3A_317], %broadcast_in_dim3A_36 {add = true} : memref<10240xf32, #tpu.memory_space<vmem>>[vector<16xi32>], vector<16xf32>,
      %get3A_318 = arith.constant 1 : i32
      %get3A_319 = arith.index_cast %get3A_318 : i32 to index
      %get3A_320 = arith.constant 96 : index
      %get3A_321 = tpu.vector_load %arg10[%get3A_319, %get3A_320] {strides = array<i32>} : memref<2x128xi32, #tpu.memory_space<vmem>>, vector<16xi32>,
      tpu.vector_store_idx %arg7[%get3A_321], %broadcast_in_dim3A_36 {add = true} : memref<10240xf32, #tpu.memory_space<vmem>>[vector<16xi32>], vector<16xf32>,
      %get3A_322 = arith.constant 1 : i32
      %get3A_323 = arith.index_cast %get3A_322 : i32 to index
      %get3A_324 = arith.constant 112 : index
      %get3A_325 = tpu.vector_load %arg10[%get3A_323, %get3A_324] {strides = array<i32>} : memref<2x128xi32, #tpu.memory_space<vmem>>, vector<16xi32>,
      tpu.vector_store_idx %arg7[%get3A_325], %broadcast_in_dim3A_36 {add = true} : memref<10240xf32, #tpu.memory_space<vmem>>[vector<16xi32>], vector<16xf32>,
      %add3A_326 = arith.constant 2 : i32
      %add3A_327 = arith.addi %add3A_279, %add3A_326 : i32
      %lt3A_328 = arith.cmpi slt, %add3A_327, %mul3A_34 : i32
      %convert_element_type3A_329 = arith.extui %lt3A_328 : i1 to i32
      %cond3A_330 = arith.constant 0 : i32
      %cond3A_331 = arith.cmpi ne, %convert_element_type3A_329, %cond3A_330 : i32
      scf.if %cond3A_331 {
        %ge3A = arith.constant 2 : i32
        %ge3A_388 = arith.cmpi sge, %add3A_279, %ge3A : i32
        %convert_element_type3A_389 = arith.extui %ge3A_388 : i1 to i32
        %cond3A_390 = arith.constant 0 : i32
        %cond3A_391 = arith.cmpi ne, %convert_element_type3A_389, %cond3A_390 : i32
        scf.if %cond3A_391 {
          %dma_wait3A_404 = arith.constant 1 : i32
          %dma_wait3A_405 = arith.constant 0 : i32
          %dma_wait3A_406 = tpu.memref_slice %arg8[%dma_wait3A_404, %dma_wait3A_405] : memref<2x128xi32, #tpu.memory_space<vmem>> -> memref<1x128xi32, #tpu.memory_space<vmem>>
          %dma_wait3A_407 = tpu.memref_squeeze %dma_wait3A_406 : memref<1x128xi32, #tpu.memory_space<vmem>> -> memref<128xi32, #tpu.memory_space<vmem>>
          %dma_wait3A_408 = arith.constant 0 : i32
          %dma_wait3A_409 = arith.constant 0 : i32
          %dma_wait3A_410 = tpu.memref_slice %arg6[%dma_wait3A_408, %dma_wait3A_409] : memref<10240x128xbf16, #tpu.memory_space<vmem_shared>> -> memref<10240x128xbf16, #tpu.memory_space<vmem_shared>>
          tpu.wait_indirect_dma semaphore(%arg21 : memref<!tpu.dma_semaphore, #tpu.memory_space<semaphore_mem>>) src(%arg12 : memref<128x128xbf16, #tpu.memory_space<vmem>>) dst(%dma_wait3A_410 : memref<10240x128xbf16, #tpu.memory_space<vmem_shared>>)
        } else {
        }
        %add3A_392 = arith.addi %add3A_28, %add3A_279 : i32
        %add3A_393 = arith.constant 2 : i32
        %add3A_394 = arith.addi %add3A_392, %add3A_393 : i32
        %mul3A_395 = arith.constant 128 : i32
        %mul3A_396 = arith.muli %add3A_394, %mul3A_395 : i32
        "tpu.region"() ({
          %run_scoped3A = tpu.sem_alloc : memref<!tpu.dma_semaphore, #tpu.memory_space<semaphore_mem>>
          %dma_start3A_404 = arith.constant 0 : i32
          %dma_start3A_405 = tpu.memref_slice %arg3[%dma_start3A_404, %mul3A_396] : memref<2x320000xi32, #tpu.memory_space<hbm>> -> memref<2x128xi32, #tpu.memory_space<hbm>>
          %dma_start3A_406 = arith.constant 0 : i32
          %dma_start3A_407 = tpu.memref_slice %arg3[%dma_start3A_406, %mul3A_396] : memref<2x320000xi32, #tpu.memory_space<hbm>> -> memref<2x128xi32, #tpu.memory_space<hbm>>
          tpu.enqueue_dma source(%dma_start3A_407 : memref<2x128xi32, #tpu.memory_space<hbm>>) target(%arg8 : memref<2x128xi32, #tpu.memory_space<vmem>>) target_semaphore(%run_scoped3A : memref<!tpu.dma_semaphore, #tpu.memory_space<semaphore_mem>>)
          %dma_wait3A_408 = arith.constant 0 : i32
          %dma_wait3A_409 = tpu.memref_slice %arg3[%dma_wait3A_408, %mul3A_396] : memref<2x320000xi32, #tpu.memory_space<hbm>> -> memref<2x128xi32, #tpu.memory_space<hbm>>
          %dma_wait3A_410 = arith.constant 0 : i32
          %dma_wait3A_411 = tpu.memref_slice %arg3[%dma_wait3A_410, %mul3A_396] : memref<2x320000xi32, #tpu.memory_space<hbm>> -> memref<2x128xi32, #tpu.memory_space<hbm>>
          tpu.wait_dma2 semaphore(%run_scoped3A : memref<!tpu.dma_semaphore, #tpu.memory_space<semaphore_mem>>) src(%dma_wait3A_411 : memref<2x128xi32, #tpu.memory_space<hbm>>) dst(%arg8 : memref<2x128xi32, #tpu.memory_space<vmem>>)
          tpu.yield
        }) : () -> ()
        %dma_start3A_397 = arith.constant 0 : i32
        %dma_start3A_398 = arith.constant 0 : i32
        %dma_start3A_399 = tpu.memref_slice %arg8[%dma_start3A_397, %dma_start3A_398] : memref<2x128xi32, #tpu.memory_space<vmem>> -> memref<1x128xi32, #tpu.memory_space<vmem>>
        %dma_start3A_400 = tpu.memref_squeeze %dma_start3A_399 : memref<1x128xi32, #tpu.memory_space<vmem>> -> memref<128xi32, #tpu.memory_space<vmem>>
        %dma_start3A_401 = arith.constant 0 : i32
        %dma_start3A_402 = arith.constant 0 : i32
        %dma_start3A_403 = tpu.memref_slice %arg2[%dma_start3A_401, %dma_start3A_402] : memref<10000x128xbf16, #tpu.memory_space<hbm>> -> memref<10000x128xbf16, #tpu.memory_space<hbm>>
        tpu.enqueue_indirect_dma source(%dma_start3A_403 : memref<10000x128xbf16, #tpu.memory_space<hbm>>) target(%arg12 : memref<128x128xbf16, #tpu.memory_space<vmem>>) offsets(%dma_start3A_400 : memref<128xi32, #tpu.memory_space<vmem>>) semaphore(%arg17 : memref<!tpu.dma_semaphore, #tpu.memory_space<semaphore_mem>>)
      } else {
      }
      %mul3A_332 = arith.constant 4 : i32
      %mul3A_333 = arith.muli %while3A_166, %mul3A_332 : i32
      %add3A_334 = arith.constant 3 : i32
      %add3A_335 = arith.addi %mul3A_333, %add3A_334 : i32
      %dma_wait3A_336 = arith.constant 0 : i32
      %dma_wait3A_337 = arith.constant 0 : i32
      %dma_wait3A_338 = tpu.memref_slice %arg11[%dma_wait3A_336, %dma_wait3A_337] : memref<2x128xi32, #tpu.memory_space<vmem>> -> memref<1x128xi32, #tpu.memory_space<vmem>>
      %dma_wait3A_339 = tpu.memref_squeeze %dma_wait3A_338 : memref<1x128xi32, #tpu.memory_space<vmem>> -> memref<128xi32, #tpu.memory_space<vmem>>
      %dma_wait3A_340 = arith.constant 0 : i32
      %dma_wait3A_341 = arith.constant 0 : i32
      %dma_wait3A_342 = tpu.memref_slice %arg2[%dma_wait3A_340, %dma_wait3A_341] : memref<10000x128xbf16, #tpu.memory_space<hbm>> -> memref<10000x128xbf16, #tpu.memory_space<hbm>>
      tpu.wait_indirect_dma semaphore(%arg20 : memref<!tpu.dma_semaphore, #tpu.memory_space<semaphore_mem>>) src(%dma_wait3A_342 : memref<10000x128xbf16, #tpu.memory_space<hbm>>) dst(%arg15 : memref<128x128xbf16, #tpu.memory_space<vmem>>)
      %dma_start3A_343 = arith.constant 1 : i32
      %dma_start3A_344 = arith.constant 0 : i32
      %dma_start3A_345 = tpu.memref_slice %arg11[%dma_start3A_343, %dma_start3A_344] : memref<2x128xi32, #tpu.memory_space<vmem>> -> memref<1x128xi32, #tpu.memory_space<vmem>>
      %dma_start3A_346 = tpu.memref_squeeze %dma_start3A_345 : memref<1x128xi32, #tpu.memory_space<vmem>> -> memref<128xi32, #tpu.memory_space<vmem>>
      %dma_start3A_347 = arith.constant 0 : i32
      %dma_start3A_348 = arith.constant 0 : i32
      %dma_start3A_349 = tpu.memref_slice %arg6[%dma_start3A_347, %dma_start3A_348] : memref<10240x128xbf16, #tpu.memory_space<vmem_shared>> -> memref<10240x128xbf16, #tpu.memory_space<vmem_shared>>
      tpu.enqueue_indirect_dma source(%arg15 : memref<128x128xbf16, #tpu.memory_space<vmem>>) target(%dma_start3A_349 : memref<10240x128xbf16, #tpu.memory_space<vmem_shared>>) offsets(%dma_start3A_346 : memref<128xi32, #tpu.memory_space<vmem>>) semaphore(%arg24 : memref<!tpu.dma_semaphore, #tpu.memory_space<semaphore_mem>>) {add = true}
      %get3A_350 = arith.constant 1 : i32
      %get3A_351 = arith.index_cast %get3A_350 : i32 to index
      %get3A_352 = arith.constant 0 : index
      %get3A_353 = tpu.vector_load %arg11[%get3A_351, %get3A_352] {strides = array<i32>} : memref<2x128xi32, #tpu.memory_space<vmem>>, vector<16xi32>,
      tpu.vector_store_idx %arg7[%get3A_353], %broadcast_in_dim3A_36 {add = true} : memref<10240xf32, #tpu.memory_space<vmem>>[vector<16xi32>], vector<16xf32>,
      %get3A_354 = arith.constant 1 : i32
      %get3A_355 = arith.index_cast %get3A_354 : i32 to index
      %get3A_356 = arith.constant 16 : index
      %get3A_357 = tpu.vector_load %arg11[%get3A_355, %get3A_356] {strides = array<i32>} : memref<2x128xi32, #tpu.memory_space<vmem>>, vector<16xi32>,
      tpu.vector_store_idx %arg7[%get3A_357], %broadcast_in_dim3A_36 {add = true} : memref<10240xf32, #tpu.memory_space<vmem>>[vector<16xi32>], vector<16xf32>,
      %get3A_358 = arith.constant 1 : i32
      %get3A_359 = arith.index_cast %get3A_358 : i32 to index
      %get3A_360 = arith.constant 32 : index
      %get3A_361 = tpu.vector_load %arg11[%get3A_359, %get3A_360] {strides = array<i32>} : memref<2x128xi32, #tpu.memory_space<vmem>>, vector<16xi32>,
      tpu.vector_store_idx %arg7[%get3A_361], %broadcast_in_dim3A_36 {add = true} : memref<10240xf32, #tpu.memory_space<vmem>>[vector<16xi32>], vector<16xf32>,
      %get3A_362 = arith.constant 1 : i32
      %get3A_363 = arith.index_cast %get3A_362 : i32 to index
      %get3A_364 = arith.constant 48 : index
      %get3A_365 = tpu.vector_load %arg11[%get3A_363, %get3A_364] {strides = array<i32>} : memref<2x128xi32, #tpu.memory_space<vmem>>, vector<16xi32>,
      tpu.vector_store_idx %arg7[%get3A_365], %broadcast_in_dim3A_36 {add = true} : memref<10240xf32, #tpu.memory_space<vmem>>[vector<16xi32>], vector<16xf32>,
      %get3A_366 = arith.constant 1 : i32
      %get3A_367 = arith.index_cast %get3A_366 : i32 to index
      %get3A_368 = arith.constant 64 : index
      %get3A_369 = tpu.vector_load %arg11[%get3A_367, %get3A_368] {strides = array<i32>} : memref<2x128xi32, #tpu.memory_space<vmem>>, vector<16xi32>,
      tpu.vector_store_idx %arg7[%get3A_369], %broadcast_in_dim3A_36 {add = true} : memref<10240xf32, #tpu.memory_space<vmem>>[vector<16xi32>], vector<16xf32>,
      %get3A_370 = arith.constant 1 : i32
      %get3A_371 = arith.index_cast %get3A_370 : i32 to index
      %get3A_372 = arith.constant 80 : index
      %get3A_373 = tpu.vector_load %arg11[%get3A_371, %get3A_372] {strides = array<i32>} : memref<2x128xi32, #tpu.memory_space<vmem>>, vector<16xi32>,
      tpu.vector_store_idx %arg7[%get3A_373], %broadcast_in_dim3A_36 {add = true} : memref<10240xf32, #tpu.memory_space<vmem>>[vector<16xi32>], vector<16xf32>,
      %get3A_374 = arith.constant 1 : i32
      %get3A_375 = arith.index_cast %get3A_374 : i32 to index
      %get3A_376 = arith.constant 96 : index
      %get3A_377 = tpu.vector_load %arg11[%get3A_375, %get3A_376] {strides = array<i32>} : memref<2x128xi32, #tpu.memory_space<vmem>>, vector<16xi32>,
      tpu.vector_store_idx %arg7[%get3A_377], %broadcast_in_dim3A_36 {add = true} : memref<10240xf32, #tpu.memory_space<vmem>>[vector<16xi32>], vector<16xf32>,
      %get3A_378 = arith.constant 1 : i32
      %get3A_379 = arith.index_cast %get3A_378 : i32 to index
      %get3A_380 = arith.constant 112 : index
      %get3A_381 = tpu.vector_load %arg11[%get3A_379, %get3A_380] {strides = array<i32>} : memref<2x128xi32, #tpu.memory_space<vmem>>, vector<16xi32>,
      tpu.vector_store_idx %arg7[%get3A_381], %broadcast_in_dim3A_36 {add = true} : memref<10240xf32, #tpu.memory_space<vmem>>[vector<16xi32>], vector<16xf32>,
      %add3A_382 = arith.constant 2 : i32
      %add3A_383 = arith.addi %add3A_335, %add3A_382 : i32
      %lt3A_384 = arith.cmpi slt, %add3A_383, %mul3A_34 : i32
      %convert_element_type3A_385 = arith.extui %lt3A_384 : i1 to i32
      %cond3A_386 = arith.constant 0 : i32
      %cond3A_387 = arith.cmpi ne, %convert_element_type3A_385, %cond3A_386 : i32
      scf.if %cond3A_387 {
        %ge3A = arith.constant 2 : i32
        %ge3A_388 = arith.cmpi sge, %add3A_335, %ge3A : i32
        %convert_element_type3A_389 = arith.extui %ge3A_388 : i1 to i32
        %cond3A_390 = arith.constant 0 : i32
        %cond3A_391 = arith.cmpi ne, %convert_element_type3A_389, %cond3A_390 : i32
        scf.if %cond3A_391 {
          %dma_wait3A_404 = arith.constant 1 : i32
          %dma_wait3A_405 = arith.constant 0 : i32
          %dma_wait3A_406 = tpu.memref_slice %arg9[%dma_wait3A_404, %dma_wait3A_405] : memref<2x128xi32, #tpu.memory_space<vmem>> -> memref<1x128xi32, #tpu.memory_space<vmem>>
          %dma_wait3A_407 = tpu.memref_squeeze %dma_wait3A_406 : memref<1x128xi32, #tpu.memory_space<vmem>> -> memref<128xi32, #tpu.memory_space<vmem>>
          %dma_wait3A_408 = arith.constant 0 : i32
          %dma_wait3A_409 = arith.constant 0 : i32
          %dma_wait3A_410 = tpu.memref_slice %arg6[%dma_wait3A_408, %dma_wait3A_409] : memref<10240x128xbf16, #tpu.memory_space<vmem_shared>> -> memref<10240x128xbf16, #tpu.memory_space<vmem_shared>>
          tpu.wait_indirect_dma semaphore(%arg22 : memref<!tpu.dma_semaphore, #tpu.memory_space<semaphore_mem>>) src(%arg13 : memref<128x128xbf16, #tpu.memory_space<vmem>>) dst(%dma_wait3A_410 : memref<10240x128xbf16, #tpu.memory_space<vmem_shared>>)
        } else {
        }
        %add3A_392 = arith.addi %add3A_28, %add3A_335 : i32
        %add3A_393 = arith.constant 2 : i32
        %add3A_394 = arith.addi %add3A_392, %add3A_393 : i32
        %mul3A_395 = arith.constant 128 : i32
        %mul3A_396 = arith.muli %add3A_394, %mul3A_395 : i32
        "tpu.region"() ({
          %run_scoped3A = tpu.sem_alloc : memref<!tpu.dma_semaphore, #tpu.memory_space<semaphore_mem>>
          %dma_start3A_404 = arith.constant 0 : i32
          %dma_start3A_405 = tpu.memref_slice %arg3[%dma_start3A_404, %mul3A_396] : memref<2x320000xi32, #tpu.memory_space<hbm>> -> memref<2x128xi32, #tpu.memory_space<hbm>>
          %dma_start3A_406 = arith.constant 0 : i32
          %dma_start3A_407 = tpu.memref_slice %arg3[%dma_start3A_406, %mul3A_396] : memref<2x320000xi32, #tpu.memory_space<hbm>> -> memref<2x128xi32, #tpu.memory_space<hbm>>
          tpu.enqueue_dma source(%dma_start3A_407 : memref<2x128xi32, #tpu.memory_space<hbm>>) target(%arg9 : memref<2x128xi32, #tpu.memory_space<vmem>>) target_semaphore(%run_scoped3A : memref<!tpu.dma_semaphore, #tpu.memory_space<semaphore_mem>>)
          %dma_wait3A_408 = arith.constant 0 : i32
          %dma_wait3A_409 = tpu.memref_slice %arg3[%dma_wait3A_408, %mul3A_396] : memref<2x320000xi32, #tpu.memory_space<hbm>> -> memref<2x128xi32, #tpu.memory_space<hbm>>
          %dma_wait3A_410 = arith.constant 0 : i32
          %dma_wait3A_411 = tpu.memref_slice %arg3[%dma_wait3A_410, %mul3A_396] : memref<2x320000xi32, #tpu.memory_space<hbm>> -> memref<2x128xi32, #tpu.memory_space<hbm>>
          tpu.wait_dma2 semaphore(%run_scoped3A : memref<!tpu.dma_semaphore, #tpu.memory_space<semaphore_mem>>) src(%dma_wait3A_411 : memref<2x128xi32, #tpu.memory_space<hbm>>) dst(%arg9 : memref<2x128xi32, #tpu.memory_space<vmem>>)
          tpu.yield
        }) : () -> ()
        %dma_start3A_397 = arith.constant 0 : i32
        %dma_start3A_398 = arith.constant 0 : i32
        %dma_start3A_399 = tpu.memref_slice %arg9[%dma_start3A_397, %dma_start3A_398] : memref<2x128xi32, #tpu.memory_space<vmem>> -> memref<1x128xi32, #tpu.memory_space<vmem>>
        %dma_start3A_400 = tpu.memref_squeeze %dma_start3A_399 : memref<1x128xi32, #tpu.memory_space<vmem>> -> memref<128xi32, #tpu.memory_space<vmem>>
        %dma_start3A_401 = arith.constant 0 : i32
        %dma_start3A_402 = arith.constant 0 : i32
        %dma_start3A_403 = tpu.memref_slice %arg2[%dma_start3A_401, %dma_start3A_402] : memref<10000x128xbf16, #tpu.memory_space<hbm>> -> memref<10000x128xbf16, #tpu.memory_space<hbm>>
        tpu.enqueue_indirect_dma source(%dma_start3A_403 : memref<10000x128xbf16, #tpu.memory_space<hbm>>) target(%arg13 : memref<128x128xbf16, #tpu.memory_space<vmem>>) offsets(%dma_start3A_400 : memref<128xi32, #tpu.memory_space<vmem>>) semaphore(%arg18 : memref<!tpu.dma_semaphore, #tpu.memory_space<semaphore_mem>>)
      } else {
      }
    }
    %while3A_79 = arith.constant 1 : i32
    scf.for %while3A_166 = %while3A_77 to %while3A_73 step %while3A_79  : i32 {
      %mul3A_167 = arith.constant 4 : i32
      %mul3A_168 = arith.muli %while3A_166, %mul3A_167 : i32
      %add3A_169 = arith.constant 0 : i32
      %add3A_170 = arith.addi %mul3A_168, %add3A_169 : i32
      %dma_wait3A_171 = arith.constant 0 : i32
      %dma_wait3A_172 = arith.constant 0 : i32
      %dma_wait3A_173 = tpu.memref_slice %arg8[%dma_wait3A_171, %dma_wait3A_172] : memref<2x128xi32, #tpu.memory_space<vmem>> -> memref<1x128xi32, #tpu.memory_space<vmem>>
      %dma_wait3A_174 = tpu.memref_squeeze %dma_wait3A_173 : memref<1x128xi32, #tpu.memory_space<vmem>> -> memref<128xi32, #tpu.memory_space<vmem>>
      %dma_wait3A_175 = arith.constant 0 : i32
      %dma_wait3A_176 = arith.constant 0 : i32
      %dma_wait3A_177 = tpu.memref_slice %arg2[%dma_wait3A_175, %dma_wait3A_176] : memref<10000x128xbf16, #tpu.memory_space<hbm>> -> memref<10000x128xbf16, #tpu.memory_space<hbm>>
      tpu.wait_indirect_dma semaphore(%arg17 : memref<!tpu.dma_semaphore, #tpu.memory_space<semaphore_mem>>) src(%dma_wait3A_177 : memref<10000x128xbf16, #tpu.memory_space<hbm>>) dst(%arg12 : memref<128x128xbf16, #tpu.memory_space<vmem>>)
      %dma_start3A_178 = arith.constant 1 : i32
      %dma_start3A_179 = arith.constant 0 : i32
      %dma_start3A_180 = tpu.memref_slice %arg8[%dma_start3A_178, %dma_start3A_179] : memref<2x128xi32, #tpu.memory_space<vmem>> -> memref<1x128xi32, #tpu.memory_space<vmem>>
      %dma_start3A_181 = tpu.memref_squeeze %dma_start3A_180 : memref<1x128xi32, #tpu.memory_space<vmem>> -> memref<128xi32, #tpu.memory_space<vmem>>
      %dma_start3A_182 = arith.constant 0 : i32
      %dma_start3A_183 = arith.constant 0 : i32
      %dma_start3A_184 = tpu.memref_slice %arg6[%dma_start3A_182, %dma_start3A_183] : memref<10240x128xbf16, #tpu.memory_space<vmem_shared>> -> memref<10240x128xbf16, #tpu.memory_space<vmem_shared>>
      tpu.enqueue_indirect_dma source(%arg12 : memref<128x128xbf16, #tpu.memory_space<vmem>>) target(%dma_start3A_184 : memref<10240x128xbf16, #tpu.memory_space<vmem_shared>>) offsets(%dma_start3A_181 : memref<128xi32, #tpu.memory_space<vmem>>) semaphore(%arg21 : memref<!tpu.dma_semaphore, #tpu.memory_space<semaphore_mem>>) {add = true}
      %get3A = arith.constant 1 : i32
      %get3A_185 = arith.index_cast %get3A : i32 to index
      %get3A_186 = arith.constant 0 : index
      %get3A_187 = tpu.vector_load %arg8[%get3A_185, %get3A_186] {strides = array<i32>} : memref<2x128xi32, #tpu.memory_space<vmem>>, vector<16xi32>,
      tpu.vector_store_idx %arg7[%get3A_187], %broadcast_in_dim3A_36 {add = true} : memref<10240xf32, #tpu.memory_space<vmem>>[vector<16xi32>], vector<16xf32>,
      %get3A_188 = arith.constant 1 : i32
      %get3A_189 = arith.index_cast %get3A_188 : i32 to index
      %get3A_190 = arith.constant 16 : index
      %get3A_191 = tpu.vector_load %arg8[%get3A_189, %get3A_190] {strides = array<i32>} : memref<2x128xi32, #tpu.memory_space<vmem>>, vector<16xi32>,
      tpu.vector_store_idx %arg7[%get3A_191], %broadcast_in_dim3A_36 {add = true} : memref<10240xf32, #tpu.memory_space<vmem>>[vector<16xi32>], vector<16xf32>,
      %get3A_192 = arith.constant 1 : i32
      %get3A_193 = arith.index_cast %get3A_192 : i32 to index
      %get3A_194 = arith.constant 32 : index
      %get3A_195 = tpu.vector_load %arg8[%get3A_193, %get3A_194] {strides = array<i32>} : memref<2x128xi32, #tpu.memory_space<vmem>>, vector<16xi32>,
      tpu.vector_store_idx %arg7[%get3A_195], %broadcast_in_dim3A_36 {add = true} : memref<10240xf32, #tpu.memory_space<vmem>>[vector<16xi32>], vector<16xf32>,
      %get3A_196 = arith.constant 1 : i32
      %get3A_197 = arith.index_cast %get3A_196 : i32 to index
      %get3A_198 = arith.constant 48 : index
      %get3A_199 = tpu.vector_load %arg8[%get3A_197, %get3A_198] {strides = array<i32>} : memref<2x128xi32, #tpu.memory_space<vmem>>, vector<16xi32>,
      tpu.vector_store_idx %arg7[%get3A_199], %broadcast_in_dim3A_36 {add = true} : memref<10240xf32, #tpu.memory_space<vmem>>[vector<16xi32>], vector<16xf32>,
      %get3A_200 = arith.constant 1 : i32
      %get3A_201 = arith.index_cast %get3A_200 : i32 to index
      %get3A_202 = arith.constant 64 : index
      %get3A_203 = tpu.vector_load %arg8[%get3A_201, %get3A_202] {strides = array<i32>} : memref<2x128xi32, #tpu.memory_space<vmem>>, vector<16xi32>,
      tpu.vector_store_idx %arg7[%get3A_203], %broadcast_in_dim3A_36 {add = true} : memref<10240xf32, #tpu.memory_space<vmem>>[vector<16xi32>], vector<16xf32>,
      %get3A_204 = arith.constant 1 : i32
      %get3A_205 = arith.index_cast %get3A_204 : i32 to index
      %get3A_206 = arith.constant 80 : index
      %get3A_207 = tpu.vector_load %arg8[%get3A_205, %get3A_206] {strides = array<i32>} : memref<2x128xi32, #tpu.memory_space<vmem>>, vector<16xi32>,
      tpu.vector_store_idx %arg7[%get3A_207], %broadcast_in_dim3A_36 {add = true} : memref<10240xf32, #tpu.memory_space<vmem>>[vector<16xi32>], vector<16xf32>,
      %get3A_208 = arith.constant 1 : i32
      %get3A_209 = arith.index_cast %get3A_208 : i32 to index
      %get3A_210 = arith.constant 96 : index
      %get3A_211 = tpu.vector_load %arg8[%get3A_209, %get3A_210] {strides = array<i32>} : memref<2x128xi32, #tpu.memory_space<vmem>>, vector<16xi32>,
      tpu.vector_store_idx %arg7[%get3A_211], %broadcast_in_dim3A_36 {add = true} : memref<10240xf32, #tpu.memory_space<vmem>>[vector<16xi32>], vector<16xf32>,
      %get3A_212 = arith.constant 1 : i32
      %get3A_213 = arith.index_cast %get3A_212 : i32 to index
      %get3A_214 = arith.constant 112 : index
      %get3A_215 = tpu.vector_load %arg8[%get3A_213, %get3A_214] {strides = array<i32>} : memref<2x128xi32, #tpu.memory_space<vmem>>, vector<16xi32>,
      tpu.vector_store_idx %arg7[%get3A_215], %broadcast_in_dim3A_36 {add = true} : memref<10240xf32, #tpu.memory_space<vmem>>[vector<16xi32>], vector<16xf32>,
      %add3A_216 = arith.constant 2 : i32
      %add3A_217 = arith.addi %add3A_170, %add3A_216 : i32
      %lt3A_218 = arith.cmpi slt, %add3A_217, %mul3A_34 : i32
      %convert_element_type3A = arith.extui %lt3A_218 : i1 to i32
      %cond3A = arith.constant 0 : i32
      %cond3A_219 = arith.cmpi ne, %convert_element_type3A, %cond3A : i32
      scf.if %cond3A_219 {
        %ge3A = arith.constant 2 : i32
        %ge3A_388 = arith.cmpi sge, %add3A_170, %ge3A : i32
        %convert_element_type3A_389 = arith.extui %ge3A_388 : i1 to i32
        %cond3A_390 = arith.constant 0 : i32
        %cond3A_391 = arith.cmpi ne, %convert_element_type3A_389, %cond3A_390 : i32
        scf.if %cond3A_391 {
          %dma_wait3A_404 = arith.constant 1 : i32
          %dma_wait3A_405 = arith.constant 0 : i32
          %dma_wait3A_406 = tpu.memref_slice %arg10[%dma_wait3A_404, %dma_wait3A_405] : memref<2x128xi32, #tpu.memory_space<vmem>> -> memref<1x128xi32, #tpu.memory_space<vmem>>
          %dma_wait3A_407 = tpu.memref_squeeze %dma_wait3A_406 : memref<1x128xi32, #tpu.memory_space<vmem>> -> memref<128xi32, #tpu.memory_space<vmem>>
          %dma_wait3A_408 = arith.constant 0 : i32
          %dma_wait3A_409 = arith.constant 0 : i32
          %dma_wait3A_410 = tpu.memref_slice %arg6[%dma_wait3A_408, %dma_wait3A_409] : memref<10240x128xbf16, #tpu.memory_space<vmem_shared>> -> memref<10240x128xbf16, #tpu.memory_space<vmem_shared>>
          tpu.wait_indirect_dma semaphore(%arg23 : memref<!tpu.dma_semaphore, #tpu.memory_space<semaphore_mem>>) src(%arg14 : memref<128x128xbf16, #tpu.memory_space<vmem>>) dst(%dma_wait3A_410 : memref<10240x128xbf16, #tpu.memory_space<vmem_shared>>)
        } else {
        }
        %add3A_392 = arith.addi %add3A_28, %add3A_170 : i32
        %add3A_393 = arith.constant 2 : i32
        %add3A_394 = arith.addi %add3A_392, %add3A_393 : i32
        %mul3A_395 = arith.constant 128 : i32
        %mul3A_396 = arith.muli %add3A_394, %mul3A_395 : i32
        "tpu.region"() ({
          %run_scoped3A = tpu.sem_alloc : memref<!tpu.dma_semaphore, #tpu.memory_space<semaphore_mem>>
          %dma_start3A_404 = arith.constant 0 : i32
          %dma_start3A_405 = tpu.memref_slice %arg3[%dma_start3A_404, %mul3A_396] : memref<2x320000xi32, #tpu.memory_space<hbm>> -> memref<2x128xi32, #tpu.memory_space<hbm>>
          %dma_start3A_406 = arith.constant 0 : i32
          %dma_start3A_407 = tpu.memref_slice %arg3[%dma_start3A_406, %mul3A_396] : memref<2x320000xi32, #tpu.memory_space<hbm>> -> memref<2x128xi32, #tpu.memory_space<hbm>>
          tpu.enqueue_dma source(%dma_start3A_407 : memref<2x128xi32, #tpu.memory_space<hbm>>) target(%arg10 : memref<2x128xi32, #tpu.memory_space<vmem>>) target_semaphore(%run_scoped3A : memref<!tpu.dma_semaphore, #tpu.memory_space<semaphore_mem>>)
          %dma_wait3A_408 = arith.constant 0 : i32
          %dma_wait3A_409 = tpu.memref_slice %arg3[%dma_wait3A_408, %mul3A_396] : memref<2x320000xi32, #tpu.memory_space<hbm>> -> memref<2x128xi32, #tpu.memory_space<hbm>>
          %dma_wait3A_410 = arith.constant 0 : i32
          %dma_wait3A_411 = tpu.memref_slice %arg3[%dma_wait3A_410, %mul3A_396] : memref<2x320000xi32, #tpu.memory_space<hbm>> -> memref<2x128xi32, #tpu.memory_space<hbm>>
          tpu.wait_dma2 semaphore(%run_scoped3A : memref<!tpu.dma_semaphore, #tpu.memory_space<semaphore_mem>>) src(%dma_wait3A_411 : memref<2x128xi32, #tpu.memory_space<hbm>>) dst(%arg10 : memref<2x128xi32, #tpu.memory_space<vmem>>)
          tpu.yield
        }) : () -> ()
        %dma_start3A_397 = arith.constant 0 : i32
        %dma_start3A_398 = arith.constant 0 : i32
        %dma_start3A_399 = tpu.memref_slice %arg10[%dma_start3A_397, %dma_start3A_398] : memref<2x128xi32, #tpu.memory_space<vmem>> -> memref<1x128xi32, #tpu.memory_space<vmem>>
        %dma_start3A_400 = tpu.memref_squeeze %dma_start3A_399 : memref<1x128xi32, #tpu.memory_space<vmem>> -> memref<128xi32, #tpu.memory_space<vmem>>
        %dma_start3A_401 = arith.constant 0 : i32
        %dma_start3A_402 = arith.constant 0 : i32
        %dma_start3A_403 = tpu.memref_slice %arg2[%dma_start3A_401, %dma_start3A_402] : memref<10000x128xbf16, #tpu.memory_space<hbm>> -> memref<10000x128xbf16, #tpu.memory_space<hbm>>
        tpu.enqueue_indirect_dma source(%dma_start3A_403 : memref<10000x128xbf16, #tpu.memory_space<hbm>>) target(%arg14 : memref<128x128xbf16, #tpu.memory_space<vmem>>) offsets(%dma_start3A_400 : memref<128xi32, #tpu.memory_space<vmem>>) semaphore(%arg19 : memref<!tpu.dma_semaphore, #tpu.memory_space<semaphore_mem>>)
      } else {
      }
      %mul3A_220 = arith.constant 4 : i32
      %mul3A_221 = arith.muli %while3A_166, %mul3A_220 : i32
      %add3A_222 = arith.constant 1 : i32
      %add3A_223 = arith.addi %mul3A_221, %add3A_222 : i32
      %dma_wait3A_224 = arith.constant 0 : i32
      %dma_wait3A_225 = arith.constant 0 : i32
      %dma_wait3A_226 = tpu.memref_slice %arg9[%dma_wait3A_224, %dma_wait3A_225] : memref<2x128xi32, #tpu.memory_space<vmem>> -> memref<1x128xi32, #tpu.memory_space<vmem>>
      %dma_wait3A_227 = tpu.memref_squeeze %dma_wait3A_226 : memref<1x128xi32, #tpu.memory_space<vmem>> -> memref<128xi32, #tpu.memory_space<vmem>>
      %dma_wait3A_228 = arith.constant 0 : i32
      %dma_wait3A_229 = arith.constant 0 : i32
      %dma_wait3A_230 = tpu.memref_slice %arg2[%dma_wait3A_228, %dma_wait3A_229] : memref<10000x128xbf16, #tpu.memory_space<hbm>> -> memref<10000x128xbf16, #tpu.memory_space<hbm>>
      tpu.wait_indirect_dma semaphore(%arg18 : memref<!tpu.dma_semaphore, #tpu.memory_space<semaphore_mem>>) src(%dma_wait3A_230 : memref<10000x128xbf16, #tpu.memory_space<hbm>>) dst(%arg13 : memref<128x128xbf16, #tpu.memory_space<vmem>>)
      %dma_start3A_231 = arith.constant 1 : i32
      %dma_start3A_232 = arith.constant 0 : i32
      %dma_start3A_233 = tpu.memref_slice %arg9[%dma_start3A_231, %dma_start3A_232] : memref<2x128xi32, #tpu.memory_space<vmem>> -> memref<1x128xi32, #tpu.memory_space<vmem>>
      %dma_start3A_234 = tpu.memref_squeeze %dma_start3A_233 : memref<1x128xi32, #tpu.memory_space<vmem>> -> memref<128xi32, #tpu.memory_space<vmem>>
      %dma_start3A_235 = arith.constant 0 : i32
      %dma_start3A_236 = arith.constant 0 : i32
      %dma_start3A_237 = tpu.memref_slice %arg6[%dma_start3A_235, %dma_start3A_236] : memref<10240x128xbf16, #tpu.memory_space<vmem_shared>> -> memref<10240x128xbf16, #tpu.memory_space<vmem_shared>>
      tpu.enqueue_indirect_dma source(%arg13 : memref<128x128xbf16, #tpu.memory_space<vmem>>) target(%dma_start3A_237 : memref<10240x128xbf16, #tpu.memory_space<vmem_shared>>) offsets(%dma_start3A_234 : memref<128xi32, #tpu.memory_space<vmem>>) semaphore(%arg22 : memref<!tpu.dma_semaphore, #tpu.memory_space<semaphore_mem>>) {add = true}
      %get3A_238 = arith.constant 1 : i32
      %get3A_239 = arith.index_cast %get3A_238 : i32 to index
      %get3A_240 = arith.constant 0 : index
      %get3A_241 = tpu.vector_load %arg9[%get3A_239, %get3A_240] {strides = array<i32>} : memref<2x128xi32, #tpu.memory_space<vmem>>, vector<16xi32>,
      tpu.vector_store_idx %arg7[%get3A_241], %broadcast_in_dim3A_36 {add = true} : memref<10240xf32, #tpu.memory_space<vmem>>[vector<16xi32>], vector<16xf32>,
      %get3A_242 = arith.constant 1 : i32
      %get3A_243 = arith.index_cast %get3A_242 : i32 to index
      %get3A_244 = arith.constant 16 : index
      %get3A_245 = tpu.vector_load %arg9[%get3A_243, %get3A_244] {strides = array<i32>} : memref<2x128xi32, #tpu.memory_space<vmem>>, vector<16xi32>,
      tpu.vector_store_idx %arg7[%get3A_245], %broadcast_in_dim3A_36 {add = true} : memref<10240xf32, #tpu.memory_space<vmem>>[vector<16xi32>], vector<16xf32>,
      %get3A_246 = arith.constant 1 : i32
      %get3A_247 = arith.index_cast %get3A_246 : i32 to index
      %get3A_248 = arith.constant 32 : index
      %get3A_249 = tpu.vector_load %arg9[%get3A_247, %get3A_248] {strides = array<i32>} : memref<2x128xi32, #tpu.memory_space<vmem>>, vector<16xi32>,
      tpu.vector_store_idx %arg7[%get3A_249], %broadcast_in_dim3A_36 {add = true} : memref<10240xf32, #tpu.memory_space<vmem>>[vector<16xi32>], vector<16xf32>,
      %get3A_250 = arith.constant 1 : i32
      %get3A_251 = arith.index_cast %get3A_250 : i32 to index
      %get3A_252 = arith.constant 48 : index
      %get3A_253 = tpu.vector_load %arg9[%get3A_251, %get3A_252] {strides = array<i32>} : memref<2x128xi32, #tpu.memory_space<vmem>>, vector<16xi32>,
      tpu.vector_store_idx %arg7[%get3A_253], %broadcast_in_dim3A_36 {add = true} : memref<10240xf32, #tpu.memory_space<vmem>>[vector<16xi32>], vector<16xf32>,
      %get3A_254 = arith.constant 1 : i32
      %get3A_255 = arith.index_cast %get3A_254 : i32 to index
      %get3A_256 = arith.constant 64 : index
      %get3A_257 = tpu.vector_load %arg9[%get3A_255, %get3A_256] {strides = array<i32>} : memref<2x128xi32, #tpu.memory_space<vmem>>, vector<16xi32>,
      tpu.vector_store_idx %arg7[%get3A_257], %broadcast_in_dim3A_36 {add = true} : memref<10240xf32, #tpu.memory_space<vmem>>[vector<16xi32>], vector<16xf32>,
      %get3A_258 = arith.constant 1 : i32
      %get3A_259 = arith.index_cast %get3A_258 : i32 to index
      %get3A_260 = arith.constant 80 : index
      %get3A_261 = tpu.vector_load %arg9[%get3A_259, %get3A_260] {strides = array<i32>} : memref<2x128xi32, #tpu.memory_space<vmem>>, vector<16xi32>,
      tpu.vector_store_idx %arg7[%get3A_261], %broadcast_in_dim3A_36 {add = true} : memref<10240xf32, #tpu.memory_space<vmem>>[vector<16xi32>], vector<16xf32>,
      %get3A_262 = arith.constant 1 : i32
      %get3A_263 = arith.index_cast %get3A_262 : i32 to index
      %get3A_264 = arith.constant 96 : index
      %get3A_265 = tpu.vector_load %arg9[%get3A_263, %get3A_264] {strides = array<i32>} : memref<2x128xi32, #tpu.memory_space<vmem>>, vector<16xi32>,
      tpu.vector_store_idx %arg7[%get3A_265], %broadcast_in_dim3A_36 {add = true} : memref<10240xf32, #tpu.memory_space<vmem>>[vector<16xi32>], vector<16xf32>,
      %get3A_266 = arith.constant 1 : i32
      %get3A_267 = arith.index_cast %get3A_266 : i32 to index
      %get3A_268 = arith.constant 112 : index
      %get3A_269 = tpu.vector_load %arg9[%get3A_267, %get3A_268] {strides = array<i32>} : memref<2x128xi32, #tpu.memory_space<vmem>>, vector<16xi32>,
      tpu.vector_store_idx %arg7[%get3A_269], %broadcast_in_dim3A_36 {add = true} : memref<10240xf32, #tpu.memory_space<vmem>>[vector<16xi32>], vector<16xf32>,
      %add3A_270 = arith.constant 2 : i32
      %add3A_271 = arith.addi %add3A_223, %add3A_270 : i32
      %lt3A_272 = arith.cmpi slt, %add3A_271, %mul3A_34 : i32
      %convert_element_type3A_273 = arith.extui %lt3A_272 : i1 to i32
      %cond3A_274 = arith.constant 0 : i32
      %cond3A_275 = arith.cmpi ne, %convert_element_type3A_273, %cond3A_274 : i32
      scf.if %cond3A_275 {
        %ge3A = arith.constant 2 : i32
        %ge3A_388 = arith.cmpi sge, %add3A_223, %ge3A : i32
        %convert_element_type3A_389 = arith.extui %ge3A_388 : i1 to i32
        %cond3A_390 = arith.constant 0 : i32
        %cond3A_391 = arith.cmpi ne, %convert_element_type3A_389, %cond3A_390 : i32
        scf.if %cond3A_391 {
          %dma_wait3A_404 = arith.constant 1 : i32
          %dma_wait3A_405 = arith.constant 0 : i32
          %dma_wait3A_406 = tpu.memref_slice %arg11[%dma_wait3A_404, %dma_wait3A_405] : memref<2x128xi32, #tpu.memory_space<vmem>> -> memref<1x128xi32, #tpu.memory_space<vmem>>
          %dma_wait3A_407 = tpu.memref_squeeze %dma_wait3A_406 : memref<1x128xi32, #tpu.memory_space<vmem>> -> memref<128xi32, #tpu.memory_space<vmem>>
          %dma_wait3A_408 = arith.constant 0 : i32
          %dma_wait3A_409 = arith.constant 0 : i32
          %dma_wait3A_410 = tpu.memref_slice %arg6[%dma_wait3A_408, %dma_wait3A_409] : memref<10240x128xbf16, #tpu.memory_space<vmem_shared>> -> memref<10240x128xbf16, #tpu.memory_space<vmem_shared>>
          tpu.wait_indirect_dma semaphore(%arg24 : memref<!tpu.dma_semaphore, #tpu.memory_space<semaphore_mem>>) src(%arg15 : memref<128x128xbf16, #tpu.memory_space<vmem>>) dst(%dma_wait3A_410 : memref<10240x128xbf16, #tpu.memory_space<vmem_shared>>)
        } else {
        }
        %add3A_392 = arith.addi %add3A_28, %add3A_223 : i32
        %add3A_393 = arith.constant 2 : i32
        %add3A_394 = arith.addi %add3A_392, %add3A_393 : i32
        %mul3A_395 = arith.constant 128 : i32
        %mul3A_396 = arith.muli %add3A_394, %mul3A_395 : i32
        "tpu.region"() ({
          %run_scoped3A = tpu.sem_alloc : memref<!tpu.dma_semaphore, #tpu.memory_space<semaphore_mem>>
          %dma_start3A_404 = arith.constant 0 : i32
          %dma_start3A_405 = tpu.memref_slice %arg3[%dma_start3A_404, %mul3A_396] : memref<2x320000xi32, #tpu.memory_space<hbm>> -> memref<2x128xi32, #tpu.memory_space<hbm>>
          %dma_start3A_406 = arith.constant 0 : i32
          %dma_start3A_407 = tpu.memref_slice %arg3[%dma_start3A_406, %mul3A_396] : memref<2x320000xi32, #tpu.memory_space<hbm>> -> memref<2x128xi32, #tpu.memory_space<hbm>>
          tpu.enqueue_dma source(%dma_start3A_407 : memref<2x128xi32, #tpu.memory_space<hbm>>) target(%arg11 : memref<2x128xi32, #tpu.memory_space<vmem>>) target_semaphore(%run_scoped3A : memref<!tpu.dma_semaphore, #tpu.memory_space<semaphore_mem>>)
          %dma_wait3A_408 = arith.constant 0 : i32
          %dma_wait3A_409 = tpu.memref_slice %arg3[%dma_wait3A_408, %mul3A_396] : memref<2x320000xi32, #tpu.memory_space<hbm>> -> memref<2x128xi32, #tpu.memory_space<hbm>>
          %dma_wait3A_410 = arith.constant 0 : i32
          %dma_wait3A_411 = tpu.memref_slice %arg3[%dma_wait3A_410, %mul3A_396] : memref<2x320000xi32, #tpu.memory_space<hbm>> -> memref<2x128xi32, #tpu.memory_space<hbm>>
          tpu.wait_dma2 semaphore(%run_scoped3A : memref<!tpu.dma_semaphore, #tpu.memory_space<semaphore_mem>>) src(%dma_wait3A_411 : memref<2x128xi32, #tpu.memory_space<hbm>>) dst(%arg11 : memref<2x128xi32, #tpu.memory_space<vmem>>)
          tpu.yield
        }) : () -> ()
        %dma_start3A_397 = arith.constant 0 : i32
        %dma_start3A_398 = arith.constant 0 : i32
        %dma_start3A_399 = tpu.memref_slice %arg11[%dma_start3A_397, %dma_start3A_398] : memref<2x128xi32, #tpu.memory_space<vmem>> -> memref<1x128xi32, #tpu.memory_space<vmem>>
        %dma_start3A_400 = tpu.memref_squeeze %dma_start3A_399 : memref<1x128xi32, #tpu.memory_space<vmem>> -> memref<128xi32, #tpu.memory_space<vmem>>
        %dma_start3A_401 = arith.constant 0 : i32
        %dma_start3A_402 = arith.constant 0 : i32
        %dma_start3A_403 = tpu.memref_slice %arg2[%dma_start3A_401, %dma_start3A_402] : memref<10000x128xbf16, #tpu.memory_space<hbm>> -> memref<10000x128xbf16, #tpu.memory_space<hbm>>
        tpu.enqueue_indirect_dma source(%dma_start3A_403 : memref<10000x128xbf16, #tpu.memory_space<hbm>>) target(%arg15 : memref<128x128xbf16, #tpu.memory_space<vmem>>) offsets(%dma_start3A_400 : memref<128xi32, #tpu.memory_space<vmem>>) semaphore(%arg20 : memref<!tpu.dma_semaphore, #tpu.memory_space<semaphore_mem>>)
      } else {
      }
      %mul3A_276 = arith.constant 4 : i32
      %mul3A_277 = arith.muli %while3A_166, %mul3A_276 : i32
      %add3A_278 = arith.constant 2 : i32
      %add3A_279 = arith.addi %mul3A_277, %add3A_278 : i32
      %dma_wait3A_280 = arith.constant 0 : i32
      %dma_wait3A_281 = arith.constant 0 : i32
      %dma_wait3A_282 = tpu.memref_slice %arg10[%dma_wait3A_280, %dma_wait3A_281] : memref<2x128xi32, #tpu.memory_space<vmem>> -> memref<1x128xi32, #tpu.memory_space<vmem>>
      %dma_wait3A_283 = tpu.memref_squeeze %dma_wait3A_282 : memref<1x128xi32, #tpu.memory_space<vmem>> -> memref<128xi32, #tpu.memory_space<vmem>>
      %dma_wait3A_284 = arith.constant 0 : i32
      %dma_wait3A_285 = arith.constant 0 : i32
      %dma_wait3A_286 = tpu.memref_slice %arg2[%dma_wait3A_284, %dma_wait3A_285] : memref<10000x128xbf16, #tpu.memory_space<hbm>> -> memref<10000x128xbf16, #tpu.memory_space<hbm>>
      tpu.wait_indirect_dma semaphore(%arg19 : memref<!tpu.dma_semaphore, #tpu.memory_space<semaphore_mem>>) src(%dma_wait3A_286 : memref<10000x128xbf16, #tpu.memory_space<hbm>>) dst(%arg14 : memref<128x128xbf16, #tpu.memory_space<vmem>>)
      %dma_start3A_287 = arith.constant 1 : i32
      %dma_start3A_288 = arith.constant 0 : i32
      %dma_start3A_289 = tpu.memref_slice %arg10[%dma_start3A_287, %dma_start3A_288] : memref<2x128xi32, #tpu.memory_space<vmem>> -> memref<1x128xi32, #tpu.memory_space<vmem>>
      %dma_start3A_290 = tpu.memref_squeeze %dma_start3A_289 : memref<1x128xi32, #tpu.memory_space<vmem>> -> memref<128xi32, #tpu.memory_space<vmem>>
      %dma_start3A_291 = arith.constant 0 : i32
      %dma_start3A_292 = arith.constant 0 : i32
      %dma_start3A_293 = tpu.memref_slice %arg6[%dma_start3A_291, %dma_start3A_292] : memref<10240x128xbf16, #tpu.memory_space<vmem_shared>> -> memref<10240x128xbf16, #tpu.memory_space<vmem_shared>>
      tpu.enqueue_indirect_dma source(%arg14 : memref<128x128xbf16, #tpu.memory_space<vmem>>) target(%dma_start3A_293 : memref<10240x128xbf16, #tpu.memory_space<vmem_shared>>) offsets(%dma_start3A_290 : memref<128xi32, #tpu.memory_space<vmem>>) semaphore(%arg23 : memref<!tpu.dma_semaphore, #tpu.memory_space<semaphore_mem>>) {add = true}
      %get3A_294 = arith.constant 1 : i32
      %get3A_295 = arith.index_cast %get3A_294 : i32 to index
      %get3A_296 = arith.constant 0 : index
      %get3A_297 = tpu.vector_load %arg10[%get3A_295, %get3A_296] {strides = array<i32>} : memref<2x128xi32, #tpu.memory_space<vmem>>, vector<16xi32>,
      tpu.vector_store_idx %arg7[%get3A_297], %broadcast_in_dim3A_36 {add = true} : memref<10240xf32, #tpu.memory_space<vmem>>[vector<16xi32>], vector<16xf32>,
      %get3A_298 = arith.constant 1 : i32
      %get3A_299 = arith.index_cast %get3A_298 : i32 to index
      %get3A_300 = arith.constant 16 : index
      %get3A_301 = tpu.vector_load %arg10[%get3A_299, %get3A_300] {strides = array<i32>} : memref<2x128xi32, #tpu.memory_space<vmem>>, vector<16xi32>,
      tpu.vector_store_idx %arg7[%get3A_301], %broadcast_in_dim3A_36 {add = true} : memref<10240xf32, #tpu.memory_space<vmem>>[vector<16xi32>], vector<16xf32>,
      %get3A_302 = arith.constant 1 : i32
      %get3A_303 = arith.index_cast %get3A_302 : i32 to index
      %get3A_304 = arith.constant 32 : index
      %get3A_305 = tpu.vector_load %arg10[%get3A_303, %get3A_304] {strides = array<i32>} : memref<2x128xi32, #tpu.memory_space<vmem>>, vector<16xi32>,
      tpu.vector_store_idx %arg7[%get3A_305], %broadcast_in_dim3A_36 {add = true} : memref<10240xf32, #tpu.memory_space<vmem>>[vector<16xi32>], vector<16xf32>,
      %get3A_306 = arith.constant 1 : i32
      %get3A_307 = arith.index_cast %get3A_306 : i32 to index
      %get3A_308 = arith.constant 48 : index
      %get3A_309 = tpu.vector_load %arg10[%get3A_307, %get3A_308] {strides = array<i32>} : memref<2x128xi32, #tpu.memory_space<vmem>>, vector<16xi32>,
      tpu.vector_store_idx %arg7[%get3A_309], %broadcast_in_dim3A_36 {add = true} : memref<10240xf32, #tpu.memory_space<vmem>>[vector<16xi32>], vector<16xf32>,
      %get3A_310 = arith.constant 1 : i32
      %get3A_311 = arith.index_cast %get3A_310 : i32 to index
      %get3A_312 = arith.constant 64 : index
      %get3A_313 = tpu.vector_load %arg10[%get3A_311, %get3A_312] {strides = array<i32>} : memref<2x128xi32, #tpu.memory_space<vmem>>, vector<16xi32>,
      tpu.vector_store_idx %arg7[%get3A_313], %broadcast_in_dim3A_36 {add = true} : memref<10240xf32, #tpu.memory_space<vmem>>[vector<16xi32>], vector<16xf32>,
      %get3A_314 = arith.constant 1 : i32
      %get3A_315 = arith.index_cast %get3A_314 : i32 to index
      %get3A_316 = arith.constant 80 : index
      %get3A_317 = tpu.vector_load %arg10[%get3A_315, %get3A_316] {strides = array<i32>} : memref<2x128xi32, #tpu.memory_space<vmem>>, vector<16xi32>,
      tpu.vector_store_idx %arg7[%get3A_317], %broadcast_in_dim3A_36 {add = true} : memref<10240xf32, #tpu.memory_space<vmem>>[vector<16xi32>], vector<16xf32>,
      %get3A_318 = arith.constant 1 : i32
      %get3A_319 = arith.index_cast %get3A_318 : i32 to index
      %get3A_320 = arith.constant 96 : index
      %get3A_321 = tpu.vector_load %arg10[%get3A_319, %get3A_320] {strides = array<i32>} : memref<2x128xi32, #tpu.memory_space<vmem>>, vector<16xi32>,
      tpu.vector_store_idx %arg7[%get3A_321], %broadcast_in_dim3A_36 {add = true} : memref<10240xf32, #tpu.memory_space<vmem>>[vector<16xi32>], vector<16xf32>,
      %get3A_322 = arith.constant 1 : i32
      %get3A_323 = arith.index_cast %get3A_322 : i32 to index
      %get3A_324 = arith.constant 112 : index
      %get3A_325 = tpu.vector_load %arg10[%get3A_323, %get3A_324] {strides = array<i32>} : memref<2x128xi32, #tpu.memory_space<vmem>>, vector<16xi32>,
      tpu.vector_store_idx %arg7[%get3A_325], %broadcast_in_dim3A_36 {add = true} : memref<10240xf32, #tpu.memory_space<vmem>>[vector<16xi32>], vector<16xf32>,
      %add3A_326 = arith.constant 2 : i32
      %add3A_327 = arith.addi %add3A_279, %add3A_326 : i32
      %lt3A_328 = arith.cmpi slt, %add3A_327, %mul3A_34 : i32
      %convert_element_type3A_329 = arith.extui %lt3A_328 : i1 to i32
      %cond3A_330 = arith.constant 0 : i32
      %cond3A_331 = arith.cmpi ne, %convert_element_type3A_329, %cond3A_330 : i32
      scf.if %cond3A_331 {
        %ge3A = arith.constant 2 : i32
        %ge3A_388 = arith.cmpi sge, %add3A_279, %ge3A : i32
        %convert_element_type3A_389 = arith.extui %ge3A_388 : i1 to i32
        %cond3A_390 = arith.constant 0 : i32
        %cond3A_391 = arith.cmpi ne, %convert_element_type3A_389, %cond3A_390 : i32
        scf.if %cond3A_391 {
          %dma_wait3A_404 = arith.constant 1 : i32
          %dma_wait3A_405 = arith.constant 0 : i32
          %dma_wait3A_406 = tpu.memref_slice %arg8[%dma_wait3A_404, %dma_wait3A_405] : memref<2x128xi32, #tpu.memory_space<vmem>> -> memref<1x128xi32, #tpu.memory_space<vmem>>
          %dma_wait3A_407 = tpu.memref_squeeze %dma_wait3A_406 : memref<1x128xi32, #tpu.memory_space<vmem>> -> memref<128xi32, #tpu.memory_space<vmem>>
          %dma_wait3A_408 = arith.constant 0 : i32
          %dma_wait3A_409 = arith.constant 0 : i32
          %dma_wait3A_410 = tpu.memref_slice %arg6[%dma_wait3A_408, %dma_wait3A_409] : memref<10240x128xbf16, #tpu.memory_space<vmem_shared>> -> memref<10240x128xbf16, #tpu.memory_space<vmem_shared>>
          tpu.wait_indirect_dma semaphore(%arg21 : memref<!tpu.dma_semaphore, #tpu.memory_space<semaphore_mem>>) src(%arg12 : memref<128x128xbf16, #tpu.memory_space<vmem>>) dst(%dma_wait3A_410 : memref<10240x128xbf16, #tpu.memory_space<vmem_shared>>)
        } else {
        }
        %add3A_392 = arith.addi %add3A_28, %add3A_279 : i32
        %add3A_393 = arith.constant 2 : i32
        %add3A_394 = arith.addi %add3A_392, %add3A_393 : i32
        %mul3A_395 = arith.constant 128 : i32
        %mul3A_396 = arith.muli %add3A_394, %mul3A_395 : i32
        "tpu.region"() ({
          %run_scoped3A = tpu.sem_alloc : memref<!tpu.dma_semaphore, #tpu.memory_space<semaphore_mem>>
          %dma_start3A_404 = arith.constant 0 : i32
          %dma_start3A_405 = tpu.memref_slice %arg3[%dma_start3A_404, %mul3A_396] : memref<2x320000xi32, #tpu.memory_space<hbm>> -> memref<2x128xi32, #tpu.memory_space<hbm>>
          %dma_start3A_406 = arith.constant 0 : i32
          %dma_start3A_407 = tpu.memref_slice %arg3[%dma_start3A_406, %mul3A_396] : memref<2x320000xi32, #tpu.memory_space<hbm>> -> memref<2x128xi32, #tpu.memory_space<hbm>>
          tpu.enqueue_dma source(%dma_start3A_407 : memref<2x128xi32, #tpu.memory_space<hbm>>) target(%arg8 : memref<2x128xi32, #tpu.memory_space<vmem>>) target_semaphore(%run_scoped3A : memref<!tpu.dma_semaphore, #tpu.memory_space<semaphore_mem>>)
          %dma_wait3A_408 = arith.constant 0 : i32
          %dma_wait3A_409 = tpu.memref_slice %arg3[%dma_wait3A_408, %mul3A_396] : memref<2x320000xi32, #tpu.memory_space<hbm>> -> memref<2x128xi32, #tpu.memory_space<hbm>>
          %dma_wait3A_410 = arith.constant 0 : i32
          %dma_wait3A_411 = tpu.memref_slice %arg3[%dma_wait3A_410, %mul3A_396] : memref<2x320000xi32, #tpu.memory_space<hbm>> -> memref<2x128xi32, #tpu.memory_space<hbm>>
          tpu.wait_dma2 semaphore(%run_scoped3A : memref<!tpu.dma_semaphore, #tpu.memory_space<semaphore_mem>>) src(%dma_wait3A_411 : memref<2x128xi32, #tpu.memory_space<hbm>>) dst(%arg8 : memref<2x128xi32, #tpu.memory_space<vmem>>)
          tpu.yield
        }) : () -> ()
        %dma_start3A_397 = arith.constant 0 : i32
        %dma_start3A_398 = arith.constant 0 : i32
        %dma_start3A_399 = tpu.memref_slice %arg8[%dma_start3A_397, %dma_start3A_398] : memref<2x128xi32, #tpu.memory_space<vmem>> -> memref<1x128xi32, #tpu.memory_space<vmem>>
        %dma_start3A_400 = tpu.memref_squeeze %dma_start3A_399 : memref<1x128xi32, #tpu.memory_space<vmem>> -> memref<128xi32, #tpu.memory_space<vmem>>
        %dma_start3A_401 = arith.constant 0 : i32
        %dma_start3A_402 = arith.constant 0 : i32
        %dma_start3A_403 = tpu.memref_slice %arg2[%dma_start3A_401, %dma_start3A_402] : memref<10000x128xbf16, #tpu.memory_space<hbm>> -> memref<10000x128xbf16, #tpu.memory_space<hbm>>
        tpu.enqueue_indirect_dma source(%dma_start3A_403 : memref<10000x128xbf16, #tpu.memory_space<hbm>>) target(%arg12 : memref<128x128xbf16, #tpu.memory_space<vmem>>) offsets(%dma_start3A_400 : memref<128xi32, #tpu.memory_space<vmem>>) semaphore(%arg17 : memref<!tpu.dma_semaphore, #tpu.memory_space<semaphore_mem>>)
      } else {
      }
      %mul3A_332 = arith.constant 4 : i32
      %mul3A_333 = arith.muli %while3A_166, %mul3A_332 : i32
      %add3A_334 = arith.constant 3 : i32
      %add3A_335 = arith.addi %mul3A_333, %add3A_334 : i32
      %dma_wait3A_336 = arith.constant 0 : i32
      %dma_wait3A_337 = arith.constant 0 : i32
      %dma_wait3A_338 = tpu.memref_slice %arg11[%dma_wait3A_336, %dma_wait3A_337] : memref<2x128xi32, #tpu.memory_space<vmem>> -> memref<1x128xi32, #tpu.memory_space<vmem>>
      %dma_wait3A_339 = tpu.memref_squeeze %dma_wait3A_338 : memref<1x128xi32, #tpu.memory_space<vmem>> -> memref<128xi32, #tpu.memory_space<vmem>>
      %dma_wait3A_340 = arith.constant 0 : i32
      %dma_wait3A_341 = arith.constant 0 : i32
      %dma_wait3A_342 = tpu.memref_slice %arg2[%dma_wait3A_340, %dma_wait3A_341] : memref<10000x128xbf16, #tpu.memory_space<hbm>> -> memref<10000x128xbf16, #tpu.memory_space<hbm>>
      tpu.wait_indirect_dma semaphore(%arg20 : memref<!tpu.dma_semaphore, #tpu.memory_space<semaphore_mem>>) src(%dma_wait3A_342 : memref<10000x128xbf16, #tpu.memory_space<hbm>>) dst(%arg15 : memref<128x128xbf16, #tpu.memory_space<vmem>>)
      %dma_start3A_343 = arith.constant 1 : i32
      %dma_start3A_344 = arith.constant 0 : i32
      %dma_start3A_345 = tpu.memref_slice %arg11[%dma_start3A_343, %dma_start3A_344] : memref<2x128xi32, #tpu.memory_space<vmem>> -> memref<1x128xi32, #tpu.memory_space<vmem>>
      %dma_start3A_346 = tpu.memref_squeeze %dma_start3A_345 : memref<1x128xi32, #tpu.memory_space<vmem>> -> memref<128xi32, #tpu.memory_space<vmem>>
      %dma_start3A_347 = arith.constant 0 : i32
      %dma_start3A_348 = arith.constant 0 : i32
      %dma_start3A_349 = tpu.memref_slice %arg6[%dma_start3A_347, %dma_start3A_348] : memref<10240x128xbf16, #tpu.memory_space<vmem_shared>> -> memref<10240x128xbf16, #tpu.memory_space<vmem_shared>>
      tpu.enqueue_indirect_dma source(%arg15 : memref<128x128xbf16, #tpu.memory_space<vmem>>) target(%dma_start3A_349 : memref<10240x128xbf16, #tpu.memory_space<vmem_shared>>) offsets(%dma_start3A_346 : memref<128xi32, #tpu.memory_space<vmem>>) semaphore(%arg24 : memref<!tpu.dma_semaphore, #tpu.memory_space<semaphore_mem>>) {add = true}
      %get3A_350 = arith.constant 1 : i32
      %get3A_351 = arith.index_cast %get3A_350 : i32 to index
      %get3A_352 = arith.constant 0 : index
      %get3A_353 = tpu.vector_load %arg11[%get3A_351, %get3A_352] {strides = array<i32>} : memref<2x128xi32, #tpu.memory_space<vmem>>, vector<16xi32>,
      tpu.vector_store_idx %arg7[%get3A_353], %broadcast_in_dim3A_36 {add = true} : memref<10240xf32, #tpu.memory_space<vmem>>[vector<16xi32>], vector<16xf32>,
      %get3A_354 = arith.constant 1 : i32
      %get3A_355 = arith.index_cast %get3A_354 : i32 to index
      %get3A_356 = arith.constant 16 : index
      %get3A_357 = tpu.vector_load %arg11[%get3A_355, %get3A_356] {strides = array<i32>} : memref<2x128xi32, #tpu.memory_space<vmem>>, vector<16xi32>,
      tpu.vector_store_idx %arg7[%get3A_357], %broadcast_in_dim3A_36 {add = true} : memref<10240xf32, #tpu.memory_space<vmem>>[vector<16xi32>], vector<16xf32>,
      %get3A_358 = arith.constant 1 : i32
      %get3A_359 = arith.index_cast %get3A_358 : i32 to index
      %get3A_360 = arith.constant 32 : index
      %get3A_361 = tpu.vector_load %arg11[%get3A_359, %get3A_360] {strides = array<i32>} : memref<2x128xi32, #tpu.memory_space<vmem>>, vector<16xi32>,
      tpu.vector_store_idx %arg7[%get3A_361], %broadcast_in_dim3A_36 {add = true} : memref<10240xf32, #tpu.memory_space<vmem>>[vector<16xi32>], vector<16xf32>,
      %get3A_362 = arith.constant 1 : i32
      %get3A_363 = arith.index_cast %get3A_362 : i32 to index
      %get3A_364 = arith.constant 48 : index
      %get3A_365 = tpu.vector_load %arg11[%get3A_363, %get3A_364] {strides = array<i32>} : memref<2x128xi32, #tpu.memory_space<vmem>>, vector<16xi32>,
      tpu.vector_store_idx %arg7[%get3A_365], %broadcast_in_dim3A_36 {add = true} : memref<10240xf32, #tpu.memory_space<vmem>>[vector<16xi32>], vector<16xf32>,
      %get3A_366 = arith.constant 1 : i32
      %get3A_367 = arith.index_cast %get3A_366 : i32 to index
      %get3A_368 = arith.constant 64 : index
      %get3A_369 = tpu.vector_load %arg11[%get3A_367, %get3A_368] {strides = array<i32>} : memref<2x128xi32, #tpu.memory_space<vmem>>, vector<16xi32>,
      tpu.vector_store_idx %arg7[%get3A_369], %broadcast_in_dim3A_36 {add = true} : memref<10240xf32, #tpu.memory_space<vmem>>[vector<16xi32>], vector<16xf32>,
      %get3A_370 = arith.constant 1 : i32
      %get3A_371 = arith.index_cast %get3A_370 : i32 to index
      %get3A_372 = arith.constant 80 : index
      %get3A_373 = tpu.vector_load %arg11[%get3A_371, %get3A_372] {strides = array<i32>} : memref<2x128xi32, #tpu.memory_space<vmem>>, vector<16xi32>,
      tpu.vector_store_idx %arg7[%get3A_373], %broadcast_in_dim3A_36 {add = true} : memref<10240xf32, #tpu.memory_space<vmem>>[vector<16xi32>], vector<16xf32>,
      %get3A_374 = arith.constant 1 : i32
      %get3A_375 = arith.index_cast %get3A_374 : i32 to index
      %get3A_376 = arith.constant 96 : index
      %get3A_377 = tpu.vector_load %arg11[%get3A_375, %get3A_376] {strides = array<i32>} : memref<2x128xi32, #tpu.memory_space<vmem>>, vector<16xi32>,
      tpu.vector_store_idx %arg7[%get3A_377], %broadcast_in_dim3A_36 {add = true} : memref<10240xf32, #tpu.memory_space<vmem>>[vector<16xi32>], vector<16xf32>,
      %get3A_378 = arith.constant 1 : i32
      %get3A_379 = arith.index_cast %get3A_378 : i32 to index
      %get3A_380 = arith.constant 112 : index
      %get3A_381 = tpu.vector_load %arg11[%get3A_379, %get3A_380] {strides = array<i32>} : memref<2x128xi32, #tpu.memory_space<vmem>>, vector<16xi32>,
      tpu.vector_store_idx %arg7[%get3A_381], %broadcast_in_dim3A_36 {add = true} : memref<10240xf32, #tpu.memory_space<vmem>>[vector<16xi32>], vector<16xf32>,
      %add3A_382 = arith.constant 2 : i32
      %add3A_383 = arith.addi %add3A_335, %add3A_382 : i32
      %lt3A_384 = arith.cmpi slt, %add3A_383, %mul3A_34 : i32
      %convert_element_type3A_385 = arith.extui %lt3A_384 : i1 to i32
      %cond3A_386 = arith.constant 0 : i32
      %cond3A_387 = arith.cmpi ne, %convert_element_type3A_385, %cond3A_386 : i32
      scf.if %cond3A_387 {
        %ge3A = arith.constant 2 : i32
        %ge3A_388 = arith.cmpi sge, %add3A_335, %ge3A : i32
        %convert_element_type3A_389 = arith.extui %ge3A_388 : i1 to i32
        %cond3A_390 = arith.constant 0 : i32
        %cond3A_391 = arith.cmpi ne, %convert_element_type3A_389, %cond3A_390 : i32
        scf.if %cond3A_391 {
          %dma_wait3A_404 = arith.constant 1 : i32
          %dma_wait3A_405 = arith.constant 0 : i32
          %dma_wait3A_406 = tpu.memref_slice %arg9[%dma_wait3A_404, %dma_wait3A_405] : memref<2x128xi32, #tpu.memory_space<vmem>> -> memref<1x128xi32, #tpu.memory_space<vmem>>
          %dma_wait3A_407 = tpu.memref_squeeze %dma_wait3A_406 : memref<1x128xi32, #tpu.memory_space<vmem>> -> memref<128xi32, #tpu.memory_space<vmem>>
          %dma_wait3A_408 = arith.constant 0 : i32
          %dma_wait3A_409 = arith.constant 0 : i32
          %dma_wait3A_410 = tpu.memref_slice %arg6[%dma_wait3A_408, %dma_wait3A_409] : memref<10240x128xbf16, #tpu.memory_space<vmem_shared>> -> memref<10240x128xbf16, #tpu.memory_space<vmem_shared>>
          tpu.wait_indirect_dma semaphore(%arg22 : memref<!tpu.dma_semaphore, #tpu.memory_space<semaphore_mem>>) src(%arg13 : memref<128x128xbf16, #tpu.memory_space<vmem>>) dst(%dma_wait3A_410 : memref<10240x128xbf16, #tpu.memory_space<vmem_shared>>)
        } else {
        }
        %add3A_392 = arith.addi %add3A_28, %add3A_335 : i32
        %add3A_393 = arith.constant 2 : i32
        %add3A_394 = arith.addi %add3A_392, %add3A_393 : i32
        %mul3A_395 = arith.constant 128 : i32
        %mul3A_396 = arith.muli %add3A_394, %mul3A_395 : i32
        "tpu.region"() ({
          %run_scoped3A = tpu.sem_alloc : memref<!tpu.dma_semaphore, #tpu.memory_space<semaphore_mem>>
          %dma_start3A_404 = arith.constant 0 : i32
          %dma_start3A_405 = tpu.memref_slice %arg3[%dma_start3A_404, %mul3A_396] : memref<2x320000xi32, #tpu.memory_space<hbm>> -> memref<2x128xi32, #tpu.memory_space<hbm>>
          %dma_start3A_406 = arith.constant 0 : i32
          %dma_start3A_407 = tpu.memref_slice %arg3[%dma_start3A_406, %mul3A_396] : memref<2x320000xi32, #tpu.memory_space<hbm>> -> memref<2x128xi32, #tpu.memory_space<hbm>>
          tpu.enqueue_dma source(%dma_start3A_407 : memref<2x128xi32, #tpu.memory_space<hbm>>) target(%arg9 : memref<2x128xi32, #tpu.memory_space<vmem>>) target_semaphore(%run_scoped3A : memref<!tpu.dma_semaphore, #tpu.memory_space<semaphore_mem>>)
          %dma_wait3A_408 = arith.constant 0 : i32
          %dma_wait3A_409 = tpu.memref_slice %arg3[%dma_wait3A_408, %mul3A_396] : memref<2x320000xi32, #tpu.memory_space<hbm>> -> memref<2x128xi32, #tpu.memory_space<hbm>>
          %dma_wait3A_410 = arith.constant 0 : i32
          %dma_wait3A_411 = tpu.memref_slice %arg3[%dma_wait3A_410, %mul3A_396] : memref<2x320000xi32, #tpu.memory_space<hbm>> -> memref<2x128xi32, #tpu.memory_space<hbm>>
          tpu.wait_dma2 semaphore(%run_scoped3A : memref<!tpu.dma_semaphore, #tpu.memory_space<semaphore_mem>>) src(%dma_wait3A_411 : memref<2x128xi32, #tpu.memory_space<hbm>>) dst(%arg9 : memref<2x128xi32, #tpu.memory_space<vmem>>)
          tpu.yield
        }) : () -> ()
        %dma_start3A_397 = arith.constant 0 : i32
        %dma_start3A_398 = arith.constant 0 : i32
        %dma_start3A_399 = tpu.memref_slice %arg9[%dma_start3A_397, %dma_start3A_398] : memref<2x128xi32, #tpu.memory_space<vmem>> -> memref<1x128xi32, #tpu.memory_space<vmem>>
        %dma_start3A_400 = tpu.memref_squeeze %dma_start3A_399 : memref<1x128xi32, #tpu.memory_space<vmem>> -> memref<128xi32, #tpu.memory_space<vmem>>
        %dma_start3A_401 = arith.constant 0 : i32
        %dma_start3A_402 = arith.constant 0 : i32
        %dma_start3A_403 = tpu.memref_slice %arg2[%dma_start3A_401, %dma_start3A_402] : memref<10000x128xbf16, #tpu.memory_space<hbm>> -> memref<10000x128xbf16, #tpu.memory_space<hbm>>
        tpu.enqueue_indirect_dma source(%dma_start3A_403 : memref<10000x128xbf16, #tpu.memory_space<hbm>>) target(%arg13 : memref<128x128xbf16, #tpu.memory_space<vmem>>) offsets(%dma_start3A_400 : memref<128xi32, #tpu.memory_space<vmem>>) semaphore(%arg18 : memref<!tpu.dma_semaphore, #tpu.memory_space<semaphore_mem>>)
      } else {
      }
    }
    %dma_wait3A = arith.constant 1 : i32
    %dma_wait3A_80 = arith.constant 0 : i32
    %dma_wait3A_81 = tpu.memref_slice %arg8[%dma_wait3A, %dma_wait3A_80] : memref<2x128xi32, #tpu.memory_space<vmem>> -> memref<1x128xi32, #tpu.memory_space<vmem>>
    %dma_wait3A_82 = tpu.memref_squeeze %dma_wait3A_81 : memref<1x128xi32, #tpu.memory_space<vmem>> -> memref<128xi32, #tpu.memory_space<vmem>>
    %dma_wait3A_83 = arith.constant 0 : i32
    %dma_wait3A_84 = arith.constant 0 : i32
    %dma_wait3A_85 = tpu.memref_slice %arg6[%dma_wait3A_83, %dma_wait3A_84] : memref<10240x128xbf16, #tpu.memory_space<vmem_shared>> -> memref<10240x128xbf16, #tpu.memory_space<vmem_shared>>
    tpu.wait_indirect_dma semaphore(%arg21 : memref<!tpu.dma_semaphore, #tpu.memory_space<semaphore_mem>>) src(%arg12 : memref<128x128xbf16, #tpu.memory_space<vmem>>) dst(%dma_wait3A_85 : memref<10240x128xbf16, #tpu.memory_space<vmem_shared>>)
    %dma_wait3A_86 = arith.constant 1 : i32
    %dma_wait3A_87 = arith.constant 0 : i32
    %dma_wait3A_88 = tpu.memref_slice %arg9[%dma_wait3A_86, %dma_wait3A_87] : memref<2x128xi32, #tpu.memory_space<vmem>> -> memref<1x128xi32, #tpu.memory_space<vmem>>
    %dma_wait3A_89 = tpu.memref_squeeze %dma_wait3A_88 : memref<1x128xi32, #tpu.memory_space<vmem>> -> memref<128xi32, #tpu.memory_space<vmem>>
    %dma_wait3A_90 = arith.constant 0 : i32
    %dma_wait3A_91 = arith.constant 0 : i32
    %dma_wait3A_92 = tpu.memref_slice %arg6[%dma_wait3A_90, %dma_wait3A_91] : memref<10240x128xbf16, #tpu.memory_space<vmem_shared>> -> memref<10240x128xbf16, #tpu.memory_space<vmem_shared>>
    tpu.wait_indirect_dma semaphore(%arg22 : memref<!tpu.dma_semaphore, #tpu.memory_space<semaphore_mem>>) src(%arg13 : memref<128x128xbf16, #tpu.memory_space<vmem>>) dst(%dma_wait3A_92 : memref<10240x128xbf16, #tpu.memory_space<vmem_shared>>)
    %dma_wait3A_93 = arith.constant 1 : i32
    %dma_wait3A_94 = arith.constant 0 : i32
    %dma_wait3A_95 = tpu.memref_slice %arg10[%dma_wait3A_93, %dma_wait3A_94] : memref<2x128xi32, #tpu.memory_space<vmem>> -> memref<1x128xi32, #tpu.memory_space<vmem>>
    %dma_wait3A_96 = tpu.memref_squeeze %dma_wait3A_95 : memref<1x128xi32, #tpu.memory_space<vmem>> -> memref<128xi32, #tpu.memory_space<vmem>>
    %dma_wait3A_97 = arith.constant 0 : i32
    %dma_wait3A_98 = arith.constant 0 : i32
    %dma_wait3A_99 = tpu.memref_slice %arg6[%dma_wait3A_97, %dma_wait3A_98] : memref<10240x128xbf16, #tpu.memory_space<vmem_shared>> -> memref<10240x128xbf16, #tpu.memory_space<vmem_shared>>
    tpu.wait_indirect_dma semaphore(%arg23 : memref<!tpu.dma_semaphore, #tpu.memory_space<semaphore_mem>>) src(%arg14 : memref<128x128xbf16, #tpu.memory_space<vmem>>) dst(%dma_wait3A_99 : memref<10240x128xbf16, #tpu.memory_space<vmem_shared>>)
    %dma_wait3A_100 = arith.constant 1 : i32
    %dma_wait3A_101 = arith.constant 0 : i32
    %dma_wait3A_102 = tpu.memref_slice %arg11[%dma_wait3A_100, %dma_wait3A_101] : memref<2x128xi32, #tpu.memory_space<vmem>> -> memref<1x128xi32, #tpu.memory_space<vmem>>
    %dma_wait3A_103 = tpu.memref_squeeze %dma_wait3A_102 : memref<1x128xi32, #tpu.memory_space<vmem>> -> memref<128xi32, #tpu.memory_space<vmem>>
    %dma_wait3A_104 = arith.constant 0 : i32
    %dma_wait3A_105 = arith.constant 0 : i32
    %dma_wait3A_106 = tpu.memref_slice %arg6[%dma_wait3A_104, %dma_wait3A_105] : memref<10240x128xbf16, #tpu.memory_space<vmem_shared>> -> memref<10240x128xbf16, #tpu.memory_space<vmem_shared>>
    tpu.wait_indirect_dma semaphore(%arg24 : memref<!tpu.dma_semaphore, #tpu.memory_space<semaphore_mem>>) src(%arg15 : memref<128x128xbf16, #tpu.memory_space<vmem>>) dst(%dma_wait3A_106 : memref<10240x128xbf16, #tpu.memory_space<vmem_shared>>)
    %barrier3A_107 = arith.constant 0 : index
    tpu.barrier barrier_id(%barrier3A_107)
    %iota3A = tpu.iota {dimensions = array<i32: 0>} : vector<16xi32>
    %mul3A_108 = arith.constant 2 : i32
    %mul3A_109 = vector.broadcast %mul3A_108 : i32 to vector<16xi32>
    %mul3A_110 = arith.muli %iota3A, %mul3A_109 : vector<16xi32>
    %add3A_111 = arith.constant 1 : i32
    %add3A_112 = vector.broadcast %add3A_111 : i32 to vector<16xi32>
    %add3A_113 = arith.addi %mul3A_110, %add3A_112 : vector<16xi32>
    %broadcast_in_dim3A_114 = arith.constant -65536 : i32
    %broadcast_in_dim3A_115 = vector.broadcast %broadcast_in_dim3A_114 : i32 to vector<16xi32>
    %add3A_116 = arith.constant 0 : i32
    %add3A_117 = arith.addi %mul3A_8, %add3A_116 : i32
    "tpu.region"() ({
      %run_scoped3A = tpu.sem_alloc : memref<!tpu.dma_semaphore, #tpu.memory_space<semaphore_mem>>
      %dma_start3A_166 = arith.constant 0 : i32
      %dma_start3A_167 = tpu.memref_slice %arg6[%add3A_117, %dma_start3A_166] : memref<10240x128xbf16, #tpu.memory_space<vmem_shared>> -> memref<128x128xbf16, #tpu.memory_space<vmem_shared>>
      %dma_start3A_168 = arith.constant 0 : i32
      %dma_start3A_169 = tpu.memref_slice %arg6[%add3A_117, %dma_start3A_168] : memref<10240x128xbf16, #tpu.memory_space<vmem_shared>> -> memref<128x128xbf16, #tpu.memory_space<vmem_shared>>
      tpu.enqueue_dma source(%dma_start3A_169 : memref<128x128xbf16, #tpu.memory_space<vmem_shared>>) target(%arg12 : memref<128x128xbf16, #tpu.memory_space<vmem>>) target_semaphore(%run_scoped3A : memref<!tpu.dma_semaphore, #tpu.memory_space<semaphore_mem>>)
      %dma_wait3A_170 = arith.constant 0 : i32
      %dma_wait3A_171 = tpu.memref_slice %arg6[%add3A_117, %dma_wait3A_170] : memref<10240x128xbf16, #tpu.memory_space<vmem_shared>> -> memref<128x128xbf16, #tpu.memory_space<vmem_shared>>
      %dma_wait3A_172 = arith.constant 0 : i32
      %dma_wait3A_173 = tpu.memref_slice %arg6[%add3A_117, %dma_wait3A_172] : memref<10240x128xbf16, #tpu.memory_space<vmem_shared>> -> memref<128x128xbf16, #tpu.memory_space<vmem_shared>>
      tpu.wait_dma2 semaphore(%run_scoped3A : memref<!tpu.dma_semaphore, #tpu.memory_space<semaphore_mem>>) src(%dma_wait3A_173 : memref<128x128xbf16, #tpu.memory_space<vmem_shared>>) dst(%arg12 : memref<128x128xbf16, #tpu.memory_space<vmem>>)
      tpu.yield
    }) : () -> ()
    %scan3A_118 = arith.constant 0 : i32
    %scan3A_119 = arith.constant 0 : i32
    %scan3A_120 = arith.constant 128 : i32
    %scan3A_121 = arith.addi %scan3A_119, %scan3A_120 : i32
    %scan3A_122 = arith.constant 1 : i32
    scf.for %scan3A_166 = %scan3A_119 to %scan3A_121 step %scan3A_122  : i32 {
      %broadcast_in_dim3A_167 = vector.broadcast %scan3A_166 : i32 to vector<16xi32>
      %get3A = arith.index_cast %scan3A_166 : i32 to index
      %get3A_168 = arith.constant 0 : index
      %get3A_169 = tpu.vector_load %arg12[%get3A, %get3A_168] {strides = array<i32>} : memref<128x128xbf16, #tpu.memory_space<vmem>>, vector<32xbf16>,
      %bitcast3A = vector.bitcast %get3A_169 : vector<32xbf16> to vector<16xi32>
      %shift_left3A = arith.constant 16 : i32
      %shift_left3A_170 = vector.broadcast %shift_left3A : i32 to vector<16xi32>
      %shift_left3A_171 = arith.shli %bitcast3A, %shift_left3A_170 : vector<16xi32>
      %bitcast3A_172 = vector.bitcast %shift_left3A_171 : vector<16xi32> to vector<16xf32>
      %and3A = arith.andi %bitcast3A, %broadcast_in_dim3A_115 : vector<16xi32>
      %bitcast3A_173 = vector.bitcast %and3A : vector<16xi32> to vector<16xf32>
      %broadcast_in_dim3A_174 = arith.constant 0 : i32
      %broadcast_in_dim3A_175 = vector.broadcast %broadcast_in_dim3A_174 : i32 to vector<16xi32>
      %add3A_176 = arith.addi %broadcast_in_dim3A_175, %mul3A_110 : vector<16xi32>
      tpu.vector_store_idx %arg16[%broadcast_in_dim3A_167, %add3A_176], %bitcast3A_172 : memref<128x128xf32, #tpu.memory_space<vmem>>[vector<16xi32>, vector<16xi32>], vector<16xf32>,
      %add3A_177 = arith.addi %broadcast_in_dim3A_175, %add3A_113 : vector<16xi32>
      tpu.vector_store_idx %arg16[%broadcast_in_dim3A_167, %add3A_177], %bitcast3A_173 : memref<128x128xf32, #tpu.memory_space<vmem>>[vector<16xi32>, vector<16xi32>], vector<16xf32>,
      %get3A_178 = arith.index_cast %scan3A_166 : i32 to index
      %get3A_179 = arith.constant 32 : index
      %get3A_180 = tpu.vector_load %arg12[%get3A_178, %get3A_179] {strides = array<i32>} : memref<128x128xbf16, #tpu.memory_space<vmem>>, vector<32xbf16>,
      %bitcast3A_181 = vector.bitcast %get3A_180 : vector<32xbf16> to vector<16xi32>
      %shift_left3A_182 = arith.constant 16 : i32
      %shift_left3A_183 = vector.broadcast %shift_left3A_182 : i32 to vector<16xi32>
      %shift_left3A_184 = arith.shli %bitcast3A_181, %shift_left3A_183 : vector<16xi32>
      %bitcast3A_185 = vector.bitcast %shift_left3A_184 : vector<16xi32> to vector<16xf32>
      %and3A_186 = arith.andi %bitcast3A_181, %broadcast_in_dim3A_115 : vector<16xi32>
      %bitcast3A_187 = vector.bitcast %and3A_186 : vector<16xi32> to vector<16xf32>
      %broadcast_in_dim3A_188 = arith.constant 32 : i32
      %broadcast_in_dim3A_189 = vector.broadcast %broadcast_in_dim3A_188 : i32 to vector<16xi32>
      %add3A_190 = arith.addi %broadcast_in_dim3A_189, %mul3A_110 : vector<16xi32>
      tpu.vector_store_idx %arg16[%broadcast_in_dim3A_167, %add3A_190], %bitcast3A_185 : memref<128x128xf32, #tpu.memory_space<vmem>>[vector<16xi32>, vector<16xi32>], vector<16xf32>,
      %add3A_191 = arith.addi %broadcast_in_dim3A_189, %add3A_113 : vector<16xi32>
      tpu.vector_store_idx %arg16[%broadcast_in_dim3A_167, %add3A_191], %bitcast3A_187 : memref<128x128xf32, #tpu.memory_space<vmem>>[vector<16xi32>, vector<16xi32>], vector<16xf32>,
      %get3A_192 = arith.index_cast %scan3A_166 : i32 to index
      %get3A_193 = arith.constant 64 : index
      %get3A_194 = tpu.vector_load %arg12[%get3A_192, %get3A_193] {strides = array<i32>} : memref<128x128xbf16, #tpu.memory_space<vmem>>, vector<32xbf16>,
      %bitcast3A_195 = vector.bitcast %get3A_194 : vector<32xbf16> to vector<16xi32>
      %shift_left3A_196 = arith.constant 16 : i32
      %shift_left3A_197 = vector.broadcast %shift_left3A_196 : i32 to vector<16xi32>
      %shift_left3A_198 = arith.shli %bitcast3A_195, %shift_left3A_197 : vector<16xi32>
      %bitcast3A_199 = vector.bitcast %shift_left3A_198 : vector<16xi32> to vector<16xf32>
      %and3A_200 = arith.andi %bitcast3A_195, %broadcast_in_dim3A_115 : vector<16xi32>
      %bitcast3A_201 = vector.bitcast %and3A_200 : vector<16xi32> to vector<16xf32>
      %broadcast_in_dim3A_202 = arith.constant 64 : i32
      %broadcast_in_dim3A_203 = vector.broadcast %broadcast_in_dim3A_202 : i32 to vector<16xi32>
      %add3A_204 = arith.addi %broadcast_in_dim3A_203, %mul3A_110 : vector<16xi32>
      tpu.vector_store_idx %arg16[%broadcast_in_dim3A_167, %add3A_204], %bitcast3A_199 : memref<128x128xf32, #tpu.memory_space<vmem>>[vector<16xi32>, vector<16xi32>], vector<16xf32>,
      %add3A_205 = arith.addi %broadcast_in_dim3A_203, %add3A_113 : vector<16xi32>
      tpu.vector_store_idx %arg16[%broadcast_in_dim3A_167, %add3A_205], %bitcast3A_201 : memref<128x128xf32, #tpu.memory_space<vmem>>[vector<16xi32>, vector<16xi32>], vector<16xf32>,
      %get3A_206 = arith.index_cast %scan3A_166 : i32 to index
      %get3A_207 = arith.constant 96 : index
      %get3A_208 = tpu.vector_load %arg12[%get3A_206, %get3A_207] {strides = array<i32>} : memref<128x128xbf16, #tpu.memory_space<vmem>>, vector<32xbf16>,
      %bitcast3A_209 = vector.bitcast %get3A_208 : vector<32xbf16> to vector<16xi32>
      %shift_left3A_210 = arith.constant 16 : i32
      %shift_left3A_211 = vector.broadcast %shift_left3A_210 : i32 to vector<16xi32>
      %shift_left3A_212 = arith.shli %bitcast3A_209, %shift_left3A_211 : vector<16xi32>
      %bitcast3A_213 = vector.bitcast %shift_left3A_212 : vector<16xi32> to vector<16xf32>
      %and3A_214 = arith.andi %bitcast3A_209, %broadcast_in_dim3A_115 : vector<16xi32>
      %bitcast3A_215 = vector.bitcast %and3A_214 : vector<16xi32> to vector<16xf32>
      %broadcast_in_dim3A_216 = arith.constant 96 : i32
      %broadcast_in_dim3A_217 = vector.broadcast %broadcast_in_dim3A_216 : i32 to vector<16xi32>
      %add3A_218 = arith.addi %broadcast_in_dim3A_217, %mul3A_110 : vector<16xi32>
      tpu.vector_store_idx %arg16[%broadcast_in_dim3A_167, %add3A_218], %bitcast3A_213 : memref<128x128xf32, #tpu.memory_space<vmem>>[vector<16xi32>, vector<16xi32>], vector<16xf32>,
      %add3A_219 = arith.addi %broadcast_in_dim3A_217, %add3A_113 : vector<16xi32>
      tpu.vector_store_idx %arg16[%broadcast_in_dim3A_167, %add3A_219], %bitcast3A_215 : memref<128x128xf32, #tpu.memory_space<vmem>>[vector<16xi32>, vector<16xi32>], vector<16xf32>,
    }
    %scan3A_123 = arith.constant 128 : i32
    %add3A_124 = arith.constant 0 : i32
    %add3A_125 = arith.addi %mul3A_8, %add3A_124 : i32
    "tpu.region"() ({
      %run_scoped3A = tpu.sem_alloc : memref<!tpu.dma_semaphore, #tpu.memory_space<semaphore_mem>>
      %dma_start3A_166 = arith.constant 0 : i32
      %dma_start3A_167 = tpu.memref_slice %arg4[%arg0, %add3A_125, %dma_start3A_166] : memref<2x10240x128xf32, #tpu.memory_space<hbm>> -> memref<1x128x128xf32, #tpu.memory_space<hbm>>
      %dma_start3A_168 = tpu.memref_squeeze %dma_start3A_167 : memref<1x128x128xf32, #tpu.memory_space<hbm>> -> memref<128x128xf32, #tpu.memory_space<hbm>>
      %dma_start3A_169 = arith.constant 0 : i32
      %dma_start3A_170 = tpu.memref_slice %arg4[%arg0, %add3A_125, %dma_start3A_169] : memref<2x10240x128xf32, #tpu.memory_space<hbm>> -> memref<1x128x128xf32, #tpu.memory_space<hbm>>
      %dma_start3A_171 = tpu.memref_squeeze %dma_start3A_170 : memref<1x128x128xf32, #tpu.memory_space<hbm>> -> memref<128x128xf32, #tpu.memory_space<hbm>>
      tpu.enqueue_dma source(%arg16 : memref<128x128xf32, #tpu.memory_space<vmem>>) target(%dma_start3A_171 : memref<128x128xf32, #tpu.memory_space<hbm>>) target_semaphore(%run_scoped3A : memref<!tpu.dma_semaphore, #tpu.memory_space<semaphore_mem>>)
      %dma_wait3A_172 = arith.constant 0 : i32
      %dma_wait3A_173 = tpu.memref_slice %arg4[%arg0, %add3A_125, %dma_wait3A_172] : memref<2x10240x128xf32, #tpu.memory_space<hbm>> -> memref<1x128x128xf32, #tpu.memory_space<hbm>>
      %dma_wait3A_174 = tpu.memref_squeeze %dma_wait3A_173 : memref<1x128x128xf32, #tpu.memory_space<hbm>> -> memref<128x128xf32, #tpu.memory_space<hbm>>
      %dma_wait3A_175 = arith.constant 0 : i32
      %dma_wait3A_176 = tpu.memref_slice %arg4[%arg0, %add3A_125, %dma_wait3A_175] : memref<2x10240x128xf32, #tpu.memory_space<hbm>> -> memref<1x128x128xf32, #tpu.memory_space<hbm>>
      %dma_wait3A_177 = tpu.memref_squeeze %dma_wait3A_176 : memref<1x128x128xf32, #tpu.memory_space<hbm>> -> memref<128x128xf32, #tpu.memory_space<hbm>>
      tpu.wait_dma2 semaphore(%run_scoped3A : memref<!tpu.dma_semaphore, #tpu.memory_space<semaphore_mem>>) src(%arg16 : memref<128x128xf32, #tpu.memory_space<vmem>>) dst(%dma_wait3A_177 : memref<128x128xf32, #tpu.memory_space<hbm>>)
      tpu.yield
    }) : () -> ()
    %add3A_126 = arith.constant 128 : i32
    %add3A_127 = arith.addi %mul3A_8, %add3A_126 : i32
    "tpu.region"() ({
      %run_scoped3A = tpu.sem_alloc : memref<!tpu.dma_semaphore, #tpu.memory_space<semaphore_mem>>
      %dma_start3A_166 = arith.constant 0 : i32
      %dma_start3A_167 = tpu.memref_slice %arg6[%add3A_127, %dma_start3A_166] : memref<10240x128xbf16, #tpu.memory_space<vmem_shared>> -> memref<128x128xbf16, #tpu.memory_space<vmem_shared>>
      %dma_start3A_168 = arith.constant 0 : i32
      %dma_start3A_169 = tpu.memref_slice %arg6[%add3A_127, %dma_start3A_168] : memref<10240x128xbf16, #tpu.memory_space<vmem_shared>> -> memref<128x128xbf16, #tpu.memory_space<vmem_shared>>
      tpu.enqueue_dma source(%dma_start3A_169 : memref<128x128xbf16, #tpu.memory_space<vmem_shared>>) target(%arg12 : memref<128x128xbf16, #tpu.memory_space<vmem>>) target_semaphore(%run_scoped3A : memref<!tpu.dma_semaphore, #tpu.memory_space<semaphore_mem>>)
      %dma_wait3A_170 = arith.constant 0 : i32
      %dma_wait3A_171 = tpu.memref_slice %arg6[%add3A_127, %dma_wait3A_170] : memref<10240x128xbf16, #tpu.memory_space<vmem_shared>> -> memref<128x128xbf16, #tpu.memory_space<vmem_shared>>
      %dma_wait3A_172 = arith.constant 0 : i32
      %dma_wait3A_173 = tpu.memref_slice %arg6[%add3A_127, %dma_wait3A_172] : memref<10240x128xbf16, #tpu.memory_space<vmem_shared>> -> memref<128x128xbf16, #tpu.memory_space<vmem_shared>>
      tpu.wait_dma2 semaphore(%run_scoped3A : memref<!tpu.dma_semaphore, #tpu.memory_space<semaphore_mem>>) src(%dma_wait3A_173 : memref<128x128xbf16, #tpu.memory_space<vmem_shared>>) dst(%arg12 : memref<128x128xbf16, #tpu.memory_space<vmem>>)
      tpu.yield
    }) : () -> ()
    %scan3A_128 = arith.constant 0 : i32
    %scan3A_129 = arith.constant 0 : i32
    %scan3A_130 = arith.constant 128 : i32
    %scan3A_131 = arith.addi %scan3A_129, %scan3A_130 : i32
    %scan3A_132 = arith.constant 1 : i32
    scf.for %scan3A_166 = %scan3A_129 to %scan3A_131 step %scan3A_132  : i32 {
      %broadcast_in_dim3A_167 = vector.broadcast %scan3A_166 : i32 to vector<16xi32>
      %get3A = arith.index_cast %scan3A_166 : i32 to index
      %get3A_168 = arith.constant 0 : index
      %get3A_169 = tpu.vector_load %arg12[%get3A, %get3A_168] {strides = array<i32>} : memref<128x128xbf16, #tpu.memory_space<vmem>>, vector<32xbf16>,
      %bitcast3A = vector.bitcast %get3A_169 : vector<32xbf16> to vector<16xi32>
      %shift_left3A = arith.constant 16 : i32
      %shift_left3A_170 = vector.broadcast %shift_left3A : i32 to vector<16xi32>
      %shift_left3A_171 = arith.shli %bitcast3A, %shift_left3A_170 : vector<16xi32>
      %bitcast3A_172 = vector.bitcast %shift_left3A_171 : vector<16xi32> to vector<16xf32>
      %and3A = arith.andi %bitcast3A, %broadcast_in_dim3A_115 : vector<16xi32>
      %bitcast3A_173 = vector.bitcast %and3A : vector<16xi32> to vector<16xf32>
      %broadcast_in_dim3A_174 = arith.constant 0 : i32
      %broadcast_in_dim3A_175 = vector.broadcast %broadcast_in_dim3A_174 : i32 to vector<16xi32>
      %add3A_176 = arith.addi %broadcast_in_dim3A_175, %mul3A_110 : vector<16xi32>
      tpu.vector_store_idx %arg16[%broadcast_in_dim3A_167, %add3A_176], %bitcast3A_172 : memref<128x128xf32, #tpu.memory_space<vmem>>[vector<16xi32>, vector<16xi32>], vector<16xf32>,
      %add3A_177 = arith.addi %broadcast_in_dim3A_175, %add3A_113 : vector<16xi32>
      tpu.vector_store_idx %arg16[%broadcast_in_dim3A_167, %add3A_177], %bitcast3A_173 : memref<128x128xf32, #tpu.memory_space<vmem>>[vector<16xi32>, vector<16xi32>], vector<16xf32>,
      %get3A_178 = arith.index_cast %scan3A_166 : i32 to index
      %get3A_179 = arith.constant 32 : index
      %get3A_180 = tpu.vector_load %arg12[%get3A_178, %get3A_179] {strides = array<i32>} : memref<128x128xbf16, #tpu.memory_space<vmem>>, vector<32xbf16>,
      %bitcast3A_181 = vector.bitcast %get3A_180 : vector<32xbf16> to vector<16xi32>
      %shift_left3A_182 = arith.constant 16 : i32
      %shift_left3A_183 = vector.broadcast %shift_left3A_182 : i32 to vector<16xi32>
      %shift_left3A_184 = arith.shli %bitcast3A_181, %shift_left3A_183 : vector<16xi32>
      %bitcast3A_185 = vector.bitcast %shift_left3A_184 : vector<16xi32> to vector<16xf32>
      %and3A_186 = arith.andi %bitcast3A_181, %broadcast_in_dim3A_115 : vector<16xi32>
      %bitcast3A_187 = vector.bitcast %and3A_186 : vector<16xi32> to vector<16xf32>
      %broadcast_in_dim3A_188 = arith.constant 32 : i32
      %broadcast_in_dim3A_189 = vector.broadcast %broadcast_in_dim3A_188 : i32 to vector<16xi32>
      %add3A_190 = arith.addi %broadcast_in_dim3A_189, %mul3A_110 : vector<16xi32>
      tpu.vector_store_idx %arg16[%broadcast_in_dim3A_167, %add3A_190], %bitcast3A_185 : memref<128x128xf32, #tpu.memory_space<vmem>>[vector<16xi32>, vector<16xi32>], vector<16xf32>,
      %add3A_191 = arith.addi %broadcast_in_dim3A_189, %add3A_113 : vector<16xi32>
      tpu.vector_store_idx %arg16[%broadcast_in_dim3A_167, %add3A_191], %bitcast3A_187 : memref<128x128xf32, #tpu.memory_space<vmem>>[vector<16xi32>, vector<16xi32>], vector<16xf32>,
      %get3A_192 = arith.index_cast %scan3A_166 : i32 to index
      %get3A_193 = arith.constant 64 : index
      %get3A_194 = tpu.vector_load %arg12[%get3A_192, %get3A_193] {strides = array<i32>} : memref<128x128xbf16, #tpu.memory_space<vmem>>, vector<32xbf16>,
      %bitcast3A_195 = vector.bitcast %get3A_194 : vector<32xbf16> to vector<16xi32>
      %shift_left3A_196 = arith.constant 16 : i32
      %shift_left3A_197 = vector.broadcast %shift_left3A_196 : i32 to vector<16xi32>
      %shift_left3A_198 = arith.shli %bitcast3A_195, %shift_left3A_197 : vector<16xi32>
      %bitcast3A_199 = vector.bitcast %shift_left3A_198 : vector<16xi32> to vector<16xf32>
      %and3A_200 = arith.andi %bitcast3A_195, %broadcast_in_dim3A_115 : vector<16xi32>
      %bitcast3A_201 = vector.bitcast %and3A_200 : vector<16xi32> to vector<16xf32>
      %broadcast_in_dim3A_202 = arith.constant 64 : i32
      %broadcast_in_dim3A_203 = vector.broadcast %broadcast_in_dim3A_202 : i32 to vector<16xi32>
      %add3A_204 = arith.addi %broadcast_in_dim3A_203, %mul3A_110 : vector<16xi32>
      tpu.vector_store_idx %arg16[%broadcast_in_dim3A_167, %add3A_204], %bitcast3A_199 : memref<128x128xf32, #tpu.memory_space<vmem>>[vector<16xi32>, vector<16xi32>], vector<16xf32>,
      %add3A_205 = arith.addi %broadcast_in_dim3A_203, %add3A_113 : vector<16xi32>
      tpu.vector_store_idx %arg16[%broadcast_in_dim3A_167, %add3A_205], %bitcast3A_201 : memref<128x128xf32, #tpu.memory_space<vmem>>[vector<16xi32>, vector<16xi32>], vector<16xf32>,
      %get3A_206 = arith.index_cast %scan3A_166 : i32 to index
      %get3A_207 = arith.constant 96 : index
      %get3A_208 = tpu.vector_load %arg12[%get3A_206, %get3A_207] {strides = array<i32>} : memref<128x128xbf16, #tpu.memory_space<vmem>>, vector<32xbf16>,
      %bitcast3A_209 = vector.bitcast %get3A_208 : vector<32xbf16> to vector<16xi32>
      %shift_left3A_210 = arith.constant 16 : i32
      %shift_left3A_211 = vector.broadcast %shift_left3A_210 : i32 to vector<16xi32>
      %shift_left3A_212 = arith.shli %bitcast3A_209, %shift_left3A_211 : vector<16xi32>
      %bitcast3A_213 = vector.bitcast %shift_left3A_212 : vector<16xi32> to vector<16xf32>
      %and3A_214 = arith.andi %bitcast3A_209, %broadcast_in_dim3A_115 : vector<16xi32>
      %bitcast3A_215 = vector.bitcast %and3A_214 : vector<16xi32> to vector<16xf32>
      %broadcast_in_dim3A_216 = arith.constant 96 : i32
      %broadcast_in_dim3A_217 = vector.broadcast %broadcast_in_dim3A_216 : i32 to vector<16xi32>
      %add3A_218 = arith.addi %broadcast_in_dim3A_217, %mul3A_110 : vector<16xi32>
      tpu.vector_store_idx %arg16[%broadcast_in_dim3A_167, %add3A_218], %bitcast3A_213 : memref<128x128xf32, #tpu.memory_space<vmem>>[vector<16xi32>, vector<16xi32>], vector<16xf32>,
      %add3A_219 = arith.addi %broadcast_in_dim3A_217, %add3A_113 : vector<16xi32>
      tpu.vector_store_idx %arg16[%broadcast_in_dim3A_167, %add3A_219], %bitcast3A_215 : memref<128x128xf32, #tpu.memory_space<vmem>>[vector<16xi32>, vector<16xi32>], vector<16xf32>,
    }
    %scan3A_133 = arith.constant 128 : i32
    %add3A_134 = arith.constant 128 : i32
    %add3A_135 = arith.addi %mul3A_8, %add3A_134 : i32
    "tpu.region"() ({
      %run_scoped3A = tpu.sem_alloc : memref<!tpu.dma_semaphore, #tpu.memory_space<semaphore_mem>>
      %dma_start3A_166 = arith.constant 0 : i32
      %dma_start3A_167 = tpu.memref_slice %arg4[%arg0, %add3A_135, %dma_start3A_166] : memref<2x10240x128xf32, #tpu.memory_space<hbm>> -> memref<1x128x128xf32, #tpu.memory_space<hbm>>
      %dma_start3A_168 = tpu.memref_squeeze %dma_start3A_167 : memref<1x128x128xf32, #tpu.memory_space<hbm>> -> memref<128x128xf32, #tpu.memory_space<hbm>>
      %dma_start3A_169 = arith.constant 0 : i32
      %dma_start3A_170 = tpu.memref_slice %arg4[%arg0, %add3A_135, %dma_start3A_169] : memref<2x10240x128xf32, #tpu.memory_space<hbm>> -> memref<1x128x128xf32, #tpu.memory_space<hbm>>
      %dma_start3A_171 = tpu.memref_squeeze %dma_start3A_170 : memref<1x128x128xf32, #tpu.memory_space<hbm>> -> memref<128x128xf32, #tpu.memory_space<hbm>>
      tpu.enqueue_dma source(%arg16 : memref<128x128xf32, #tpu.memory_space<vmem>>) target(%dma_start3A_171 : memref<128x128xf32, #tpu.memory_space<hbm>>) target_semaphore(%run_scoped3A : memref<!tpu.dma_semaphore, #tpu.memory_space<semaphore_mem>>)
      %dma_wait3A_172 = arith.constant 0 : i32
      %dma_wait3A_173 = tpu.memref_slice %arg4[%arg0, %add3A_135, %dma_wait3A_172] : memref<2x10240x128xf32, #tpu.memory_space<hbm>> -> memref<1x128x128xf32, #tpu.memory_space<hbm>>
      %dma_wait3A_174 = tpu.memref_squeeze %dma_wait3A_173 : memref<1x128x128xf32, #tpu.memory_space<hbm>> -> memref<128x128xf32, #tpu.memory_space<hbm>>
      %dma_wait3A_175 = arith.constant 0 : i32
      %dma_wait3A_176 = tpu.memref_slice %arg4[%arg0, %add3A_135, %dma_wait3A_175] : memref<2x10240x128xf32, #tpu.memory_space<hbm>> -> memref<1x128x128xf32, #tpu.memory_space<hbm>>
      %dma_wait3A_177 = tpu.memref_squeeze %dma_wait3A_176 : memref<1x128x128xf32, #tpu.memory_space<hbm>> -> memref<128x128xf32, #tpu.memory_space<hbm>>
      tpu.wait_dma2 semaphore(%run_scoped3A : memref<!tpu.dma_semaphore, #tpu.memory_space<semaphore_mem>>) src(%arg16 : memref<128x128xf32, #tpu.memory_space<vmem>>) dst(%dma_wait3A_177 : memref<128x128xf32, #tpu.memory_space<hbm>>)
      tpu.yield
    }) : () -> ()
    %add3A_136 = arith.constant 256 : i32
    %add3A_137 = arith.addi %mul3A_8, %add3A_136 : i32
    "tpu.region"() ({
      %run_scoped3A = tpu.sem_alloc : memref<!tpu.dma_semaphore, #tpu.memory_space<semaphore_mem>>
      %dma_start3A_166 = arith.constant 0 : i32
      %dma_start3A_167 = tpu.memref_slice %arg6[%add3A_137, %dma_start3A_166] : memref<10240x128xbf16, #tpu.memory_space<vmem_shared>> -> memref<128x128xbf16, #tpu.memory_space<vmem_shared>>
      %dma_start3A_168 = arith.constant 0 : i32
      %dma_start3A_169 = tpu.memref_slice %arg6[%add3A_137, %dma_start3A_168] : memref<10240x128xbf16, #tpu.memory_space<vmem_shared>> -> memref<128x128xbf16, #tpu.memory_space<vmem_shared>>
      tpu.enqueue_dma source(%dma_start3A_169 : memref<128x128xbf16, #tpu.memory_space<vmem_shared>>) target(%arg12 : memref<128x128xbf16, #tpu.memory_space<vmem>>) target_semaphore(%run_scoped3A : memref<!tpu.dma_semaphore, #tpu.memory_space<semaphore_mem>>)
      %dma_wait3A_170 = arith.constant 0 : i32
      %dma_wait3A_171 = tpu.memref_slice %arg6[%add3A_137, %dma_wait3A_170] : memref<10240x128xbf16, #tpu.memory_space<vmem_shared>> -> memref<128x128xbf16, #tpu.memory_space<vmem_shared>>
      %dma_wait3A_172 = arith.constant 0 : i32
      %dma_wait3A_173 = tpu.memref_slice %arg6[%add3A_137, %dma_wait3A_172] : memref<10240x128xbf16, #tpu.memory_space<vmem_shared>> -> memref<128x128xbf16, #tpu.memory_space<vmem_shared>>
      tpu.wait_dma2 semaphore(%run_scoped3A : memref<!tpu.dma_semaphore, #tpu.memory_space<semaphore_mem>>) src(%dma_wait3A_173 : memref<128x128xbf16, #tpu.memory_space<vmem_shared>>) dst(%arg12 : memref<128x128xbf16, #tpu.memory_space<vmem>>)
      tpu.yield
    }) : () -> ()
    %scan3A_138 = arith.constant 0 : i32
    %scan3A_139 = arith.constant 0 : i32
    %scan3A_140 = arith.constant 128 : i32
    %scan3A_141 = arith.addi %scan3A_139, %scan3A_140 : i32
    %scan3A_142 = arith.constant 1 : i32
    scf.for %scan3A_166 = %scan3A_139 to %scan3A_141 step %scan3A_142  : i32 {
      %broadcast_in_dim3A_167 = vector.broadcast %scan3A_166 : i32 to vector<16xi32>
      %get3A = arith.index_cast %scan3A_166 : i32 to index
      %get3A_168 = arith.constant 0 : index
      %get3A_169 = tpu.vector_load %arg12[%get3A, %get3A_168] {strides = array<i32>} : memref<128x128xbf16, #tpu.memory_space<vmem>>, vector<32xbf16>,
      %bitcast3A = vector.bitcast %get3A_169 : vector<32xbf16> to vector<16xi32>
      %shift_left3A = arith.constant 16 : i32
      %shift_left3A_170 = vector.broadcast %shift_left3A : i32 to vector<16xi32>
      %shift_left3A_171 = arith.shli %bitcast3A, %shift_left3A_170 : vector<16xi32>
      %bitcast3A_172 = vector.bitcast %shift_left3A_171 : vector<16xi32> to vector<16xf32>
      %and3A = arith.andi %bitcast3A, %broadcast_in_dim3A_115 : vector<16xi32>
      %bitcast3A_173 = vector.bitcast %and3A : vector<16xi32> to vector<16xf32>
      %broadcast_in_dim3A_174 = arith.constant 0 : i32
      %broadcast_in_dim3A_175 = vector.broadcast %broadcast_in_dim3A_174 : i32 to vector<16xi32>
      %add3A_176 = arith.addi %broadcast_in_dim3A_175, %mul3A_110 : vector<16xi32>
      tpu.vector_store_idx %arg16[%broadcast_in_dim3A_167, %add3A_176], %bitcast3A_172 : memref<128x128xf32, #tpu.memory_space<vmem>>[vector<16xi32>, vector<16xi32>], vector<16xf32>,
      %add3A_177 = arith.addi %broadcast_in_dim3A_175, %add3A_113 : vector<16xi32>
      tpu.vector_store_idx %arg16[%broadcast_in_dim3A_167, %add3A_177], %bitcast3A_173 : memref<128x128xf32, #tpu.memory_space<vmem>>[vector<16xi32>, vector<16xi32>], vector<16xf32>,
      %get3A_178 = arith.index_cast %scan3A_166 : i32 to index
      %get3A_179 = arith.constant 32 : index
      %get3A_180 = tpu.vector_load %arg12[%get3A_178, %get3A_179] {strides = array<i32>} : memref<128x128xbf16, #tpu.memory_space<vmem>>, vector<32xbf16>,
      %bitcast3A_181 = vector.bitcast %get3A_180 : vector<32xbf16> to vector<16xi32>
      %shift_left3A_182 = arith.constant 16 : i32
      %shift_left3A_183 = vector.broadcast %shift_left3A_182 : i32 to vector<16xi32>
      %shift_left3A_184 = arith.shli %bitcast3A_181, %shift_left3A_183 : vector<16xi32>
      %bitcast3A_185 = vector.bitcast %shift_left3A_184 : vector<16xi32> to vector<16xf32>
      %and3A_186 = arith.andi %bitcast3A_181, %broadcast_in_dim3A_115 : vector<16xi32>
      %bitcast3A_187 = vector.bitcast %and3A_186 : vector<16xi32> to vector<16xf32>
      %broadcast_in_dim3A_188 = arith.constant 32 : i32
      %broadcast_in_dim3A_189 = vector.broadcast %broadcast_in_dim3A_188 : i32 to vector<16xi32>
      %add3A_190 = arith.addi %broadcast_in_dim3A_189, %mul3A_110 : vector<16xi32>
      tpu.vector_store_idx %arg16[%broadcast_in_dim3A_167, %add3A_190], %bitcast3A_185 : memref<128x128xf32, #tpu.memory_space<vmem>>[vector<16xi32>, vector<16xi32>], vector<16xf32>,
      %add3A_191 = arith.addi %broadcast_in_dim3A_189, %add3A_113 : vector<16xi32>
      tpu.vector_store_idx %arg16[%broadcast_in_dim3A_167, %add3A_191], %bitcast3A_187 : memref<128x128xf32, #tpu.memory_space<vmem>>[vector<16xi32>, vector<16xi32>], vector<16xf32>,
      %get3A_192 = arith.index_cast %scan3A_166 : i32 to index
      %get3A_193 = arith.constant 64 : index
      %get3A_194 = tpu.vector_load %arg12[%get3A_192, %get3A_193] {strides = array<i32>} : memref<128x128xbf16, #tpu.memory_space<vmem>>, vector<32xbf16>,
      %bitcast3A_195 = vector.bitcast %get3A_194 : vector<32xbf16> to vector<16xi32>
      %shift_left3A_196 = arith.constant 16 : i32
      %shift_left3A_197 = vector.broadcast %shift_left3A_196 : i32 to vector<16xi32>
      %shift_left3A_198 = arith.shli %bitcast3A_195, %shift_left3A_197 : vector<16xi32>
      %bitcast3A_199 = vector.bitcast %shift_left3A_198 : vector<16xi32> to vector<16xf32>
      %and3A_200 = arith.andi %bitcast3A_195, %broadcast_in_dim3A_115 : vector<16xi32>
      %bitcast3A_201 = vector.bitcast %and3A_200 : vector<16xi32> to vector<16xf32>
      %broadcast_in_dim3A_202 = arith.constant 64 : i32
      %broadcast_in_dim3A_203 = vector.broadcast %broadcast_in_dim3A_202 : i32 to vector<16xi32>
      %add3A_204 = arith.addi %broadcast_in_dim3A_203, %mul3A_110 : vector<16xi32>
      tpu.vector_store_idx %arg16[%broadcast_in_dim3A_167, %add3A_204], %bitcast3A_199 : memref<128x128xf32, #tpu.memory_space<vmem>>[vector<16xi32>, vector<16xi32>], vector<16xf32>,
      %add3A_205 = arith.addi %broadcast_in_dim3A_203, %add3A_113 : vector<16xi32>
      tpu.vector_store_idx %arg16[%broadcast_in_dim3A_167, %add3A_205], %bitcast3A_201 : memref<128x128xf32, #tpu.memory_space<vmem>>[vector<16xi32>, vector<16xi32>], vector<16xf32>,
      %get3A_206 = arith.index_cast %scan3A_166 : i32 to index
      %get3A_207 = arith.constant 96 : index
      %get3A_208 = tpu.vector_load %arg12[%get3A_206, %get3A_207] {strides = array<i32>} : memref<128x128xbf16, #tpu.memory_space<vmem>>, vector<32xbf16>,
      %bitcast3A_209 = vector.bitcast %get3A_208 : vector<32xbf16> to vector<16xi32>
      %shift_left3A_210 = arith.constant 16 : i32
      %shift_left3A_211 = vector.broadcast %shift_left3A_210 : i32 to vector<16xi32>
      %shift_left3A_212 = arith.shli %bitcast3A_209, %shift_left3A_211 : vector<16xi32>
      %bitcast3A_213 = vector.bitcast %shift_left3A_212 : vector<16xi32> to vector<16xf32>
      %and3A_214 = arith.andi %bitcast3A_209, %broadcast_in_dim3A_115 : vector<16xi32>
      %bitcast3A_215 = vector.bitcast %and3A_214 : vector<16xi32> to vector<16xf32>
      %broadcast_in_dim3A_216 = arith.constant 96 : i32
      %broadcast_in_dim3A_217 = vector.broadcast %broadcast_in_dim3A_216 : i32 to vector<16xi32>
      %add3A_218 = arith.addi %broadcast_in_dim3A_217, %mul3A_110 : vector<16xi32>
      tpu.vector_store_idx %arg16[%broadcast_in_dim3A_167, %add3A_218], %bitcast3A_213 : memref<128x128xf32, #tpu.memory_space<vmem>>[vector<16xi32>, vector<16xi32>], vector<16xf32>,
      %add3A_219 = arith.addi %broadcast_in_dim3A_217, %add3A_113 : vector<16xi32>
      tpu.vector_store_idx %arg16[%broadcast_in_dim3A_167, %add3A_219], %bitcast3A_215 : memref<128x128xf32, #tpu.memory_space<vmem>>[vector<16xi32>, vector<16xi32>], vector<16xf32>,
    }
    %scan3A_143 = arith.constant 128 : i32
    %add3A_144 = arith.constant 256 : i32
    %add3A_145 = arith.addi %mul3A_8, %add3A_144 : i32
    "tpu.region"() ({
      %run_scoped3A = tpu.sem_alloc : memref<!tpu.dma_semaphore, #tpu.memory_space<semaphore_mem>>
      %dma_start3A_166 = arith.constant 0 : i32
      %dma_start3A_167 = tpu.memref_slice %arg4[%arg0, %add3A_145, %dma_start3A_166] : memref<2x10240x128xf32, #tpu.memory_space<hbm>> -> memref<1x128x128xf32, #tpu.memory_space<hbm>>
      %dma_start3A_168 = tpu.memref_squeeze %dma_start3A_167 : memref<1x128x128xf32, #tpu.memory_space<hbm>> -> memref<128x128xf32, #tpu.memory_space<hbm>>
      %dma_start3A_169 = arith.constant 0 : i32
      %dma_start3A_170 = tpu.memref_slice %arg4[%arg0, %add3A_145, %dma_start3A_169] : memref<2x10240x128xf32, #tpu.memory_space<hbm>> -> memref<1x128x128xf32, #tpu.memory_space<hbm>>
      %dma_start3A_171 = tpu.memref_squeeze %dma_start3A_170 : memref<1x128x128xf32, #tpu.memory_space<hbm>> -> memref<128x128xf32, #tpu.memory_space<hbm>>
      tpu.enqueue_dma source(%arg16 : memref<128x128xf32, #tpu.memory_space<vmem>>) target(%dma_start3A_171 : memref<128x128xf32, #tpu.memory_space<hbm>>) target_semaphore(%run_scoped3A : memref<!tpu.dma_semaphore, #tpu.memory_space<semaphore_mem>>)
      %dma_wait3A_172 = arith.constant 0 : i32
      %dma_wait3A_173 = tpu.memref_slice %arg4[%arg0, %add3A_145, %dma_wait3A_172] : memref<2x10240x128xf32, #tpu.memory_space<hbm>> -> memref<1x128x128xf32, #tpu.memory_space<hbm>>
      %dma_wait3A_174 = tpu.memref_squeeze %dma_wait3A_173 : memref<1x128x128xf32, #tpu.memory_space<hbm>> -> memref<128x128xf32, #tpu.memory_space<hbm>>
      %dma_wait3A_175 = arith.constant 0 : i32
      %dma_wait3A_176 = tpu.memref_slice %arg4[%arg0, %add3A_145, %dma_wait3A_175] : memref<2x10240x128xf32, #tpu.memory_space<hbm>> -> memref<1x128x128xf32, #tpu.memory_space<hbm>>
      %dma_wait3A_177 = tpu.memref_squeeze %dma_wait3A_176 : memref<1x128x128xf32, #tpu.memory_space<hbm>> -> memref<128x128xf32, #tpu.memory_space<hbm>>
      tpu.wait_dma2 semaphore(%run_scoped3A : memref<!tpu.dma_semaphore, #tpu.memory_space<semaphore_mem>>) src(%arg16 : memref<128x128xf32, #tpu.memory_space<vmem>>) dst(%dma_wait3A_177 : memref<128x128xf32, #tpu.memory_space<hbm>>)
      tpu.yield
    }) : () -> ()
    %add3A_146 = arith.constant 384 : i32
    %add3A_147 = arith.addi %mul3A_8, %add3A_146 : i32
    "tpu.region"() ({
      %run_scoped3A = tpu.sem_alloc : memref<!tpu.dma_semaphore, #tpu.memory_space<semaphore_mem>>
      %dma_start3A_166 = arith.constant 0 : i32
      %dma_start3A_167 = tpu.memref_slice %arg6[%add3A_147, %dma_start3A_166] : memref<10240x128xbf16, #tpu.memory_space<vmem_shared>> -> memref<128x128xbf16, #tpu.memory_space<vmem_shared>>
      %dma_start3A_168 = arith.constant 0 : i32
      %dma_start3A_169 = tpu.memref_slice %arg6[%add3A_147, %dma_start3A_168] : memref<10240x128xbf16, #tpu.memory_space<vmem_shared>> -> memref<128x128xbf16, #tpu.memory_space<vmem_shared>>
      tpu.enqueue_dma source(%dma_start3A_169 : memref<128x128xbf16, #tpu.memory_space<vmem_shared>>) target(%arg12 : memref<128x128xbf16, #tpu.memory_space<vmem>>) target_semaphore(%run_scoped3A : memref<!tpu.dma_semaphore, #tpu.memory_space<semaphore_mem>>)
      %dma_wait3A_170 = arith.constant 0 : i32
      %dma_wait3A_171 = tpu.memref_slice %arg6[%add3A_147, %dma_wait3A_170] : memref<10240x128xbf16, #tpu.memory_space<vmem_shared>> -> memref<128x128xbf16, #tpu.memory_space<vmem_shared>>
      %dma_wait3A_172 = arith.constant 0 : i32
      %dma_wait3A_173 = tpu.memref_slice %arg6[%add3A_147, %dma_wait3A_172] : memref<10240x128xbf16, #tpu.memory_space<vmem_shared>> -> memref<128x128xbf16, #tpu.memory_space<vmem_shared>>
      tpu.wait_dma2 semaphore(%run_scoped3A : memref<!tpu.dma_semaphore, #tpu.memory_space<semaphore_mem>>) src(%dma_wait3A_173 : memref<128x128xbf16, #tpu.memory_space<vmem_shared>>) dst(%arg12 : memref<128x128xbf16, #tpu.memory_space<vmem>>)
      tpu.yield
    }) : () -> ()
    %scan3A_148 = arith.constant 0 : i32
    %scan3A_149 = arith.constant 0 : i32
    %scan3A_150 = arith.constant 128 : i32
    %scan3A_151 = arith.addi %scan3A_149, %scan3A_150 : i32
    %scan3A_152 = arith.constant 1 : i32
    scf.for %scan3A_166 = %scan3A_149 to %scan3A_151 step %scan3A_152  : i32 {
      %broadcast_in_dim3A_167 = vector.broadcast %scan3A_166 : i32 to vector<16xi32>
      %get3A = arith.index_cast %scan3A_166 : i32 to index
      %get3A_168 = arith.constant 0 : index
      %get3A_169 = tpu.vector_load %arg12[%get3A, %get3A_168] {strides = array<i32>} : memref<128x128xbf16, #tpu.memory_space<vmem>>, vector<32xbf16>,
      %bitcast3A = vector.bitcast %get3A_169 : vector<32xbf16> to vector<16xi32>
      %shift_left3A = arith.constant 16 : i32
      %shift_left3A_170 = vector.broadcast %shift_left3A : i32 to vector<16xi32>
      %shift_left3A_171 = arith.shli %bitcast3A, %shift_left3A_170 : vector<16xi32>
      %bitcast3A_172 = vector.bitcast %shift_left3A_171 : vector<16xi32> to vector<16xf32>
      %and3A = arith.andi %bitcast3A, %broadcast_in_dim3A_115 : vector<16xi32>
      %bitcast3A_173 = vector.bitcast %and3A : vector<16xi32> to vector<16xf32>
      %broadcast_in_dim3A_174 = arith.constant 0 : i32
      %broadcast_in_dim3A_175 = vector.broadcast %broadcast_in_dim3A_174 : i32 to vector<16xi32>
      %add3A_176 = arith.addi %broadcast_in_dim3A_175, %mul3A_110 : vector<16xi32>
      tpu.vector_store_idx %arg16[%broadcast_in_dim3A_167, %add3A_176], %bitcast3A_172 : memref<128x128xf32, #tpu.memory_space<vmem>>[vector<16xi32>, vector<16xi32>], vector<16xf32>,
      %add3A_177 = arith.addi %broadcast_in_dim3A_175, %add3A_113 : vector<16xi32>
      tpu.vector_store_idx %arg16[%broadcast_in_dim3A_167, %add3A_177], %bitcast3A_173 : memref<128x128xf32, #tpu.memory_space<vmem>>[vector<16xi32>, vector<16xi32>], vector<16xf32>,
      %get3A_178 = arith.index_cast %scan3A_166 : i32 to index
      %get3A_179 = arith.constant 32 : index
      %get3A_180 = tpu.vector_load %arg12[%get3A_178, %get3A_179] {strides = array<i32>} : memref<128x128xbf16, #tpu.memory_space<vmem>>, vector<32xbf16>,
      %bitcast3A_181 = vector.bitcast %get3A_180 : vector<32xbf16> to vector<16xi32>
      %shift_left3A_182 = arith.constant 16 : i32
      %shift_left3A_183 = vector.broadcast %shift_left3A_182 : i32 to vector<16xi32>
      %shift_left3A_184 = arith.shli %bitcast3A_181, %shift_left3A_183 : vector<16xi32>
      %bitcast3A_185 = vector.bitcast %shift_left3A_184 : vector<16xi32> to vector<16xf32>
      %and3A_186 = arith.andi %bitcast3A_181, %broadcast_in_dim3A_115 : vector<16xi32>
      %bitcast3A_187 = vector.bitcast %and3A_186 : vector<16xi32> to vector<16xf32>
      %broadcast_in_dim3A_188 = arith.constant 32 : i32
      %broadcast_in_dim3A_189 = vector.broadcast %broadcast_in_dim3A_188 : i32 to vector<16xi32>
      %add3A_190 = arith.addi %broadcast_in_dim3A_189, %mul3A_110 : vector<16xi32>
      tpu.vector_store_idx %arg16[%broadcast_in_dim3A_167, %add3A_190], %bitcast3A_185 : memref<128x128xf32, #tpu.memory_space<vmem>>[vector<16xi32>, vector<16xi32>], vector<16xf32>,
      %add3A_191 = arith.addi %broadcast_in_dim3A_189, %add3A_113 : vector<16xi32>
      tpu.vector_store_idx %arg16[%broadcast_in_dim3A_167, %add3A_191], %bitcast3A_187 : memref<128x128xf32, #tpu.memory_space<vmem>>[vector<16xi32>, vector<16xi32>], vector<16xf32>,
      %get3A_192 = arith.index_cast %scan3A_166 : i32 to index
      %get3A_193 = arith.constant 64 : index
      %get3A_194 = tpu.vector_load %arg12[%get3A_192, %get3A_193] {strides = array<i32>} : memref<128x128xbf16, #tpu.memory_space<vmem>>, vector<32xbf16>,
      %bitcast3A_195 = vector.bitcast %get3A_194 : vector<32xbf16> to vector<16xi32>
      %shift_left3A_196 = arith.constant 16 : i32
      %shift_left3A_197 = vector.broadcast %shift_left3A_196 : i32 to vector<16xi32>
      %shift_left3A_198 = arith.shli %bitcast3A_195, %shift_left3A_197 : vector<16xi32>
      %bitcast3A_199 = vector.bitcast %shift_left3A_198 : vector<16xi32> to vector<16xf32>
      %and3A_200 = arith.andi %bitcast3A_195, %broadcast_in_dim3A_115 : vector<16xi32>
      %bitcast3A_201 = vector.bitcast %and3A_200 : vector<16xi32> to vector<16xf32>
      %broadcast_in_dim3A_202 = arith.constant 64 : i32
      %broadcast_in_dim3A_203 = vector.broadcast %broadcast_in_dim3A_202 : i32 to vector<16xi32>
      %add3A_204 = arith.addi %broadcast_in_dim3A_203, %mul3A_110 : vector<16xi32>
      tpu.vector_store_idx %arg16[%broadcast_in_dim3A_167, %add3A_204], %bitcast3A_199 : memref<128x128xf32, #tpu.memory_space<vmem>>[vector<16xi32>, vector<16xi32>], vector<16xf32>,
      %add3A_205 = arith.addi %broadcast_in_dim3A_203, %add3A_113 : vector<16xi32>
      tpu.vector_store_idx %arg16[%broadcast_in_dim3A_167, %add3A_205], %bitcast3A_201 : memref<128x128xf32, #tpu.memory_space<vmem>>[vector<16xi32>, vector<16xi32>], vector<16xf32>,
      %get3A_206 = arith.index_cast %scan3A_166 : i32 to index
      %get3A_207 = arith.constant 96 : index
      %get3A_208 = tpu.vector_load %arg12[%get3A_206, %get3A_207] {strides = array<i32>} : memref<128x128xbf16, #tpu.memory_space<vmem>>, vector<32xbf16>,
      %bitcast3A_209 = vector.bitcast %get3A_208 : vector<32xbf16> to vector<16xi32>
      %shift_left3A_210 = arith.constant 16 : i32
      %shift_left3A_211 = vector.broadcast %shift_left3A_210 : i32 to vector<16xi32>
      %shift_left3A_212 = arith.shli %bitcast3A_209, %shift_left3A_211 : vector<16xi32>
      %bitcast3A_213 = vector.bitcast %shift_left3A_212 : vector<16xi32> to vector<16xf32>
      %and3A_214 = arith.andi %bitcast3A_209, %broadcast_in_dim3A_115 : vector<16xi32>
      %bitcast3A_215 = vector.bitcast %and3A_214 : vector<16xi32> to vector<16xf32>
      %broadcast_in_dim3A_216 = arith.constant 96 : i32
      %broadcast_in_dim3A_217 = vector.broadcast %broadcast_in_dim3A_216 : i32 to vector<16xi32>
      %add3A_218 = arith.addi %broadcast_in_dim3A_217, %mul3A_110 : vector<16xi32>
      tpu.vector_store_idx %arg16[%broadcast_in_dim3A_167, %add3A_218], %bitcast3A_213 : memref<128x128xf32, #tpu.memory_space<vmem>>[vector<16xi32>, vector<16xi32>], vector<16xf32>,
      %add3A_219 = arith.addi %broadcast_in_dim3A_217, %add3A_113 : vector<16xi32>
      tpu.vector_store_idx %arg16[%broadcast_in_dim3A_167, %add3A_219], %bitcast3A_215 : memref<128x128xf32, #tpu.memory_space<vmem>>[vector<16xi32>, vector<16xi32>], vector<16xf32>,
    }
    %scan3A_153 = arith.constant 128 : i32
    %add3A_154 = arith.constant 384 : i32
    %add3A_155 = arith.addi %mul3A_8, %add3A_154 : i32
    "tpu.region"() ({
      %run_scoped3A = tpu.sem_alloc : memref<!tpu.dma_semaphore, #tpu.memory_space<semaphore_mem>>
      %dma_start3A_166 = arith.constant 0 : i32
      %dma_start3A_167 = tpu.memref_slice %arg4[%arg0, %add3A_155, %dma_start3A_166] : memref<2x10240x128xf32, #tpu.memory_space<hbm>> -> memref<1x128x128xf32, #tpu.memory_space<hbm>>
      %dma_start3A_168 = tpu.memref_squeeze %dma_start3A_167 : memref<1x128x128xf32, #tpu.memory_space<hbm>> -> memref<128x128xf32, #tpu.memory_space<hbm>>
      %dma_start3A_169 = arith.constant 0 : i32
      %dma_start3A_170 = tpu.memref_slice %arg4[%arg0, %add3A_155, %dma_start3A_169] : memref<2x10240x128xf32, #tpu.memory_space<hbm>> -> memref<1x128x128xf32, #tpu.memory_space<hbm>>
      %dma_start3A_171 = tpu.memref_squeeze %dma_start3A_170 : memref<1x128x128xf32, #tpu.memory_space<hbm>> -> memref<128x128xf32, #tpu.memory_space<hbm>>
      tpu.enqueue_dma source(%arg16 : memref<128x128xf32, #tpu.memory_space<vmem>>) target(%dma_start3A_171 : memref<128x128xf32, #tpu.memory_space<hbm>>) target_semaphore(%run_scoped3A : memref<!tpu.dma_semaphore, #tpu.memory_space<semaphore_mem>>)
      %dma_wait3A_172 = arith.constant 0 : i32
      %dma_wait3A_173 = tpu.memref_slice %arg4[%arg0, %add3A_155, %dma_wait3A_172] : memref<2x10240x128xf32, #tpu.memory_space<hbm>> -> memref<1x128x128xf32, #tpu.memory_space<hbm>>
      %dma_wait3A_174 = tpu.memref_squeeze %dma_wait3A_173 : memref<1x128x128xf32, #tpu.memory_space<hbm>> -> memref<128x128xf32, #tpu.memory_space<hbm>>
      %dma_wait3A_175 = arith.constant 0 : i32
      %dma_wait3A_176 = tpu.memref_slice %arg4[%arg0, %add3A_155, %dma_wait3A_175] : memref<2x10240x128xf32, #tpu.memory_space<hbm>> -> memref<1x128x128xf32, #tpu.memory_space<hbm>>
      %dma_wait3A_177 = tpu.memref_squeeze %dma_wait3A_176 : memref<1x128x128xf32, #tpu.memory_space<hbm>> -> memref<128x128xf32, #tpu.memory_space<hbm>>
      tpu.wait_dma2 semaphore(%run_scoped3A : memref<!tpu.dma_semaphore, #tpu.memory_space<semaphore_mem>>) src(%arg16 : memref<128x128xf32, #tpu.memory_space<vmem>>) dst(%dma_wait3A_177 : memref<128x128xf32, #tpu.memory_space<hbm>>)
      tpu.yield
    }) : () -> ()
    %add3A_156 = arith.constant 512 : i32
    %add3A_157 = arith.addi %mul3A_8, %add3A_156 : i32
    "tpu.region"() ({
      %run_scoped3A = tpu.sem_alloc : memref<!tpu.dma_semaphore, #tpu.memory_space<semaphore_mem>>
      %dma_start3A_166 = arith.constant 0 : i32
      %dma_start3A_167 = tpu.memref_slice %arg6[%add3A_157, %dma_start3A_166] : memref<10240x128xbf16, #tpu.memory_space<vmem_shared>> -> memref<128x128xbf16, #tpu.memory_space<vmem_shared>>
      %dma_start3A_168 = arith.constant 0 : i32
      %dma_start3A_169 = tpu.memref_slice %arg6[%add3A_157, %dma_start3A_168] : memref<10240x128xbf16, #tpu.memory_space<vmem_shared>> -> memref<128x128xbf16, #tpu.memory_space<vmem_shared>>
      tpu.enqueue_dma source(%dma_start3A_169 : memref<128x128xbf16, #tpu.memory_space<vmem_shared>>) target(%arg12 : memref<128x128xbf16, #tpu.memory_space<vmem>>) target_semaphore(%run_scoped3A : memref<!tpu.dma_semaphore, #tpu.memory_space<semaphore_mem>>)
      %dma_wait3A_170 = arith.constant 0 : i32
      %dma_wait3A_171 = tpu.memref_slice %arg6[%add3A_157, %dma_wait3A_170] : memref<10240x128xbf16, #tpu.memory_space<vmem_shared>> -> memref<128x128xbf16, #tpu.memory_space<vmem_shared>>
      %dma_wait3A_172 = arith.constant 0 : i32
      %dma_wait3A_173 = tpu.memref_slice %arg6[%add3A_157, %dma_wait3A_172] : memref<10240x128xbf16, #tpu.memory_space<vmem_shared>> -> memref<128x128xbf16, #tpu.memory_space<vmem_shared>>
      tpu.wait_dma2 semaphore(%run_scoped3A : memref<!tpu.dma_semaphore, #tpu.memory_space<semaphore_mem>>) src(%dma_wait3A_173 : memref<128x128xbf16, #tpu.memory_space<vmem_shared>>) dst(%arg12 : memref<128x128xbf16, #tpu.memory_space<vmem>>)
      tpu.yield
    }) : () -> ()
    %scan3A_158 = arith.constant 0 : i32
    %scan3A_159 = arith.constant 0 : i32
    %scan3A_160 = arith.constant 128 : i32
    %scan3A_161 = arith.addi %scan3A_159, %scan3A_160 : i32
    %scan3A_162 = arith.constant 1 : i32
    scf.for %scan3A_166 = %scan3A_159 to %scan3A_161 step %scan3A_162  : i32 {
      %broadcast_in_dim3A_167 = vector.broadcast %scan3A_166 : i32 to vector<16xi32>
      %get3A = arith.index_cast %scan3A_166 : i32 to index
      %get3A_168 = arith.constant 0 : index
      %get3A_169 = tpu.vector_load %arg12[%get3A, %get3A_168] {strides = array<i32>} : memref<128x128xbf16, #tpu.memory_space<vmem>>, vector<32xbf16>,
      %bitcast3A = vector.bitcast %get3A_169 : vector<32xbf16> to vector<16xi32>
      %shift_left3A = arith.constant 16 : i32
      %shift_left3A_170 = vector.broadcast %shift_left3A : i32 to vector<16xi32>
      %shift_left3A_171 = arith.shli %bitcast3A, %shift_left3A_170 : vector<16xi32>
      %bitcast3A_172 = vector.bitcast %shift_left3A_171 : vector<16xi32> to vector<16xf32>
      %and3A = arith.andi %bitcast3A, %broadcast_in_dim3A_115 : vector<16xi32>
      %bitcast3A_173 = vector.bitcast %and3A : vector<16xi32> to vector<16xf32>
      %broadcast_in_dim3A_174 = arith.constant 0 : i32
      %broadcast_in_dim3A_175 = vector.broadcast %broadcast_in_dim3A_174 : i32 to vector<16xi32>
      %add3A_176 = arith.addi %broadcast_in_dim3A_175, %mul3A_110 : vector<16xi32>
      tpu.vector_store_idx %arg16[%broadcast_in_dim3A_167, %add3A_176], %bitcast3A_172 : memref<128x128xf32, #tpu.memory_space<vmem>>[vector<16xi32>, vector<16xi32>], vector<16xf32>,
      %add3A_177 = arith.addi %broadcast_in_dim3A_175, %add3A_113 : vector<16xi32>
      tpu.vector_store_idx %arg16[%broadcast_in_dim3A_167, %add3A_177], %bitcast3A_173 : memref<128x128xf32, #tpu.memory_space<vmem>>[vector<16xi32>, vector<16xi32>], vector<16xf32>,
      %get3A_178 = arith.index_cast %scan3A_166 : i32 to index
      %get3A_179 = arith.constant 32 : index
      %get3A_180 = tpu.vector_load %arg12[%get3A_178, %get3A_179] {strides = array<i32>} : memref<128x128xbf16, #tpu.memory_space<vmem>>, vector<32xbf16>,
      %bitcast3A_181 = vector.bitcast %get3A_180 : vector<32xbf16> to vector<16xi32>
      %shift_left3A_182 = arith.constant 16 : i32
      %shift_left3A_183 = vector.broadcast %shift_left3A_182 : i32 to vector<16xi32>
      %shift_left3A_184 = arith.shli %bitcast3A_181, %shift_left3A_183 : vector<16xi32>
      %bitcast3A_185 = vector.bitcast %shift_left3A_184 : vector<16xi32> to vector<16xf32>
      %and3A_186 = arith.andi %bitcast3A_181, %broadcast_in_dim3A_115 : vector<16xi32>
      %bitcast3A_187 = vector.bitcast %and3A_186 : vector<16xi32> to vector<16xf32>
      %broadcast_in_dim3A_188 = arith.constant 32 : i32
      %broadcast_in_dim3A_189 = vector.broadcast %broadcast_in_dim3A_188 : i32 to vector<16xi32>
      %add3A_190 = arith.addi %broadcast_in_dim3A_189, %mul3A_110 : vector<16xi32>
      tpu.vector_store_idx %arg16[%broadcast_in_dim3A_167, %add3A_190], %bitcast3A_185 : memref<128x128xf32, #tpu.memory_space<vmem>>[vector<16xi32>, vector<16xi32>], vector<16xf32>,
      %add3A_191 = arith.addi %broadcast_in_dim3A_189, %add3A_113 : vector<16xi32>
      tpu.vector_store_idx %arg16[%broadcast_in_dim3A_167, %add3A_191], %bitcast3A_187 : memref<128x128xf32, #tpu.memory_space<vmem>>[vector<16xi32>, vector<16xi32>], vector<16xf32>,
      %get3A_192 = arith.index_cast %scan3A_166 : i32 to index
      %get3A_193 = arith.constant 64 : index
      %get3A_194 = tpu.vector_load %arg12[%get3A_192, %get3A_193] {strides = array<i32>} : memref<128x128xbf16, #tpu.memory_space<vmem>>, vector<32xbf16>,
      %bitcast3A_195 = vector.bitcast %get3A_194 : vector<32xbf16> to vector<16xi32>
      %shift_left3A_196 = arith.constant 16 : i32
      %shift_left3A_197 = vector.broadcast %shift_left3A_196 : i32 to vector<16xi32>
      %shift_left3A_198 = arith.shli %bitcast3A_195, %shift_left3A_197 : vector<16xi32>
      %bitcast3A_199 = vector.bitcast %shift_left3A_198 : vector<16xi32> to vector<16xf32>
      %and3A_200 = arith.andi %bitcast3A_195, %broadcast_in_dim3A_115 : vector<16xi32>
      %bitcast3A_201 = vector.bitcast %and3A_200 : vector<16xi32> to vector<16xf32>
      %broadcast_in_dim3A_202 = arith.constant 64 : i32
      %broadcast_in_dim3A_203 = vector.broadcast %broadcast_in_dim3A_202 : i32 to vector<16xi32>
      %add3A_204 = arith.addi %broadcast_in_dim3A_203, %mul3A_110 : vector<16xi32>
      tpu.vector_store_idx %arg16[%broadcast_in_dim3A_167, %add3A_204], %bitcast3A_199 : memref<128x128xf32, #tpu.memory_space<vmem>>[vector<16xi32>, vector<16xi32>], vector<16xf32>,
      %add3A_205 = arith.addi %broadcast_in_dim3A_203, %add3A_113 : vector<16xi32>
      tpu.vector_store_idx %arg16[%broadcast_in_dim3A_167, %add3A_205], %bitcast3A_201 : memref<128x128xf32, #tpu.memory_space<vmem>>[vector<16xi32>, vector<16xi32>], vector<16xf32>,
      %get3A_206 = arith.index_cast %scan3A_166 : i32 to index
      %get3A_207 = arith.constant 96 : index
      %get3A_208 = tpu.vector_load %arg12[%get3A_206, %get3A_207] {strides = array<i32>} : memref<128x128xbf16, #tpu.memory_space<vmem>>, vector<32xbf16>,
      %bitcast3A_209 = vector.bitcast %get3A_208 : vector<32xbf16> to vector<16xi32>
      %shift_left3A_210 = arith.constant 16 : i32
      %shift_left3A_211 = vector.broadcast %shift_left3A_210 : i32 to vector<16xi32>
      %shift_left3A_212 = arith.shli %bitcast3A_209, %shift_left3A_211 : vector<16xi32>
      %bitcast3A_213 = vector.bitcast %shift_left3A_212 : vector<16xi32> to vector<16xf32>
      %and3A_214 = arith.andi %bitcast3A_209, %broadcast_in_dim3A_115 : vector<16xi32>
      %bitcast3A_215 = vector.bitcast %and3A_214 : vector<16xi32> to vector<16xf32>
      %broadcast_in_dim3A_216 = arith.constant 96 : i32
      %broadcast_in_dim3A_217 = vector.broadcast %broadcast_in_dim3A_216 : i32 to vector<16xi32>
      %add3A_218 = arith.addi %broadcast_in_dim3A_217, %mul3A_110 : vector<16xi32>
      tpu.vector_store_idx %arg16[%broadcast_in_dim3A_167, %add3A_218], %bitcast3A_213 : memref<128x128xf32, #tpu.memory_space<vmem>>[vector<16xi32>, vector<16xi32>], vector<16xf32>,
      %add3A_219 = arith.addi %broadcast_in_dim3A_217, %add3A_113 : vector<16xi32>
      tpu.vector_store_idx %arg16[%broadcast_in_dim3A_167, %add3A_219], %bitcast3A_215 : memref<128x128xf32, #tpu.memory_space<vmem>>[vector<16xi32>, vector<16xi32>], vector<16xf32>,
    }
    %scan3A_163 = arith.constant 128 : i32
    %add3A_164 = arith.constant 512 : i32
    %add3A_165 = arith.addi %mul3A_8, %add3A_164 : i32
    "tpu.region"() ({
      %run_scoped3A = tpu.sem_alloc : memref<!tpu.dma_semaphore, #tpu.memory_space<semaphore_mem>>
      %dma_start3A_166 = arith.constant 0 : i32
      %dma_start3A_167 = tpu.memref_slice %arg4[%arg0, %add3A_165, %dma_start3A_166] : memref<2x10240x128xf32, #tpu.memory_space<hbm>> -> memref<1x128x128xf32, #tpu.memory_space<hbm>>
      %dma_start3A_168 = tpu.memref_squeeze %dma_start3A_167 : memref<1x128x128xf32, #tpu.memory_space<hbm>> -> memref<128x128xf32, #tpu.memory_space<hbm>>
      %dma_start3A_169 = arith.constant 0 : i32
      %dma_start3A_170 = tpu.memref_slice %arg4[%arg0, %add3A_165, %dma_start3A_169] : memref<2x10240x128xf32, #tpu.memory_space<hbm>> -> memref<1x128x128xf32, #tpu.memory_space<hbm>>
      %dma_start3A_171 = tpu.memref_squeeze %dma_start3A_170 : memref<1x128x128xf32, #tpu.memory_space<hbm>> -> memref<128x128xf32, #tpu.memory_space<hbm>>
      tpu.enqueue_dma source(%arg16 : memref<128x128xf32, #tpu.memory_space<vmem>>) target(%dma_start3A_171 : memref<128x128xf32, #tpu.memory_space<hbm>>) target_semaphore(%run_scoped3A : memref<!tpu.dma_semaphore, #tpu.memory_space<semaphore_mem>>)
      %dma_wait3A_172 = arith.constant 0 : i32
      %dma_wait3A_173 = tpu.memref_slice %arg4[%arg0, %add3A_165, %dma_wait3A_172] : memref<2x10240x128xf32, #tpu.memory_space<hbm>> -> memref<1x128x128xf32, #tpu.memory_space<hbm>>
      %dma_wait3A_174 = tpu.memref_squeeze %dma_wait3A_173 : memref<1x128x128xf32, #tpu.memory_space<hbm>> -> memref<128x128xf32, #tpu.memory_space<hbm>>
      %dma_wait3A_175 = arith.constant 0 : i32
      %dma_wait3A_176 = tpu.memref_slice %arg4[%arg0, %add3A_165, %dma_wait3A_175] : memref<2x10240x128xf32, #tpu.memory_space<hbm>> -> memref<1x128x128xf32, #tpu.memory_space<hbm>>
      %dma_wait3A_177 = tpu.memref_squeeze %dma_wait3A_176 : memref<1x128x128xf32, #tpu.memory_space<hbm>> -> memref<128x128xf32, #tpu.memory_space<hbm>>
      tpu.wait_dma2 semaphore(%run_scoped3A : memref<!tpu.dma_semaphore, #tpu.memory_space<semaphore_mem>>) src(%arg16 : memref<128x128xf32, #tpu.memory_space<vmem>>) dst(%dma_wait3A_177 : memref<128x128xf32, #tpu.memory_space<hbm>>)
      tpu.yield
    }) : () -> ()
    "tpu.region"() ({
      %run_scoped3A = tpu.sem_alloc : memref<!tpu.dma_semaphore, #tpu.memory_space<semaphore_mem>>
      %dma_start3A_166 = arith.constant 0 : i32
      %dma_start3A_167 = tpu.memref_slice %arg5[%add3A_20, %dma_start3A_166] : memref<32x10240xf32, #tpu.memory_space<hbm>> -> memref<1x10240xf32, #tpu.memory_space<hbm>>
      %dma_start3A_168 = tpu.memref_squeeze %dma_start3A_167 : memref<1x10240xf32, #tpu.memory_space<hbm>> -> memref<10240xf32, #tpu.memory_space<hbm>>
      %dma_start3A_169 = arith.constant 0 : i32
      %dma_start3A_170 = tpu.memref_slice %arg5[%add3A_20, %dma_start3A_169] : memref<32x10240xf32, #tpu.memory_space<hbm>> -> memref<1x10240xf32, #tpu.memory_space<hbm>>
      %dma_start3A_171 = tpu.memref_squeeze %dma_start3A_170 : memref<1x10240xf32, #tpu.memory_space<hbm>> -> memref<10240xf32, #tpu.memory_space<hbm>>
      tpu.enqueue_dma source(%arg7 : memref<10240xf32, #tpu.memory_space<vmem>>) target(%dma_start3A_171 : memref<10240xf32, #tpu.memory_space<hbm>>) target_semaphore(%run_scoped3A : memref<!tpu.dma_semaphore, #tpu.memory_space<semaphore_mem>>)
      %dma_wait3A_172 = arith.constant 0 : i32
      %dma_wait3A_173 = tpu.memref_slice %arg5[%add3A_20, %dma_wait3A_172] : memref<32x10240xf32, #tpu.memory_space<hbm>> -> memref<1x10240xf32, #tpu.memory_space<hbm>>
      %dma_wait3A_174 = tpu.memref_squeeze %dma_wait3A_173 : memref<1x10240xf32, #tpu.memory_space<hbm>> -> memref<10240xf32, #tpu.memory_space<hbm>>
      %dma_wait3A_175 = arith.constant 0 : i32
      %dma_wait3A_176 = tpu.memref_slice %arg5[%add3A_20, %dma_wait3A_175] : memref<32x10240xf32, #tpu.memory_space<hbm>> -> memref<1x10240xf32, #tpu.memory_space<hbm>>
      %dma_wait3A_177 = tpu.memref_squeeze %dma_wait3A_176 : memref<1x10240xf32, #tpu.memory_space<hbm>> -> memref<10240xf32, #tpu.memory_space<hbm>>
      tpu.wait_dma2 semaphore(%run_scoped3A : memref<!tpu.dma_semaphore, #tpu.memory_space<semaphore_mem>>) src(%arg7 : memref<10240xf32, #tpu.memory_space<vmem>>) dst(%dma_wait3A_177 : memref<10240xf32, #tpu.memory_space<hbm>>)
      tpu.yield
    }) : () -> ()
    return
  }
}

module attributes {stable_mosaic.version = 14 : i64} {
  func.func @body(%arg0: i32, %arg1: memref<1024x128xf32, #tpu.memory_space<vmem>>, %arg2: memref<2x1024x128xf32, #tpu.memory_space<vmem>>, %arg3: memref<32x1024xf32, #tpu.memory_space<vmem>>, %arg4: memref<256x128xf32, #tpu.memory_space<vmem>>, %arg5: memref<1x128xf32, #tpu.memory_space<vmem>>, %arg6: memref<1024x128xf32, #tpu.memory_space<vmem>>) attributes {dimension_semantics = [#tpu.dimension_semantics<arbitrary>], iteration_bounds = array<i64: 10>, scalar_prefetch = 0 : i64, scratch_operands = 0 : i64, tpu.core_type = #tpu.core_type<tc>, window_params = [{transform_indices = @transform_0, window_bounds = array<i64: 1024, 128>}, {transform_indices = @transform_1, window_bounds = array<i64: 2, 1024, 128>}, {transform_indices = @transform_2, window_bounds = array<i64: 32, 1024>}, {pipeline_mode = #tpu.pipeline_mode<synchronous>, transform_indices = @transform_3, window_bounds = array<i64: 256, 128>}, {pipeline_mode = #tpu.pipeline_mode<synchronous>, transform_indices = @transform_4, window_bounds = array<i64: 1, 128>}, {transform_indices = @transform_5, window_bounds = array<i64: 1024, 128>}]} {
    %get3A = arith.constant 0 : index
    %get3A_0 = arith.constant 0 : index
    %get3A_1 = vector.load %arg1[%get3A, %get3A_0] : memref<1024x128xf32, #tpu.memory_space<vmem>>, vector<1024x128xf32>
    %get3A_2 = arith.constant 0 : index
    %get3A_3 = arith.constant 0 : index
    %get3A_4 = arith.constant 0 : index
    %get3A_5 = vector.load %arg2[%get3A_2, %get3A_3, %get3A_4] : memref<2x1024x128xf32, #tpu.memory_space<vmem>>, vector<2x1024x128xf32>
    %slice3A = vector.extract_strided_slice %get3A_5 {offsets = [0, 0, 0], sizes = [1, 1024, 128], strides = [1, 1, 1]} : vector<2x1024x128xf32> to vector<1x1024x128xf32>
    %squeeze3A = vector.shape_cast %slice3A : vector<1x1024x128xf32> to vector<1024x128xf32>
    %slice3A_6 = vector.extract_strided_slice %get3A_5 {offsets = [1, 0, 0], sizes = [1, 1024, 128], strides = [1, 1, 1]} : vector<2x1024x128xf32> to vector<1x1024x128xf32>
    %squeeze3A_7 = vector.shape_cast %slice3A_6 : vector<1x1024x128xf32> to vector<1024x128xf32>
    %add3A = arith.addf %squeeze3A, %squeeze3A_7 : vector<1024x128xf32>
    %get3A_8 = arith.constant 0 : index
    %get3A_9 = arith.constant 0 : index
    %get3A_10 = vector.load %arg3[%get3A_8, %get3A_9] : memref<32x1024xf32, #tpu.memory_space<vmem>>, vector<32x1024xf32>
    %reduce_sum3A = arith.constant dense<0.000000e+00> : vector<1024xf32>
    %reduce_sum3A_11 = vector.multi_reduction <add>, %get3A_10, %reduce_sum3A [0] : vector<32x1024xf32> to vector<1024xf32>
    %broadcast_in_dim3A = vector.shape_cast %reduce_sum3A_11 : vector<1024xf32> to vector<1024x1xf32>
    %max3A = arith.constant 1.000000e+00 : f32
    %max3A_12 = vector.broadcast %max3A : f32 to vector<1024x1xf32>
    %max3A_13 = arith.maximumf %broadcast_in_dim3A, %max3A_12 : vector<1024x1xf32>
    %div3A = vector.broadcast %max3A_13 : vector<1024x1xf32> to vector<1024x128xf32>
    %div3A_14 = arith.divf %add3A, %div3A : vector<1024x128xf32>
    %get3A_15 = arith.constant 0 : index
    %get3A_16 = arith.constant 0 : index
    %get3A_17 = vector.load %arg4[%get3A_15, %get3A_16] : memref<256x128xf32, #tpu.memory_space<vmem>>, vector<256x128xf32>
    %slice3A_18 = vector.extract_strided_slice %get3A_17 {offsets = [0, 0], sizes = [128, 128], strides = [1, 1]} : vector<256x128xf32> to vector<128x128xf32>
    %dot_general3A = arith.constant dense<0.000000e+00> : vector<1024x128xf32>
    %dot_general3A_19 = tpu.matmul %get3A_1, %slice3A_18, %dot_general3A {dimension_numbers = #tpu.dot_dimension_numbers<[1], [0], [0], [1], [0, 0, 1, 1], [], []>, transpose_lhs_hint = false} : vector<1024x128xf32>, vector<128x128xf32>, vector<1024x128xf32> -> vector<1024x128xf32>
    %slice3A_20 = vector.extract_strided_slice %get3A_17 {offsets = [128, 0], sizes = [128, 128], strides = [1, 1]} : vector<256x128xf32> to vector<128x128xf32>
    %dot_general3A_21 = arith.constant dense<0.000000e+00> : vector<1024x128xf32>
    %dot_general3A_22 = tpu.matmul %div3A_14, %slice3A_20, %dot_general3A_21 {dimension_numbers = #tpu.dot_dimension_numbers<[1], [0], [0], [1], [0, 0, 1, 1], [], []>, transpose_lhs_hint = false} : vector<1024x128xf32>, vector<128x128xf32>, vector<1024x128xf32> -> vector<1024x128xf32>
    %add3A_23 = arith.addf %dot_general3A_19, %dot_general3A_22 : vector<1024x128xf32>
    %get3A_24 = arith.constant 0 : index
    %get3A_25 = arith.constant 0 : index
    %get3A_26 = vector.load %arg5[%get3A_24, %get3A_25] : memref<1x128xf32, #tpu.memory_space<vmem>>, vector<1x128xf32>
    %add3A_27 = vector.broadcast %get3A_26 : vector<1x128xf32> to vector<1024x128xf32>
    %add3A_28 = arith.addf %add3A_23, %add3A_27 : vector<1024x128xf32>
    %max3A_29 = arith.constant 0.000000e+00 : f32
    %max3A_30 = vector.broadcast %max3A_29 : f32 to vector<1024x128xf32>
    %max3A_31 = arith.maximumf %add3A_28, %max3A_30 : vector<1024x128xf32>
    %mul3A = arith.mulf %max3A_31, %max3A_31 : vector<1024x128xf32>
    %reduce_sum3A_32 = arith.constant dense<0.000000e+00> : vector<1024xf32>
    %reduce_sum3A_33 = vector.multi_reduction <add>, %mul3A, %reduce_sum3A_32 [1] : vector<1024x128xf32> to vector<1024xf32>
    %broadcast_in_dim3A_34 = vector.shape_cast %reduce_sum3A_33 : vector<1024xf32> to vector<1024x1xf32>
    %sqrt3A = math.sqrt %broadcast_in_dim3A_34 : vector<1024x1xf32>
    %max3A_35 = arith.constant 9.99999996E-13 : f32
    %max3A_36 = vector.broadcast %max3A_35 : f32 to vector<1024x1xf32>
    %max3A_37 = arith.maximumf %sqrt3A, %max3A_36 : vector<1024x1xf32>
    %div3A_38 = vector.broadcast %max3A_37 : vector<1024x1xf32> to vector<1024x128xf32>
    %div3A_39 = arith.divf %max3A_31, %div3A_38 : vector<1024x128xf32>
    %swap3A = arith.constant 0 : index
    %swap3A_40 = arith.constant 0 : index
    %swap3A_41 = vector.load %arg6[%swap3A, %swap3A_40] : memref<1024x128xf32, #tpu.memory_space<vmem>>, vector<1024x128xf32>
    tpu.vector_store %arg6[%swap3A, %swap3A_40], %div3A_39 {strides = array<i32>} : memref<1024x128xf32, #tpu.memory_space<vmem>>, vector<1024x128xf32>,
    return
  }
  func.func @transform_0(%arg0: i32) -> (i32, i32) {
    %c0_i32 = arith.constant 0 : i32
    %c0_i32_0 = arith.constant 0 : i32
    return %arg0, %c0_i32 : i32, i32
  }
  func.func @transform_1(%arg0: i32) -> (i32, i32, i32) {
    %c0_i32 = arith.constant 0 : i32
    %c0_i32_0 = arith.constant 0 : i32
    %c0_i32_1 = arith.constant 0 : i32
    return %c0_i32, %arg0, %c0_i32_0 : i32, i32, i32
  }
  func.func @transform_2(%arg0: i32) -> (i32, i32) {
    %c0_i32 = arith.constant 0 : i32
    %c0_i32_0 = arith.constant 0 : i32
    return %c0_i32, %arg0 : i32, i32
  }
  func.func @transform_3(%arg0: i32) -> (i32, i32) {
    %c0_i32 = arith.constant 0 : i32
    %c0_i32_0 = arith.constant 0 : i32
    %c0_i32_1 = arith.constant 0 : i32
    return %c0_i32, %c0_i32_0 : i32, i32
  }
  func.func @transform_4(%arg0: i32) -> (i32, i32) {
    %c0_i32 = arith.constant 0 : i32
    %c0_i32_0 = arith.constant 0 : i32
    %c0_i32_1 = arith.constant 0 : i32
    return %c0_i32, %c0_i32_0 : i32, i32
  }
  func.func @transform_5(%arg0: i32) -> (i32, i32) {
    %c0_i32 = arith.constant 0 : i32
    %c0_i32_0 = arith.constant 0 : i32
    return %arg0, %c0_i32 : i32, i32
  }
}

</mosaic_0001>

<sc_bundles>
// kernel: kernel.4.cloned.1.call-start
scs
__scs_entry_jumppad:
0x0: {  	(pc) =	sbr.rel $0x88, $3  }
0x1: {  	(tag) =	ssettag $0x0;
	lr =	simm.s32 $0x1  }
0x2: {  	[smem:$0x3F9D] =	sst lr;
	_ =	strace $0xD0000000  }
0x3: {  	_ = 	snop  }
0x4: {  	_ = 	snop  }
0x5: {  	_ = 	snop  }
0x6: {  	_ = 	snop  }
0x7: {  	_ = 	snop  }
__scs_overlays_trampoline_lowered:
0x8: {  	[smem:$0x3FAC] =	sst s0  }
0x9: {  	[smem:$0x3FAD] =	sst s1  }
0xa: {  	[smem:$0x3FAE] =	sst s2  }
0xb: {  	[smem:$0x3FAF] =	sst s3  }
0xc: {  	[smem:$0x3FB0] =	sst s4  }
0xd: {  	[smem:$0x3FB1] =	sst s5  }
0xe: {  	[smem:$0x3FB2] =	sst s6  }
0xf: {  	[smem:$0x3FB3] =	sst s7  }
0x10: {  	[smem:$0x3FB4] =	sst s8  }
0x11: {  	[smem:$0x3FB5] =	sst s9;
	s0 =	simm.s32 @!p0 $0x0  }
0x12: {  	s1 =	sld [smem:$0x3F9B];
	s0 =	simm.s32 @p0 $0x1  }
0x13: {  	[smem:$0x3FB6] =	sst s0;
	s0 =	simm.s32 @!p1 $0x0  }
0x14: {  	s2 =	sld [smem:$0x3F9A];
	s0 =	simm.s32 @p1 $0x1  }
0x15: {  	[smem:$0x3FB7] =	sst s0;
	s0 =	simm.s32 @!p2 $0x0  }
0x16: {  	s3 =	sld [smem:$0x3FDB];
	s0 =	simm.s32 @p2 $0x1  }
0x17: {  	s4 =	simm.s32 $0x1BF5;
	[smem:$0x3FB9] =	sst s0  }
0x18: {  	s0 =	sld [smem:$0x3F9C];
	_ =	swait.ge [sflag:s4], $0x0  }
0x19: {  	s7 =	sld [smem:$0x3F9D]  }
0x1a: {  	s8 =	sadd.s32 $0xFFFFE003, lr  }
0x1b: {  	s9 =	sadd.s32 $0xFFFFFEF7, lr;
	s5 =	simm.s32 $0xFFFFFFFF;
	p2 =	slt.u32 s8, $0xFFFFF086  }
0x1c: {  	p1 =	slt.u32 s9, $0xF7A;
	s5 =	simm.s32 @!p2 $0x0  }
0x1d: {  	s5 =	simm.s32 @p1 $0x1;
	p0 =	seq.s32 s7, s2  }
0x1e: {  	s7 =	smul.u32 @!p0 $0xF7A, s2;
	p2 =	seq.s32 @!p0 s5, $0x0  }
0x1f: {  	s9 =	smul.u32 $0xF7A, s1;
	s8 =	simm.s32 @!p0 $0x1BF5;
	p2 =	por !p2, p0  }
0x20: {  	[sflag:s8] =	ssyncset.s32 @!p0 $0xFFFFF086;
	s6 =	sadd.s32 @!p0 s3, s7;
	s7 =	simm.s32 @!p0 $0x108  }
0x21: {  	s3 =	sadd.s32 s3, s9;
	s6 =	sadd.s32 @!p0 $0x88, s6;
	s7 =	simm.s32 @p2 $0x1082  }
0x22: {  	[simem:s7], [sflag:s8] =	dma.local @!p0 [hbm:s6], $0xF7A  }
0x23: {  	s9 =	sor.u32 $0xD0000000, s2;
	s6 =	simm.s32 $0x108;
	_ =	swait.ge @!p0 [sflag:s8], $0x0  }
0x24: {  	s3 =	sadd.s32 $0x88, s3;
	s6 =	simm.s32 @!p1 $0x1082;
	[sflag:s4] =	ssyncset.s32 $0xFFFFF086  }
0x25: {  	[simem:s6], [sflag:s4] =	dma.local [hbm:s3], $0xF7A  }
0x26: {  	[smem:$0x3F9D] =	sst s1;
	(tag) =	ssettag s2;
	_ =	strace s9  }
0x27: {  	s1 =	sld [smem:$0x3FAD]  }
0x28: {  	s2 =	sld [smem:$0x3FAE]  }
0x29: {  	s4 =	sld [smem:$0x3FB0]  }
0x2a: {  	p0 =	seq.s32 s5, $0x0;
	s5 =	sld [smem:$0x3FB1]  }
0x2b: {  	s6 =	sld [smem:$0x3FB2]  }
0x2c: {  	s7 =	sld [smem:$0x3FB3]  }
0x2d: {  	s3 =	simm.s32 $0x108;
	s8 =	sld [smem:$0x3FB4]  }
0x2e: {  	s3 =	simm.s32 @!p0 $0x1082;
	s9 =	sld [smem:$0x3FB5]  }
0x2f: {  	lr =	sadd.s32 s0, s3;
	s0 =	sld [smem:$0x3FAC]  }
0x30: {  	s3 =	sld [smem:$0x3FAF]  }
0x31: {  	[smem:$0x3FB8] =	sst s10  }
0x32: {  	s10 =	sld [smem:$0x3FB6];
	_ =	sdelay $0x3  }
0x33: {  	p0 =	seq.s32 s10, $0x1;
	s10 =	sld [smem:$0x3FB8];
	_ =	sdelay $0x3  }
0x34: {  	[smem:$0x3FB8] =	sst s10  }
0x35: {  	s10 =	sld [smem:$0x3FB7];
	_ =	sdelay $0x3  }
0x36: {  	p1 =	seq.s32 s10, $0x1;
	s10 =	sld [smem:$0x3FB8];
	_ =	sdelay $0x3  }
0x37: {  	[smem:$0x3FB8] =	sst s10  }
0x38: {  	s10 =	sld [smem:$0x3FB9]  }
0x39: {  	_ = 	snop;
	(pc) =	sbr.ind lr, $3  }
0x3a: {  	_ = 	snop  }
0x3b: {  	_ = 	snop  }
0x3c: {  	p2 =	seq.s32 s10, $0x1;
	s10 =	sld [smem:$0x3FB8]  }
0x3d: {  	_ =	shalt  }
0x3e: {  	_ =	shalt  }
0x3f: {  	_ =	shalt  }
0x40: {  	_ =	shalt  }
0x41: {  	_ =	shalt  }
0x42: {  	_ =	shalt  }
0x43: {  	_ =	shalt  }
0x44: {  	_ =	shalt  }
0x45: {  	_ =	shalt  }
0x46: {  	_ =	shalt  }
0x47: {  	_ =	shalt  }
0x48: {  	_ =	shalt  }
0x49: {  	_ =	shalt  }
0x4a: {  	_ =	shalt  }
0x4b: {  	_ =	shalt  }
0x4c: {  	_ =	shalt  }
0x4d: {  	_ =	shalt  }
0x4e: {  	_ =	shalt  }
0x4f: {  	_ =	shalt  }
0x50: {  	_ =	shalt  }
0x51: {  	_ =	shalt  }
0x52: {  	_ =	shalt  }
0x53: {  	_ =	shalt  }
0x54: {  	_ =	shalt  }
0x55: {  	_ =	shalt  }
0x56: {  	_ =	shalt  }
0x57: {  	_ =	shalt  }
0x58: {  	_ =	shalt  }
0x59: {  	_ =	shalt  }
0x5a: {  	_ =	shalt  }
0x5b: {  	_ =	shalt  }
0x5c: {  	_ =	shalt  }
0x5d: {  	_ =	shalt  }
0x5e: {  	_ =	shalt  }
0x5f: {  	_ =	shalt  }
0x60: {  	_ =	shalt  }
0x61: {  	_ =	shalt  }
0x62: {  	_ =	shalt  }
0x63: {  	_ =	shalt  }
0x64: {  	_ =	shalt  }
0x65: {  	_ =	shalt  }
0x66: {  	_ =	shalt  }
0x67: {  	_ =	shalt  }
0x68: {  	_ =	shalt  }
0x69: {  	_ =	shalt  }
0x6a: {  	_ =	shalt  }
0x6b: {  	_ =	shalt  }
0x6c: {  	_ =	shalt  }
0x6d: {  	_ =	shalt  }
0x6e: {  	_ =	shalt  }
0x6f: {  	_ =	shalt  }
0x70: {  	_ =	shalt  }
0x71: {  	_ =	shalt  }
0x72: {  	_ =	shalt  }
0x73: {  	_ =	shalt  }
0x74: {  	_ =	shalt  }
0x75: {  	_ =	shalt  }
0x76: {  	_ =	shalt  }
0x77: {  	_ =	shalt  }
0x78: {  	_ =	shalt  }
0x79: {  	_ =	shalt  }
0x7a: {  	_ =	shalt  }
0x7b: {  	_ =	shalt  }
0x7c: {  	_ =	shalt  }
0x7d: {  	_ =	shalt  }
0x7e: {  	_ =	shalt  }
0x7f: {  	_ =	shalt  }
0x80: {  	_ =	shalt  }
0x81: {  	_ =	shalt  }
0x82: {  	_ =	shalt  }
0x83: {  	_ =	shalt  }
0x84: {  	_ =	shalt  }
0x85: {  	_ =	shalt  }
0x86: {  	_ =	shalt  }
0x87: {  	_ =	shalt  }
.Lfunc_end0:
.L_simem_size_0:
called_computation_lowered:
.L_overlay_start_0:
0x88: {  	s2 =	sld [smem:$0x3FD9]  }
0x89: {  	s3 =	sld [smem:$0x3FFE];
	_ =	sdelay $0x1  }
0x8a: {  	s1 =	srdreg.scid  }
0x8b: {  	s0 =	sand.u32 $0x1, s1  }
0x8c: {  	s17 =	sshll.u32 s0, $0xA;
	s2 =	sadd.s32 s3, s2  }
0x8d: {  	s2 =	sadd.s32 s2, s17  }
0x8e: {  	[smem:$0x3FC4] =	sst s2  }
0x8f: {  	_ = 	snop  }
0x90: {  	s2 =	sld [smem:$0x3FD0];
	(tm) =	ssettm $0x1  }
0x91: {  	s18 =	sld [smem:$0x3FFB];
	_ =	sdelay $0x3  }
0x92: {  	_ =	strace s18  }
0x93: {  	s3 =	sld [smem:$0x3FFC];
	_ =	sdelay $0x3  }
0x94: {  	_ =	strace s3  }
0x95: {  	s3 =	sld [smem:$0x3FFD];
	_ =	sdelay $0x3  }
0x96: {  	_ =	strace s3  }
0x97: {  	_ =	strace $0x8FFFFFFF  }
0x98: {  	s19 =	sld [smem:$0x3FDB];
	_ =	sdelay $0x1  }
0x99: {  	s4 =	simm.s32 $_scs_section_size  }
0x9a: {  	s5 =	simm.s32 $_size__tile_overlayer_lowered;
	s6 =	simm.s32 $_tile_overlayer_lowered  }
0x9b: {  	s22 =	simm.s32 $0x1BFF;
	s21 =	sshll.u32 s6, $0x1;
	s3 =	sadd.s32 s4, s19  }
0x9c: {  	s7 =	simm.s32 $0x0;
	s20 =	sshll.u32 s5, $0x1;
	s5 =	sadd.s32 s21, s3  }
0x9d: {  	[timem:s7], [sflag:s22] =	dma.local [hbm:s5], s20  }
0x9e: {  	_ =	swait.ge [sflag:s22], s20  }
0x9f: {  	s4 =	ssub.s32 $0x0, s20;
	[sflag:s22] =	ssyncset.done $0x0  }
0xa0: {  	[sflag:s22] =	ssyncadd.s32 s4;
	_ =	sdelay $0x1  }
0xa1: {  	s23 =	simm.s32 $0x1B8B  }
0xa2: {  	_ =	swait.ge [sflag:s23], $0x1  }
0xa3: {  	[sflag:s23] =	ssyncset.done $0x0  }
0xa4: {  	s25 =	simm.s32 $0x1B8E;
	s24 =	sld [smem:$0x3FFE];
	[sflag:s23] =	ssyncadd.s32 $0xFFFFFFFF  }
0xa5: {  	s26 =	simm.s32 $execute0_lowered;
	[smem:$0x3FD2] =	sst s25  }
0xa6: {  	s5 =	sshll.u32 s26, $0x1;
	_ =	strace $0x80000046;
	[dreg:$0x1] =	wrdreg $0xFFFFFFFF  }
0xa7: {  	s28 =	simm.s32 $_size_execute0_lowered;
	s3 =	sadd.s32 s3, s5;
	[dreg:$0x0] =	wrdreg $0x0  }
0xa8: {  	s5 =	sshll.u32 s28, $0x1;
	[dreg:$0x2] =	wrdreg s3  }
0xa9: {  	[dreg:$0x3] =	wrdreg s5  }
0xaa: {  	[dreg:$0x4] =	wrdreg $0xC0  }
0xab: {  	_ =	task [dreg:s7], $0x5FFFF  }
0xac: {  	[dreg:$0x1] =	wrdreg $0xFFFFFFFF  }
0xad: {  	[dreg:$0x0] =	wrdreg $0x60  }
0xae: {  	[dreg:$0x2] =	wrdreg s2  }
0xaf: {  	[dreg:$0x3] =	wrdreg s24  }
0xb0: {  	[dreg:$0x4] =	wrdreg $0x0  }
0xb1: {  	[dreg:$0x5] =	wrdreg $0x9  }
0xb2: {  	_ =	task.clear_ibuf [dreg:s7], $0x6FFFF;
	_ =	strace $0x90000046  }
0xb3: {  	s29 =	simm.s32 $0x9;
	_ =	strace $0x80000048  }
0xb4: {  	_ =	swait.ge [sflag:s29], $0x1  }
0xb5: {  	[sflag:s29] =	ssyncadd.s32 $0xFFFFFFFF  }
0xb6: {  	_ =	strace $0x90000048  }
0xb7: {  	_ =	sfence  }
0xb8: {  	s30 =	sld [smem:$0x0];
	_ =	sdelay $0x2  }
0xb9: {  	s31 =	sshll.u32 s1, $0xD;
	s1 =	sshrl.u32 s1, $0x2  }
0xba: {  	s3 =	sand.u32 $0x4000, s31;
	s1 =	sadd.s32 s1, s30  }
0xbb: {  	s0 =	sor.u32 s3, s0;
	s1 =	sshll.u32 s1, $0x11  }
0xbc: {  	s0 =	sor.u32 s1, s0  }
0xbd: {  	s0 =	sadd.s32 $0x8F2B, s0  }
0xbe: {  	[sflag:s0] =	ssyncadd.remote.s32 $0x1  }
0xbf: {  	_ =	sfence.sel $0xFFFF  }
0xc0: {  	[dreg:$0x0] =	wrdreg $0xFFFFFFFF;
	(pc) =	sbr.abs _section_cstart, $3  }
0xc1: {  	[dreg:$0x1] =	wrdreg $0xFFFFFFFF  }
0xc2: {  	_ =	task.clear_ibuf [dreg:s7], $0x2FFFF;
	_ =	strace $0x9FFFFFFF  }
0xc3: {  	(tm) =	ssettm $0x7FFFFFFF  }
tec
execute0_lowered:
.L_overlay_start_1:
0x0: {  	(tag) =	ssettag $0x1  }
0x1: {  	s1 =	rddreg [dreg:$0x0]  }
0x2: {  	s0 =	rddreg [dreg:$0x1]  }
0x3: {  	s2 =	rddreg [dreg:$0x2]  }
0x4: {  	s3 =	srdreg.scid;
	s5 =	simm.s32 $0x0;
	s22 =	stileid.u32  }
0x5: {  	s28 =	simm.s32 $0x80;
	s3 =	sand.u32 $0x1, s3;
	[smem:$0x7FF] =	sst s5  }
0x6: {  	s5 =	sadd.s32 $0x1000, s0;
	s12 =	smul.u32 $0x14000, s22;
	s13 =	sadd.s32 $0x1EA00, s0  }
0x7: {  	s4 =	sshll.u32 s3, $0x4;
	_ =	strace $0x80000047;
	s7 =	ssub.s32 $0x2, s3  }
0x8: {  	s31 =	smul.u32 $0x140000, s3;
	s4 =	sor.u32 s22, s4;
	s8 =	sshrl.u32 s7, $0x1  }
0x9: {  	s25 =	sshrl.u32 s12, $0x1;
	s15 =	sadd.s32 $0x4000, s12;
	s16 =	sadd.s32 $0x8000, s12  }
0xa: {  	s17 =	sadd.s32 $0xC000, s12;
	s19 =	sadd.s32 $0x10000, s12;
	s6 =	smul.u32 $0x500, s4  }
0xb: {  	s14 =	ssub.s32 s7, s8;
	s26 =	sshrl.u32 s15, $0x1;
	s29 =	sshrl.u32 s16, $0x1  }
0xc: {  	s9 =	sshrl.u32 s17, $0x1;
	s10 =	smul.u32 $0x4C, s4;
	s18 =	smin.u32 s4, $0x11  }
0xd: {  	s11 =	sshrl.u32 s19, $0x1;
	p0 =	slt.u32 s4, $0x11;
	s12 =	sadd.s32 s12, s31  }
0xe: {  	s15 =	sadd.s32 s31, s15;
	s16 =	sadd.s32 s31, s16;
	s7 =	sadd.s32 s26, s2  }
0xf: {  	s8 =	sadd.s32 s29, s2;
	s9 =	sadd.s32 s9, s2;
	s20 =	sshll.u32 s18, $0x2  }
0x10: {  	s11 =	sadd.s32 s11, s2;
	s4 =	sshrl.u32 s12, $0x3;
	s12 =	sshrl.u32 s15, $0x3  }
0x11: {  	s15 =	sshrl.u32 s16, $0x3;
	s26 =	sadd.s32 s31, s17;
	s29 =	sadd.s32 s31, s19  }
0x12: {  	s31 =	smul.u32 $0x4C, s22;
	s0 =	sadd.s32 s6, s0;
	s6 =	sadd.s32 s25, s2  }
0x13: {  	s21 =	sadd.s32 s10, s20;
	s10 =	simm.s32 $0x50;
	s4 =	sadd.s32 s13, s4  }
0x14: {  	s24 =	sadd.s32 s13, s12;
	s25 =	sadd.s32 s13, s15;
	[dreg:$0xd] =	wrdreg s4  }
0x15: {  	s12 =	sshrl.u32 s29, $0x3;
	s29 =	simm.s32 $0x10C00;
	[dreg:$0xe] =	wrdreg s24  }
0x16: {  	s15 =	simm.s32 $0x4;
	s30 =	sshll.u32 s21, $0x4;
	[dreg:$0xf] =	wrdreg s25  }
0x17: {  	s10 =	simm.s32 @!p0 $0x4C;
	s12 =	sadd.s32 s13, s12;
	[dreg:$0x9] =	wrdreg s29  }
0x18: {  	s4 =	sshrl.u32 s26, $0x3;
	s0 =	sadd.s32 $0x14A00, s0;
	[dreg:$0x11] =	wrdreg s12  }
0x19: {  	s21 =	smax.u32 s14, $0x1;
	s24 =	sshll.u32 s18, $0x9;
	[dreg:$0x13] =	wrdreg s0  }
0x1a: {  	s25 =	simm.s32 $0xC980;
	s26 =	simm.s32 $0xCA80;
	[dreg:$0x14] =	wrdreg s21  }
0x1b: {  	s14 =	simm.s32 $0x3;
	s18 =	simm.s32 $0x7;
	[dreg:$0x7] =	wrdreg s25  }
0x1c: {  	s23 =	sadd.s32 s5, s30;
	s4 =	sadd.s32 s13, s4;
	[dreg:$0x8] =	wrdreg s26  }
0x1d: {  	s30 =	smul.u32 $0x4C0, s3;
	s17 =	sadd.s32 $0xFFFFFFFC, s10;
	[dreg:$0x10] =	wrdreg s4  }
0x1e: {  	s3 =	smul.u32 $0x26000, s3;
	s19 =	sadd.s32 $0xFFFFFFFB, s10;
	[dreg:$0xc] =	wrdreg s23  }
0x1f: {  	s25 =	simm.s32 $0xCC00;
	s26 =	simm.s32 $0x9;
	[dreg:$0x4] =	wrdreg s17  }
0x20: {  	s13 =	sadd.s32 $0x10, s23;
	[dreg:$0x5] =	wrdreg s19;
	s23 =	simm.s32 $0xC880  }
0x21: {  	s4 =	simm.s32 $0xA000;
	s19 =	simm.s32 $0x8;
	[dreg:$0x12] =	wrdreg s13  }
0x22: {  	s16 =	sadd.s32 s31, s30;
	[dreg:$0x6] =	wrdreg s23;
	s30 =	simm.s32 $0xCB80  }
0x23: {  	s31 =	simm.s32 $0x12C00;
	s0 =	sadd.s32 s20, s16;
	s20 =	smul.u32 $0x2600, s22  }
0x24: {  	s13 =	simm.s32 $0x2;
	[dreg:$0xa] =	wrdreg s30;
	s0 =	sshll.u32 s0, $0x4  }
0x25: {  	v0 =	vlaneseq.u32;
	[dreg:$0xb] =	wrdreg s31;
	s0 =	sadd.s32 s0, s5;
	s3 =	sadd.s32 s20, s3  }
0x26: {  	v0 =	vmul.u32 $0x2, v0;
	s20 =	simm.s32 $0x0;
	s22 =	sadd.s32 $0x30, s0;
	s3 =	sadd.s32 s24, s3  }
0x27: {  	v1 =	vimm.bf16 $0.0e+00;
	s0 =	sadd.s32 $0x20, s0;
	[dreg:$0x15] =	wrdreg s22;
	s12 =	sadd.s32 $0x280, s3  }
0x28: {  	v2 =	vimm.f32 $0.0e+00;
	v3 =	vimm.f32 $1.000000000e+00;
	v4 =	vor.u32 $0x1, v0;
	s3 =	sadd.s32 $0x200, s3;
	[dreg:$0x18] =	wrdreg s0;
	s12 =	sshrl.u32 s12, $0x3  }
0x29: {  	v5 =	vor.u32 $0x20, v0;
	v6 =	vor.u32 $0x21, v0;
	v7 =	vor.u32 $0x40, v0;
	s0 =	simm.s32 $0xEC00;
	[dreg:$0x17] =	wrdreg s3;
	s12 =	sadd.s32 s12, s5  }
0x2a: {  	v8 =	vor.u32 $0x41, v0;
	v9 =	vor.u32 $0x60, v0;
	v10 =	vor.u32 $0x61, v0;
	s3 =	simm.s32 $0x1;
	[dreg:$0x16] =	wrdreg s12;
	s12 =	simm.s32 $0x14C00  }
.LBB2_1:
0x2b: {  	s22 =	simm.s32 $0x100;
	s21 =	simm.s32 $0x0  }
.LBB2_2:
0x2c: {  	p0 =	sne.s32 s22, $0x7F00;
	[tilespmem:s21+$0xCC30] =	vst v1;
	s23 =	smov.u32 s22;
	s22 =	sadd.s32 $0x100, s22  }
.Ltmp0:
0x2d: {  	[tilespmem:s21+$0xCC20] =	vst v1;
	(pc) =	sbr.rel @p0 .LBB2_2-.Ltmp0, $3  }
0x2e: {  	[tilespmem:s21+$0xCC00] =	vst v1  }
0x2f: {  	[tilespmem:s21+$0xCC10] =	vst v1;
	_ =	sdelay $0x1  }
0x30: {  	s21 =	sshra.s32 s23, $0x2  }
0x31: {  	[tilespmem:s21+$0xCC30] =	vst v1  }
0x32: {  	[tilespmem:s21+$0xCC20] =	vst v1  }
0x33: {  	[tilespmem:s21+$0xCC00] =	vst v1  }
0x34: {  	[tilespmem:s21+$0xCC10] =	vst v1  }
0x35: {  	[spmem:s6] =	stream.linear.scatter [tilespmem:s25], [sflag:$0x9], $0x2000, $0x38;
	[tilespmem:$0x18C00] =	vst v63  }
0x36: {  	_ =	swait.ge [sflag:s26], $0x2000  }
0x37: {  	[sflag:s26] =	ssyncset.done $0x0  }
0x38: {  	[sflag:s26] =	ssyncadd.s32 $0xFFFFE000  }
0x39: {  	[spmem:s7] =	stream.linear.scatter [tilespmem:s25], [sflag:$0x9], $0x2000, $0x38;
	[tilespmem:$0x18C00] =	vst v63  }
0x3a: {  	_ =	swait.ge [sflag:s26], $0x2000  }
0x3b: {  	[sflag:s26] =	ssyncset.done $0x0  }
0x3c: {  	[sflag:s26] =	ssyncadd.s32 $0xFFFFE000  }
0x3d: {  	[spmem:s8] =	stream.linear.scatter [tilespmem:s25], [sflag:$0x9], $0x2000, $0x38;
	[tilespmem:$0x18C00] =	vst v63  }
0x3e: {  	_ =	swait.ge [sflag:s26], $0x2000  }
0x3f: {  	[sflag:s26] =	ssyncset.done $0x0  }
0x40: {  	[sflag:s26] =	ssyncadd.s32 $0xFFFFE000  }
0x41: {  	[spmem:s9] =	stream.linear.scatter [tilespmem:s25], [sflag:$0x9], $0x2000, $0x38;
	[tilespmem:$0x18C00] =	vst v63  }
0x42: {  	_ =	swait.ge [sflag:s26], $0x2000  }
0x43: {  	[sflag:s26] =	ssyncset.done $0x0  }
0x44: {  	[sflag:s26] =	ssyncadd.s32 $0xFFFFE000  }
0x45: {  	[spmem:s11] =	stream.linear.scatter [tilespmem:s25], [sflag:$0x9], $0x2000, $0x38;
	[tilespmem:$0x18C00] =	vst v63  }
0x46: {  	_ =	swait.ge [sflag:s26], $0x2000  }
0x47: {  	s17 =	simm.s32 $0x4E200;
	[sflag:s26] =	ssyncset.done $0x0  }
0x48: {  	s29 =	simm.s32 $0xC800;
	s16 =	rddreg [dreg:$0xc];
	[sflag:s26] =	ssyncadd.s32 $0xFFFFE000  }
0x49: {  	[tilespmem:s29], [sflag:$0x9] =	stream.strided.gather [hbm4b:s16+s28], $0x100, s17, s28, $0x38;
	[tilespmem:$0x18C00] =	vst v63  }
0x4a: {  	_ =	swait.ge [sflag:s26], $0x100  }
0x4b: {  	[sflag:s26] =	ssyncset.done $0x0  }
0x4c: {  	[sflag:s26] =	ssyncadd.s32 $0xFFFFFF00  }
0x4d: {  	[tilespmem:s25], [sflag:$0x1] =	stream.indirect.gather [hbm4b:s1+s28], $0x40, s29, s28, $0xb8;
	[tilespmem:$0x18C00] =	vst v63  }
0x4e: {  	s31 =	simm.s32 $0xC900;
	s30 =	rddreg [dreg:$0x12]  }
0x4f: {  	[tilespmem:s31], [sflag:$0x9] =	stream.strided.gather [hbm4b:s30+s28], $0x100, s17, s28, $0x38;
	[tilespmem:$0x18C00] =	vst v63  }
0x50: {  	_ =	swait.ge [sflag:s26], $0x100  }
0x51: {  	[sflag:s26] =	ssyncset.done $0x0  }
0x52: {  	s21 =	simm.s32 $0x40;
	s22 =	simm.s32 $0x0;
	[sflag:s26] =	ssyncadd.s32 $0xFFFFFF00  }
0x53: {  	[tilespmem:s0], [sflag:$0x2] =	stream.indirect.gather [hbm4b:s1+s28], $0x40, s31, s28, $0xb8;
	[tilespmem:$0x18C00] =	vst v63  }
.LBB2_4:
0x54: {  	p0 =	sne.s32 s21, $0x9FC0;
	[tilespmem:s22+$0xA000] =	vst v2;
	s22 =	smov.u32 s21;
	s21 =	sadd.s32 $0x40, s21  }
.Ltmp1:
0x55: {  	(pc) =	sbr.rel @p0 .LBB2_4-.Ltmp1, $2  }
0x56: {  	_ =	sdelay $0x2  }
0x57: {  	s22 =	sshra.s32 s22, $0x2  }
0x58: {  	[tilespmem:s22+$0xA000] =	vst v2  }
0x59: {  	[bflag:$0x0] =	sbarrier.arrive $0xFFFF  }
0x5a: {  	s24 =	rddreg [dreg:$0x18]  }
0x5b: {  	s23 =	rddreg [dreg:$0x17]  }
0x5c: {  	s22 =	rddreg [dreg:$0x16]  }
0x5d: {  	s21 =	simm.s32 $0x0;
	s31 =	rddreg [dreg:$0x15]  }
.LBB2_6:
0x5e: {  	_ =	swait.ge [sflag:s3], $0x2000  }
0x5f: {  	[sflag:s3] =	ssyncset.done $0x0  }
0x60: {  	s30 =	rddreg [dreg:$0x6];
	[sflag:s3] =	ssyncadd.s32 $0xFFFFE000  }
0x61: {  	[spmem:s2] =	stream.indirect.scatter.add.bf16 [tilespmem:s25], [sflag:$0x5], $0x40, s30, s28, $0xb8;
	[tilespmem:$0x18C00] =	vst v63  }
0x62: {  	v11 =	vld [tilespmem:$0xC880];
	_ =	sdelay $0x7  }
0x63: {  	[tilespmem:v11+s4+$0x0] =	vst.idx.add.f32.msk $0xffff, v3  }
0x64: {  	v11 =	vld [tilespmem:$0xC890];
	_ =	sdelay $0x7  }
0x65: {  	[tilespmem:v11+s4+$0x0] =	vst.idx.add.f32.msk $0xffff, v3  }
0x66: {  	v11 =	vld [tilespmem:$0xC8A0];
	_ =	sdelay $0x7  }
0x67: {  	[tilespmem:v11+s4+$0x0] =	vst.idx.add.f32.msk $0xffff, v3  }
0x68: {  	v11 =	vld [tilespmem:$0xC8B0];
	_ =	sdelay $0x7  }
0x69: {  	[tilespmem:v11+s4+$0x0] =	vst.idx.add.f32.msk $0xffff, v3  }
0x6a: {  	v11 =	vld [tilespmem:$0xC8C0];
	_ =	sdelay $0x7  }
0x6b: {  	[tilespmem:v11+s4+$0x0] =	vst.idx.add.f32.msk $0xffff, v3  }
0x6c: {  	v11 =	vld [tilespmem:$0xC8D0];
	_ =	sdelay $0x7  }
0x6d: {  	[tilespmem:v11+s4+$0x0] =	vst.idx.add.f32.msk $0xffff, v3  }
0x6e: {  	v11 =	vld [tilespmem:$0xC8E0];
	_ =	sdelay $0x7  }
0x6f: {  	[tilespmem:v11+s4+$0x0] =	vst.idx.add.f32.msk $0xffff, v3  }
0x70: {  	v11 =	vld [tilespmem:$0xC8F0];
	_ =	sdelay $0x3  }
0x71: {  	s16 =	sadd.s32 $0x2, s21  }
0x72: {  	p0 =	sge.u32 s16, s10  }
0x73: {  	p1 =	seq.s32 @!p0 s21, $0x0  }
0x74: {  	p1 =	por p1, p0  }
0x75: {  	s30 =	simm.s32 @!p1 $0x7;
	[tilespmem:v11+s4+$0x0] =	vst.idx.add.f32.msk $0xffff, v3  }
0x76: {  	_ =	swait.ge @!p1 [sflag:s30], $0x2000  }
0x77: {  	s29 =	simm.s32 @!p0 $0x4E200;
	[sflag:s30] =	ssyncset.done @!p1 $0x0  }
0x78: {  	s16 =	simm.s32 @!p0 $0xCA00;
	[sflag:s30] =	ssyncadd.s32 @!p1 $0xFFFFE000;
	s30 =	simm.s32 @!p0 $0x80  }
0x79: {  	[tilespmem:s16], [sflag:$0x9] =	stream.strided.gather @!p0 [hbm4b:s24+s30], $0x100, s29, s30, $0x38;
	[tilespmem:$0x18C00] =	vst v63  }
0x7a: {  	s29 =	simm.s32 @!p0 $0x9  }
0x7b: {  	_ =	swait.ge @!p0 [sflag:s29], $0x100  }
0x7c: {  	[sflag:s29] =	ssyncset.done @!p0 $0x0  }
0x7d: {  	[sflag:s29] =	ssyncadd.s32 @!p0 $0xFFFFFF00;
	s29 =	simm.s32 @!p0 $0x10C00  }
0x7e: {  	[tilespmem:s29], [sflag:$0x3] =	stream.indirect.gather @!p0 [hbm4b:s1+s30], $0x40, s16, s30, $0xb8;
	[tilespmem:$0x18C00] =	vst v63  }
0x7f: {  	_ =	swait.ge [sflag:s13], $0x2000  }
0x80: {  	[sflag:s13] =	ssyncset.done $0x0  }
0x81: {  	s17 =	rddreg [dreg:$0x7];
	[sflag:s13] =	ssyncadd.s32 $0xFFFFE000  }
0x82: {  	[spmem:s2] =	stream.indirect.scatter.add.bf16 [tilespmem:s0], [sflag:$0x6], $0x40, s17, s28, $0xb8;
	[tilespmem:$0x18C00] =	vst v63  }
0x83: {  	v11 =	vld [tilespmem:$0xC980];
	_ =	sdelay $0x7  }
0x84: {  	[tilespmem:v11+s4+$0x0] =	vst.idx.add.f32.msk $0xffff, v3  }
0x85: {  	v11 =	vld [tilespmem:$0xC990];
	_ =	sdelay $0x7  }
0x86: {  	[tilespmem:v11+s4+$0x0] =	vst.idx.add.f32.msk $0xffff, v3  }
0x87: {  	v11 =	vld [tilespmem:$0xC9A0];
	_ =	sdelay $0x7  }
0x88: {  	[tilespmem:v11+s4+$0x0] =	vst.idx.add.f32.msk $0xffff, v3  }
0x89: {  	v11 =	vld [tilespmem:$0xC9B0];
	_ =	sdelay $0x7  }
0x8a: {  	[tilespmem:v11+s4+$0x0] =	vst.idx.add.f32.msk $0xffff, v3  }
0x8b: {  	v11 =	vld [tilespmem:$0xC9C0];
	_ =	sdelay $0x7  }
0x8c: {  	[tilespmem:v11+s4+$0x0] =	vst.idx.add.f32.msk $0xffff, v3  }
0x8d: {  	v11 =	vld [tilespmem:$0xC9D0];
	_ =	sdelay $0x7  }
0x8e: {  	[tilespmem:v11+s4+$0x0] =	vst.idx.add.f32.msk $0xffff, v3  }
0x8f: {  	v11 =	vld [tilespmem:$0xC9E0];
	_ =	sdelay $0x7  }
0x90: {  	[tilespmem:v11+s4+$0x0] =	vst.idx.add.f32.msk $0xffff, v3  }
0x91: {  	v11 =	vld [tilespmem:$0xC9F0];
	_ =	sdelay $0x3  }
0x92: {  	s29 =	sadd.s32 $0x3, s21  }
0x93: {  	p0 =	sge.u32 s29, s10  }
0x94: {  	p1 =	seq.s32 @!p0 s21, $0x0  }
0x95: {  	p1 =	por p1, p0  }
0x96: {  	s16 =	simm.s32 @!p1 $0x8;
	[tilespmem:v11+s4+$0x0] =	vst.idx.add.f32.msk $0xffff, v3  }
0x97: {  	_ =	swait.ge @!p1 [sflag:s16], $0x2000  }
0x98: {  	s29 =	simm.s32 @!p0 $0x4E200;
	[sflag:s16] =	ssyncset.done @!p1 $0x0  }
0x99: {  	s30 =	simm.s32 @!p0 $0xCB00;
	[sflag:s16] =	ssyncadd.s32 @!p1 $0xFFFFE000;
	s16 =	simm.s32 @!p0 $0x80  }
0x9a: {  	[tilespmem:s30], [sflag:$0x9] =	stream.strided.gather @!p0 [hbm4b:s31+s16], $0x100, s29, s16, $0x38;
	[tilespmem:$0x18C00] =	vst v63  }
0x9b: {  	s29 =	simm.s32 @!p0 $0x9  }
0x9c: {  	_ =	swait.ge @!p0 [sflag:s29], $0x100  }
0x9d: {  	[sflag:s29] =	ssyncset.done @!p0 $0x0  }
0x9e: {  	[sflag:s29] =	ssyncadd.s32 @!p0 $0xFFFFFF00;
	s29 =	simm.s32 @!p0 $0x12C00  }
0x9f: {  	[tilespmem:s29], [sflag:$0x4] =	stream.indirect.gather @!p0 [hbm4b:s1+s16], $0x40, s30, s16, $0xb8;
	[tilespmem:$0x18C00] =	vst v63  }
0xa0: {  	_ =	swait.ge [sflag:s14], $0x2000  }
0xa1: {  	s30 =	rddreg [dreg:$0x8];
	[sflag:s14] =	ssyncset.done $0x0  }
0xa2: {  	s17 =	rddreg [dreg:$0x9];
	[sflag:s14] =	ssyncadd.s32 $0xFFFFE000  }
0xa3: {  	[spmem:s2] =	stream.indirect.scatter.add.bf16 [tilespmem:s17], [sflag:$0x7], $0x40, s30, s28, $0xb8;
	[tilespmem:$0x18C00] =	vst v63  }
0xa4: {  	v11 =	vld [tilespmem:$0xCA80];
	_ =	sdelay $0x7  }
0xa5: {  	[tilespmem:v11+s4+$0x0] =	vst.idx.add.f32.msk $0xffff, v3  }
0xa6: {  	v11 =	vld [tilespmem:$0xCA90];
	_ =	sdelay $0x7  }
0xa7: {  	[tilespmem:v11+s4+$0x0] =	vst.idx.add.f32.msk $0xffff, v3  }
0xa8: {  	v11 =	vld [tilespmem:$0xCAA0];
	_ =	sdelay $0x7  }
0xa9: {  	[tilespmem:v11+s4+$0x0] =	vst.idx.add.f32.msk $0xffff, v3  }
0xaa: {  	v11 =	vld [tilespmem:$0xCAB0];
	_ =	sdelay $0x7  }
0xab: {  	[tilespmem:v11+s4+$0x0] =	vst.idx.add.f32.msk $0xffff, v3  }
0xac: {  	v11 =	vld [tilespmem:$0xCAC0];
	_ =	sdelay $0x7  }
0xad: {  	[tilespmem:v11+s4+$0x0] =	vst.idx.add.f32.msk $0xffff, v3  }
0xae: {  	v11 =	vld [tilespmem:$0xCAD0];
	_ =	sdelay $0x7  }
0xaf: {  	[tilespmem:v11+s4+$0x0] =	vst.idx.add.f32.msk $0xffff, v3  }
0xb0: {  	v11 =	vld [tilespmem:$0xCAE0];
	_ =	sdelay $0x7  }
0xb1: {  	[tilespmem:v11+s4+$0x0] =	vst.idx.add.f32.msk $0xffff, v3  }
0xb2: {  	v11 =	vld [tilespmem:$0xCAF0];
	_ =	sdelay $0x5  }
0xb3: {  	s30 =	rddreg [dreg:$0x4]  }
0xb4: {  	p0 =	sge.u32 s21, s30  }
0xb5: {  	s16 =	simm.s32 @!p0 $0x5;
	[tilespmem:v11+s4+$0x0] =	vst.idx.add.f32.msk $0xffff, v3  }
0xb6: {  	s29 =	sshrl.u32 @!p0 s23, $0x3;
	_ =	swait.ge @!p0 [sflag:s16], $0x2000  }
0xb7: {  	s30 =	simm.s32 @!p0 $0x4E200;
	s17 =	simm.s32 @!p0 $0xC800;
	[sflag:s16] =	ssyncset.done @!p0 $0x0  }
0xb8: {  	[sflag:s16] =	ssyncadd.s32 @!p0 $0xFFFFE000;
	s16 =	sadd.s32 @!p0 s5, s29;
	s29 =	simm.s32 @!p0 $0x80  }
0xb9: {  	[tilespmem:s17], [sflag:$0x9] =	stream.strided.gather @!p0 [hbm4b:s16+s29], $0x100, s30, s29, $0x38;
	[tilespmem:$0x18C00] =	vst v63  }
0xba: {  	s16 =	simm.s32 @!p0 $0x9  }
0xbb: {  	_ =	swait.ge @!p0 [sflag:s16], $0x100  }
0xbc: {  	[sflag:s16] =	ssyncset.done @!p0 $0x0  }
0xbd: {  	[sflag:s16] =	ssyncadd.s32 @!p0 $0xFFFFFF00;
	s16 =	simm.s32 @!p0 $0xCC00  }
0xbe: {  	[tilespmem:s16], [sflag:$0x1] =	stream.indirect.gather @!p0 [hbm4b:s1+s29], $0x40, s17, s29, $0xb8;
	[tilespmem:$0x18C00] =	vst v63  }
0xbf: {  	_ =	swait.ge [sflag:s15], $0x2000  }
0xc0: {  	s17 =	rddreg [dreg:$0xa];
	[sflag:s15] =	ssyncset.done $0x0  }
0xc1: {  	s29 =	rddreg [dreg:$0xb];
	[sflag:s15] =	ssyncadd.s32 $0xFFFFE000  }
0xc2: {  	[spmem:s2] =	stream.indirect.scatter.add.bf16 [tilespmem:s29], [sflag:$0x8], $0x40, s17, s28, $0xb8;
	[tilespmem:$0x18C00] =	vst v63  }
0xc3: {  	v11 =	vld [tilespmem:$0xCB80];
	_ =	sdelay $0x7  }
0xc4: {  	[tilespmem:v11+s4+$0x0] =	vst.idx.add.f32.msk $0xffff, v3  }
0xc5: {  	v11 =	vld [tilespmem:$0xCB90];
	_ =	sdelay $0x7  }
0xc6: {  	[tilespmem:v11+s4+$0x0] =	vst.idx.add.f32.msk $0xffff, v3  }
0xc7: {  	v11 =	vld [tilespmem:$0xCBA0];
	_ =	sdelay $0x7  }
0xc8: {  	[tilespmem:v11+s4+$0x0] =	vst.idx.add.f32.msk $0xffff, v3  }
0xc9: {  	v11 =	vld [tilespmem:$0xCBB0];
	_ =	sdelay $0x7  }
0xca: {  	[tilespmem:v11+s4+$0x0] =	vst.idx.add.f32.msk $0xffff, v3  }
0xcb: {  	v11 =	vld [tilespmem:$0xCBC0];
	_ =	sdelay $0x7  }
0xcc: {  	[tilespmem:v11+s4+$0x0] =	vst.idx.add.f32.msk $0xffff, v3  }
0xcd: {  	v11 =	vld [tilespmem:$0xCBD0];
	_ =	sdelay $0x7  }
0xce: {  	[tilespmem:v11+s4+$0x0] =	vst.idx.add.f32.msk $0xffff, v3  }
0xcf: {  	v11 =	vld [tilespmem:$0xCBE0];
	_ =	sdelay $0x7  }
0xd0: {  	[tilespmem:v11+s4+$0x0] =	vst.idx.add.f32.msk $0xffff, v3  }
0xd1: {  	v11 =	vld [tilespmem:$0xCBF0];
	_ =	sdelay $0x5  }
0xd2: {  	s30 =	rddreg [dreg:$0x5]  }
0xd3: {  	p0 =	sge.u32 s21, s30  }
0xd4: {  	s16 =	simm.s32 @!p0 $0x6;
	[tilespmem:v11+s4+$0x0] =	vst.idx.add.f32.msk $0xffff, v3  }
0xd5: {  	_ =	swait.ge @!p0 [sflag:s16], $0x2000  }
0xd6: {  	s17 =	simm.s32 @!p0 $0x4E200;
	[sflag:s16] =	ssyncset.done @!p0 $0x0  }
0xd7: {  	s29 =	simm.s32 @!p0 $0xC900;
	[sflag:s16] =	ssyncadd.s32 @!p0 $0xFFFFE000;
	s16 =	simm.s32 @!p0 $0x80  }
0xd8: {  	[tilespmem:s29], [sflag:$0x9] =	stream.strided.gather @!p0 [hbm4b:s22+s16], $0x100, s17, s16, $0x38;
	[tilespmem:$0x18C00] =	vst v63  }
0xd9: {  	s17 =	simm.s32 @!p0 $0x9  }
0xda: {  	_ =	swait.ge @!p0 [sflag:s17], $0x100  }
0xdb: {  	[sflag:s17] =	ssyncset.done @!p0 $0x0  }
0xdc: {  	s21 =	sadd.s32 $0x4, s21;
	[sflag:s17] =	ssyncadd.s32 @!p0 $0xFFFFFF00;
	s17 =	simm.s32 @!p0 $0xEC00  }
0xdd: {  	[tilespmem:s17], [sflag:$0x2] =	stream.indirect.gather @!p0 [hbm4b:s1+s16], $0x40, s29, s16, $0xb8;
	[tilespmem:$0x18C00] =	vst v63  }
0xde: {  	p0 =	sne.s32 s10, s21  }
.Ltmp2:
0xdf: {  	_ = 	snop;
	(pc) =	sbr.rel @p0 .LBB2_6-.Ltmp2, $3  }
0xe0: {  	_ =	sdelay $0x1  }
0xe1: {  	s24 =	sadd.s32 $0x40, s24  }
0xe2: {  	s31 =	sadd.s32 $0x40, s31;
	s23 =	sadd.s32 $0x200, s23;
	s22 =	sadd.s32 $0x40, s22  }
0xe3: {  	s16 =	simm.s32 $0x5  }
0xe4: {  	_ =	swait.ge [sflag:s16], $0x2000  }
0xe5: {  	[sflag:s16] =	ssyncset.done $0x0  }
0xe6: {  	s30 =	simm.s32 $0x6;
	[sflag:s16] =	ssyncadd.s32 $0xFFFFE000  }
0xe7: {  	_ =	swait.ge [sflag:s30], $0x2000  }
0xe8: {  	[sflag:s30] =	ssyncset.done $0x0  }
0xe9: {  	[sflag:s30] =	ssyncadd.s32 $0xFFFFE000  }
0xea: {  	_ =	swait.ge [sflag:s18], $0x2000  }
0xeb: {  	[sflag:s18] =	ssyncset.done $0x0  }
0xec: {  	[sflag:s18] =	ssyncadd.s32 $0xFFFFE000  }
0xed: {  	_ =	swait.ge [sflag:s19], $0x2000  }
0xee: {  	[sflag:s19] =	ssyncset.done $0x0  }
0xef: {  	[sflag:s19] =	ssyncadd.s32 $0xFFFFE000  }
0xf0: {  	[bflag:$0x0] =	sbarrier.arrive $0xFFFF  }
0xf1: {  	[tilespmem:s25], [sflag:$0x9] =	stream.linear.gather [spmem:s6], $0x2000, $0x38;
	[tilespmem:$0x18C00] =	vst v63  }
0xf2: {  	_ =	swait.ge [sflag:s26], $0x2000  }
0xf3: {  	[sflag:s26] =	ssyncset.done $0x0  }
0xf4: {  	s21 =	simm.s32 $0xCC20;
	[sflag:s26] =	ssyncadd.s32 $0xFFFFE000  }
0xf5: {  	s31 =	simm.s32 $0x0;
	v11 =	vld [tilespmem:s21+$0xFFFFFFE0]  }
0xf6: {  	v12 =	vor.u32 s31, v0  }
0xf7: {  	v13 =	vor.u32 s31, v4;
	_ =	sdelay $0x2  }
0xf8: {  	v14 =	vshll.u32 v11, $0x10  }
0xf9: {  	v11 =	vand.u32 $0xFFFF0000, v11;
	[tilespmem:v12+s12+$0x0] =	vst.idx.msk $0xffff, v14  }
0xfa: {  	[tilespmem:v13+s12+$0x0] =	vst.idx.msk $0xffff, v11  }
0xfb: {  	v11 =	vld [tilespmem:s21+$0xFFFFFFF0]  }
0xfc: {  	v12 =	vor.u32 s31, v5  }
0xfd: {  	v13 =	vor.u32 s31, v6;
	_ =	sdelay $0x2  }
0xfe: {  	v14 =	vshll.u32 v11, $0x10  }
0xff: {  	v11 =	vand.u32 $0xFFFF0000, v11;
	[tilespmem:v12+s12+$0x0] =	vst.idx.msk $0xffff, v14  }
0x100: {  	[tilespmem:v13+s12+$0x0] =	vst.idx.msk $0xffff, v11  }
0x101: {  	v11 =	vld [tilespmem:s21+$0x0]  }
0x102: {  	v12 =	vor.u32 s31, v7  }
0x103: {  	v13 =	vor.u32 s31, v8;
	_ =	sdelay $0x2  }
0x104: {  	v14 =	vshll.u32 v11, $0x10  }
0x105: {  	v11 =	vand.u32 $0xFFFF0000, v11;
	[tilespmem:v12+s12+$0x0] =	vst.idx.msk $0xffff, v14  }
0x106: {  	[tilespmem:v13+s12+$0x0] =	vst.idx.msk $0xffff, v11  }
0x107: {  	v12 =	vld [tilespmem:s21+$0x10]  }
0x108: {  	v13 =	vor.u32 s31, v9;
	_ =	sdelay $0x1  }
0x109: {  	v11 =	vor.u32 s31, v10;
	_ =	sdelay $0x1  }
0x10a: {  	v14 =	vshll.u32 v12, $0x10  }
0x10b: {  	s22 =	simm.s32 $0x1;
	v12 =	vand.u32 $0xFFFF0000, v12;
	[tilespmem:v13+s12+$0x0] =	vst.idx.msk $0xffff, v14  }
.LBB2_8:
0x10c: {  	p0 =	sne.s32 s22, $0x7F  }
0x10d: {  	[tilespmem:v11+s12+$0x0] =	vst.idx.msk $0xffff, v12;
	s21 =	sadd.s32 $0x40, s21;
	s16 =	smov.u32 s22;
	s22 =	sadd.s32 $0x1, s22  }
0x10e: {  	v11 =	vld [tilespmem:s21+$0xFFFFFFE0];
	s16 =	sshll.u32 s16, $0x7  }
0x10f: {  	v12 =	vor.u32 s16, v0  }
0x110: {  	v13 =	vor.u32 s16, v4;
	_ =	sdelay $0x2  }
0x111: {  	v14 =	vshll.u32 v11, $0x10  }
0x112: {  	v11 =	vand.u32 $0xFFFF0000, v11;
	[tilespmem:v12+s12+$0x0] =	vst.idx.msk $0xffff, v14  }
0x113: {  	[tilespmem:v13+s12+$0x0] =	vst.idx.msk $0xffff, v11  }
0x114: {  	v11 =	vld [tilespmem:s21+$0xFFFFFFF0]  }
0x115: {  	v12 =	vor.u32 s16, v5  }
0x116: {  	v13 =	vor.u32 s16, v6;
	_ =	sdelay $0x2  }
0x117: {  	v14 =	vshll.u32 v11, $0x10  }
0x118: {  	v11 =	vand.u32 $0xFFFF0000, v11;
	[tilespmem:v12+s12+$0x0] =	vst.idx.msk $0xffff, v14  }
0x119: {  	[tilespmem:v13+s12+$0x0] =	vst.idx.msk $0xffff, v11  }
0x11a: {  	v11 =	vld [tilespmem:s21+$0x0]  }
0x11b: {  	v12 =	vor.u32 s16, v7  }
0x11c: {  	v13 =	vor.u32 s16, v8;
	_ =	sdelay $0x2  }
0x11d: {  	v14 =	vshll.u32 v11, $0x10  }
0x11e: {  	v11 =	vand.u32 $0xFFFF0000, v11;
	[tilespmem:v12+s12+$0x0] =	vst.idx.msk $0xffff, v14  }
0x11f: {  	[tilespmem:v13+s12+$0x0] =	vst.idx.msk $0xffff, v11  }
0x120: {  	v12 =	vld [tilespmem:s21+$0x10]  }
0x121: {  	v13 =	vor.u32 s16, v9  }
.Ltmp3:
0x122: {  	v11 =	vor.u32 s16, v10;
	(pc) =	sbr.rel @p0 .LBB2_8-.Ltmp3, $3  }
0x123: {  	_ =	sdelay $0x1  }
0x124: {  	v14 =	vshll.u32 v12, $0x10  }
0x125: {  	v12 =	vand.u32 $0xFFFF0000, v12;
	[tilespmem:v13+s12+$0x0] =	vst.idx.msk $0xffff, v14  }
0x126: {  	_ =	sdelay $0x3  }
0x127: {  	[tilespmem:v11+s12+$0x0] =	vst.idx.msk $0xffff, v12;
	s16 =	simm.s32 $0x0;
	s17 =	rddreg [dreg:$0xd]  }
0x128: {  	[hbm4b:s17+s16] =	stream.linear.scatter [tilespmem:s12], [sflag:$0x9], $0x4000, $0x38;
	[tilespmem:$0x18C00] =	vst v63  }
0x129: {  	_ =	swait.ge [sflag:s26], $0x4000  }
0x12a: {  	[sflag:s26] =	ssyncset.done $0x0  }
0x12b: {  	[sflag:s26] =	ssyncadd.s32 $0xFFFFC000  }
0x12c: {  	[tilespmem:s25], [sflag:$0x9] =	stream.linear.gather [spmem:s7], $0x2000, $0x38;
	[tilespmem:$0x18C00] =	vst v63  }
0x12d: {  	_ =	swait.ge [sflag:s26], $0x2000  }
0x12e: {  	[sflag:s26] =	ssyncset.done $0x0  }
0x12f: {  	s21 =	simm.s32 $0xCC20;
	[sflag:s26] =	ssyncadd.s32 $0xFFFFE000  }
0x130: {  	s31 =	simm.s32 $0x0;
	v11 =	vld [tilespmem:s21+$0xFFFFFFE0]  }
0x131: {  	v12 =	vor.u32 s31, v0  }
0x132: {  	v13 =	vor.u32 s31, v4;
	_ =	sdelay $0x2  }
0x133: {  	v14 =	vshll.u32 v11, $0x10  }
0x134: {  	v11 =	vand.u32 $0xFFFF0000, v11;
	[tilespmem:v12+s12+$0x0] =	vst.idx.msk $0xffff, v14  }
0x135: {  	[tilespmem:v13+s12+$0x0] =	vst.idx.msk $0xffff, v11  }
0x136: {  	v11 =	vld [tilespmem:s21+$0xFFFFFFF0]  }
0x137: {  	v12 =	vor.u32 s31, v5  }
0x138: {  	v13 =	vor.u32 s31, v6;
	_ =	sdelay $0x2  }
0x139: {  	v14 =	vshll.u32 v11, $0x10  }
0x13a: {  	v11 =	vand.u32 $0xFFFF0000, v11;
	[tilespmem:v12+s12+$0x0] =	vst.idx.msk $0xffff, v14  }
0x13b: {  	[tilespmem:v13+s12+$0x0] =	vst.idx.msk $0xffff, v11  }
0x13c: {  	v11 =	vld [tilespmem:s21+$0x0]  }
0x13d: {  	v12 =	vor.u32 s31, v7  }
0x13e: {  	v13 =	vor.u32 s31, v8;
	_ =	sdelay $0x2  }
0x13f: {  	v14 =	vshll.u32 v11, $0x10  }
0x140: {  	v11 =	vand.u32 $0xFFFF0000, v11;
	[tilespmem:v12+s12+$0x0] =	vst.idx.msk $0xffff, v14  }
0x141: {  	[tilespmem:v13+s12+$0x0] =	vst.idx.msk $0xffff, v11  }
0x142: {  	v12 =	vld [tilespmem:s21+$0x10]  }
0x143: {  	v13 =	vor.u32 s31, v9;
	_ =	sdelay $0x1  }
0x144: {  	v11 =	vor.u32 s31, v10;
	_ =	sdelay $0x1  }
0x145: {  	v14 =	vshll.u32 v12, $0x10  }
0x146: {  	s22 =	simm.s32 $0x1;
	v12 =	vand.u32 $0xFFFF0000, v12;
	[tilespmem:v13+s12+$0x0] =	vst.idx.msk $0xffff, v14  }
.LBB2_10:
0x147: {  	p0 =	sne.s32 s22, $0x7F  }
0x148: {  	[tilespmem:v11+s12+$0x0] =	vst.idx.msk $0xffff, v12;
	s21 =	sadd.s32 $0x40, s21;
	s16 =	smov.u32 s22;
	s22 =	sadd.s32 $0x1, s22  }
0x149: {  	v11 =	vld [tilespmem:s21+$0xFFFFFFE0];
	s16 =	sshll.u32 s16, $0x7  }
0x14a: {  	v12 =	vor.u32 s16, v0  }
0x14b: {  	v13 =	vor.u32 s16, v4;
	_ =	sdelay $0x2  }
0x14c: {  	v14 =	vshll.u32 v11, $0x10  }
0x14d: {  	v11 =	vand.u32 $0xFFFF0000, v11;
	[tilespmem:v12+s12+$0x0] =	vst.idx.msk $0xffff, v14  }
0x14e: {  	[tilespmem:v13+s12+$0x0] =	vst.idx.msk $0xffff, v11  }
0x14f: {  	v11 =	vld [tilespmem:s21+$0xFFFFFFF0]  }
0x150: {  	v12 =	vor.u32 s16, v5  }
0x151: {  	v13 =	vor.u32 s16, v6;
	_ =	sdelay $0x2  }
0x152: {  	v14 =	vshll.u32 v11, $0x10  }
0x153: {  	v11 =	vand.u32 $0xFFFF0000, v11;
	[tilespmem:v12+s12+$0x0] =	vst.idx.msk $0xffff, v14  }
0x154: {  	[tilespmem:v13+s12+$0x0] =	vst.idx.msk $0xffff, v11  }
0x155: {  	v11 =	vld [tilespmem:s21+$0x0]  }
0x156: {  	v12 =	vor.u32 s16, v7  }
0x157: {  	v13 =	vor.u32 s16, v8;
	_ =	sdelay $0x2  }
0x158: {  	v14 =	vshll.u32 v11, $0x10  }
0x159: {  	v11 =	vand.u32 $0xFFFF0000, v11;
	[tilespmem:v12+s12+$0x0] =	vst.idx.msk $0xffff, v14  }
0x15a: {  	[tilespmem:v13+s12+$0x0] =	vst.idx.msk $0xffff, v11  }
0x15b: {  	v12 =	vld [tilespmem:s21+$0x10]  }
0x15c: {  	v13 =	vor.u32 s16, v9  }
.Ltmp4:
0x15d: {  	v11 =	vor.u32 s16, v10;
	(pc) =	sbr.rel @p0 .LBB2_10-.Ltmp4, $3  }
0x15e: {  	_ =	sdelay $0x1  }
0x15f: {  	v14 =	vshll.u32 v12, $0x10  }
0x160: {  	v12 =	vand.u32 $0xFFFF0000, v12;
	[tilespmem:v13+s12+$0x0] =	vst.idx.msk $0xffff, v14  }
0x161: {  	_ =	sdelay $0x3  }
0x162: {  	[tilespmem:v11+s12+$0x0] =	vst.idx.msk $0xffff, v12;
	s16 =	simm.s32 $0x0;
	s17 =	rddreg [dreg:$0xe]  }
0x163: {  	[hbm4b:s17+s16] =	stream.linear.scatter [tilespmem:s12], [sflag:$0x9], $0x4000, $0x38;
	[tilespmem:$0x18C00] =	vst v63  }
0x164: {  	_ =	swait.ge [sflag:s26], $0x4000  }
0x165: {  	[sflag:s26] =	ssyncset.done $0x0  }
0x166: {  	[sflag:s26] =	ssyncadd.s32 $0xFFFFC000  }
0x167: {  	[tilespmem:s25], [sflag:$0x9] =	stream.linear.gather [spmem:s8], $0x2000, $0x38;
	[tilespmem:$0x18C00] =	vst v63  }
0x168: {  	_ =	swait.ge [sflag:s26], $0x2000  }
0x169: {  	[sflag:s26] =	ssyncset.done $0x0  }
0x16a: {  	s21 =	simm.s32 $0xCC20;
	[sflag:s26] =	ssyncadd.s32 $0xFFFFE000  }
0x16b: {  	s31 =	simm.s32 $0x0;
	v11 =	vld [tilespmem:s21+$0xFFFFFFE0]  }
0x16c: {  	v12 =	vor.u32 s31, v0  }
0x16d: {  	v13 =	vor.u32 s31, v4;
	_ =	sdelay $0x2  }
0x16e: {  	v14 =	vshll.u32 v11, $0x10  }
0x16f: {  	v11 =	vand.u32 $0xFFFF0000, v11;
	[tilespmem:v12+s12+$0x0] =	vst.idx.msk $0xffff, v14  }
0x170: {  	[tilespmem:v13+s12+$0x0] =	vst.idx.msk $0xffff, v11  }
0x171: {  	v11 =	vld [tilespmem:s21+$0xFFFFFFF0]  }
0x172: {  	v12 =	vor.u32 s31, v5  }
0x173: {  	v13 =	vor.u32 s31, v6;
	_ =	sdelay $0x2  }
0x174: {  	v14 =	vshll.u32 v11, $0x10  }
0x175: {  	v11 =	vand.u32 $0xFFFF0000, v11;
	[tilespmem:v12+s12+$0x0] =	vst.idx.msk $0xffff, v14  }
0x176: {  	[tilespmem:v13+s12+$0x0] =	vst.idx.msk $0xffff, v11  }
0x177: {  	v11 =	vld [tilespmem:s21+$0x0]  }
0x178: {  	v12 =	vor.u32 s31, v7  }
0x179: {  	v13 =	vor.u32 s31, v8;
	_ =	sdelay $0x2  }
0x17a: {  	v14 =	vshll.u32 v11, $0x10  }
0x17b: {  	v11 =	vand.u32 $0xFFFF0000, v11;
	[tilespmem:v12+s12+$0x0] =	vst.idx.msk $0xffff, v14  }
0x17c: {  	[tilespmem:v13+s12+$0x0] =	vst.idx.msk $0xffff, v11  }
0x17d: {  	v12 =	vld [tilespmem:s21+$0x10]  }
0x17e: {  	v13 =	vor.u32 s31, v9;
	_ =	sdelay $0x1  }
0x17f: {  	v11 =	vor.u32 s31, v10;
	_ =	sdelay $0x1  }
0x180: {  	v14 =	vshll.u32 v12, $0x10  }
0x181: {  	s22 =	simm.s32 $0x1;
	v12 =	vand.u32 $0xFFFF0000, v12;
	[tilespmem:v13+s12+$0x0] =	vst.idx.msk $0xffff, v14  }
.LBB2_12:
0x182: {  	p0 =	sne.s32 s22, $0x7F  }
0x183: {  	[tilespmem:v11+s12+$0x0] =	vst.idx.msk $0xffff, v12;
	s21 =	sadd.s32 $0x40, s21;
	s16 =	smov.u32 s22;
	s22 =	sadd.s32 $0x1, s22  }
0x184: {  	v11 =	vld [tilespmem:s21+$0xFFFFFFE0];
	s16 =	sshll.u32 s16, $0x7  }
0x185: {  	v12 =	vor.u32 s16, v0  }
0x186: {  	v13 =	vor.u32 s16, v4;
	_ =	sdelay $0x2  }
0x187: {  	v14 =	vshll.u32 v11, $0x10  }
0x188: {  	v11 =	vand.u32 $0xFFFF0000, v11;
	[tilespmem:v12+s12+$0x0] =	vst.idx.msk $0xffff, v14  }
0x189: {  	[tilespmem:v13+s12+$0x0] =	vst.idx.msk $0xffff, v11  }
0x18a: {  	v11 =	vld [tilespmem:s21+$0xFFFFFFF0]  }
0x18b: {  	v12 =	vor.u32 s16, v5  }
0x18c: {  	v13 =	vor.u32 s16, v6;
	_ =	sdelay $0x2  }
0x18d: {  	v14 =	vshll.u32 v11, $0x10  }
0x18e: {  	v11 =	vand.u32 $0xFFFF0000, v11;
	[tilespmem:v12+s12+$0x0] =	vst.idx.msk $0xffff, v14  }
0x18f: {  	[tilespmem:v13+s12+$0x0] =	vst.idx.msk $0xffff, v11  }
0x190: {  	v11 =	vld [tilespmem:s21+$0x0]  }
0x191: {  	v12 =	vor.u32 s16, v7  }
0x192: {  	v13 =	vor.u32 s16, v8;
	_ =	sdelay $0x2  }
0x193: {  	v14 =	vshll.u32 v11, $0x10  }
0x194: {  	v11 =	vand.u32 $0xFFFF0000, v11;
	[tilespmem:v12+s12+$0x0] =	vst.idx.msk $0xffff, v14  }
0x195: {  	[tilespmem:v13+s12+$0x0] =	vst.idx.msk $0xffff, v11  }
0x196: {  	v12 =	vld [tilespmem:s21+$0x10]  }
0x197: {  	v13 =	vor.u32 s16, v9  }
.Ltmp5:
0x198: {  	v11 =	vor.u32 s16, v10;
	(pc) =	sbr.rel @p0 .LBB2_12-.Ltmp5, $3  }
0x199: {  	_ =	sdelay $0x1  }
0x19a: {  	v14 =	vshll.u32 v12, $0x10  }
0x19b: {  	v12 =	vand.u32 $0xFFFF0000, v12;
	[tilespmem:v13+s12+$0x0] =	vst.idx.msk $0xffff, v14  }
0x19c: {  	_ =	sdelay $0x3  }
0x19d: {  	[tilespmem:v11+s12+$0x0] =	vst.idx.msk $0xffff, v12;
	s16 =	simm.s32 $0x0;
	s17 =	rddreg [dreg:$0xf]  }
0x19e: {  	[hbm4b:s17+s16] =	stream.linear.scatter [tilespmem:s12], [sflag:$0x9], $0x4000, $0x38;
	[tilespmem:$0x18C00] =	vst v63  }
0x19f: {  	_ =	swait.ge [sflag:s26], $0x4000  }
0x1a0: {  	[sflag:s26] =	ssyncset.done $0x0  }
0x1a1: {  	[sflag:s26] =	ssyncadd.s32 $0xFFFFC000  }
0x1a2: {  	[tilespmem:s25], [sflag:$0x9] =	stream.linear.gather [spmem:s9], $0x2000, $0x38;
	[tilespmem:$0x18C00] =	vst v63  }
0x1a3: {  	_ =	swait.ge [sflag:s26], $0x2000  }
0x1a4: {  	[sflag:s26] =	ssyncset.done $0x0  }
0x1a5: {  	s21 =	simm.s32 $0xCC20;
	[sflag:s26] =	ssyncadd.s32 $0xFFFFE000  }
0x1a6: {  	s31 =	simm.s32 $0x0;
	v11 =	vld [tilespmem:s21+$0xFFFFFFE0]  }
0x1a7: {  	v12 =	vor.u32 s31, v0  }
0x1a8: {  	v13 =	vor.u32 s31, v4;
	_ =	sdelay $0x2  }
0x1a9: {  	v14 =	vshll.u32 v11, $0x10  }
0x1aa: {  	v11 =	vand.u32 $0xFFFF0000, v11;
	[tilespmem:v12+s12+$0x0] =	vst.idx.msk $0xffff, v14  }
0x1ab: {  	[tilespmem:v13+s12+$0x0] =	vst.idx.msk $0xffff, v11  }
0x1ac: {  	v11 =	vld [tilespmem:s21+$0xFFFFFFF0]  }
0x1ad: {  	v12 =	vor.u32 s31, v5  }
0x1ae: {  	v13 =	vor.u32 s31, v6;
	_ =	sdelay $0x2  }
0x1af: {  	v14 =	vshll.u32 v11, $0x10  }
0x1b0: {  	v11 =	vand.u32 $0xFFFF0000, v11;
	[tilespmem:v12+s12+$0x0] =	vst.idx.msk $0xffff, v14  }
0x1b1: {  	[tilespmem:v13+s12+$0x0] =	vst.idx.msk $0xffff, v11  }
0x1b2: {  	v11 =	vld [tilespmem:s21+$0x0]  }
0x1b3: {  	v12 =	vor.u32 s31, v7  }
0x1b4: {  	v13 =	vor.u32 s31, v8;
	_ =	sdelay $0x2  }
0x1b5: {  	v14 =	vshll.u32 v11, $0x10  }
0x1b6: {  	v11 =	vand.u32 $0xFFFF0000, v11;
	[tilespmem:v12+s12+$0x0] =	vst.idx.msk $0xffff, v14  }
0x1b7: {  	[tilespmem:v13+s12+$0x0] =	vst.idx.msk $0xffff, v11  }
0x1b8: {  	v12 =	vld [tilespmem:s21+$0x10]  }
0x1b9: {  	v13 =	vor.u32 s31, v9;
	_ =	sdelay $0x1  }
0x1ba: {  	v11 =	vor.u32 s31, v10;
	_ =	sdelay $0x1  }
0x1bb: {  	v14 =	vshll.u32 v12, $0x10  }
0x1bc: {  	s22 =	simm.s32 $0x1;
	v12 =	vand.u32 $0xFFFF0000, v12;
	[tilespmem:v13+s12+$0x0] =	vst.idx.msk $0xffff, v14  }
.LBB2_14:
0x1bd: {  	p0 =	sne.s32 s22, $0x7F  }
0x1be: {  	[tilespmem:v11+s12+$0x0] =	vst.idx.msk $0xffff, v12;
	s21 =	sadd.s32 $0x40, s21;
	s16 =	smov.u32 s22;
	s22 =	sadd.s32 $0x1, s22  }
0x1bf: {  	v11 =	vld [tilespmem:s21+$0xFFFFFFE0];
	s16 =	sshll.u32 s16, $0x7  }
0x1c0: {  	v12 =	vor.u32 s16, v0  }
0x1c1: {  	v13 =	vor.u32 s16, v4;
	_ =	sdelay $0x2  }
0x1c2: {  	v14 =	vshll.u32 v11, $0x10  }
0x1c3: {  	v11 =	vand.u32 $0xFFFF0000, v11;
	[tilespmem:v12+s12+$0x0] =	vst.idx.msk $0xffff, v14  }
0x1c4: {  	[tilespmem:v13+s12+$0x0] =	vst.idx.msk $0xffff, v11  }
0x1c5: {  	v11 =	vld [tilespmem:s21+$0xFFFFFFF0]  }
0x1c6: {  	v12 =	vor.u32 s16, v5  }
0x1c7: {  	v13 =	vor.u32 s16, v6;
	_ =	sdelay $0x2  }
0x1c8: {  	v14 =	vshll.u32 v11, $0x10  }
0x1c9: {  	v11 =	vand.u32 $0xFFFF0000, v11;
	[tilespmem:v12+s12+$0x0] =	vst.idx.msk $0xffff, v14  }
0x1ca: {  	[tilespmem:v13+s12+$0x0] =	vst.idx.msk $0xffff, v11  }
0x1cb: {  	v11 =	vld [tilespmem:s21+$0x0]  }
0x1cc: {  	v12 =	vor.u32 s16, v7  }
0x1cd: {  	v13 =	vor.u32 s16, v8;
	_ =	sdelay $0x2  }
0x1ce: {  	v14 =	vshll.u32 v11, $0x10  }
0x1cf: {  	v11 =	vand.u32 $0xFFFF0000, v11;
	[tilespmem:v12+s12+$0x0] =	vst.idx.msk $0xffff, v14  }
0x1d0: {  	[tilespmem:v13+s12+$0x0] =	vst.idx.msk $0xffff, v11  }
0x1d1: {  	v12 =	vld [tilespmem:s21+$0x10]  }
0x1d2: {  	v13 =	vor.u32 s16, v9  }
.Ltmp6:
0x1d3: {  	v11 =	vor.u32 s16, v10;
	(pc) =	sbr.rel @p0 .LBB2_14-.Ltmp6, $3  }
0x1d4: {  	_ =	sdelay $0x1  }
0x1d5: {  	v14 =	vshll.u32 v12, $0x10  }
0x1d6: {  	v12 =	vand.u32 $0xFFFF0000, v12;
	[tilespmem:v13+s12+$0x0] =	vst.idx.msk $0xffff, v14  }
0x1d7: {  	_ =	sdelay $0x3  }
0x1d8: {  	[tilespmem:v11+s12+$0x0] =	vst.idx.msk $0xffff, v12;
	s16 =	simm.s32 $0x0;
	s17 =	rddreg [dreg:$0x10]  }
0x1d9: {  	[hbm4b:s17+s16] =	stream.linear.scatter [tilespmem:s12], [sflag:$0x9], $0x4000, $0x38;
	[tilespmem:$0x18C00] =	vst v63  }
0x1da: {  	_ =	swait.ge [sflag:s26], $0x4000  }
0x1db: {  	[sflag:s26] =	ssyncset.done $0x0  }
0x1dc: {  	[sflag:s26] =	ssyncadd.s32 $0xFFFFC000  }
0x1dd: {  	[tilespmem:s25], [sflag:$0x9] =	stream.linear.gather [spmem:s11], $0x2000, $0x38;
	[tilespmem:$0x18C00] =	vst v63  }
0x1de: {  	_ =	swait.ge [sflag:s26], $0x2000  }
0x1df: {  	[sflag:s26] =	ssyncset.done $0x0  }
0x1e0: {  	s21 =	simm.s32 $0xCC20;
	[sflag:s26] =	ssyncadd.s32 $0xFFFFE000  }
0x1e1: {  	s31 =	simm.s32 $0x0;
	v11 =	vld [tilespmem:s21+$0xFFFFFFE0]  }
0x1e2: {  	v12 =	vor.u32 s31, v0  }
0x1e3: {  	v13 =	vor.u32 s31, v4;
	_ =	sdelay $0x2  }
0x1e4: {  	v14 =	vshll.u32 v11, $0x10  }
0x1e5: {  	v11 =	vand.u32 $0xFFFF0000, v11;
	[tilespmem:v12+s12+$0x0] =	vst.idx.msk $0xffff, v14  }
0x1e6: {  	[tilespmem:v13+s12+$0x0] =	vst.idx.msk $0xffff, v11  }
0x1e7: {  	v11 =	vld [tilespmem:s21+$0xFFFFFFF0]  }
0x1e8: {  	v12 =	vor.u32 s31, v5  }
0x1e9: {  	v13 =	vor.u32 s31, v6;
	_ =	sdelay $0x2  }
0x1ea: {  	v14 =	vshll.u32 v11, $0x10  }
0x1eb: {  	v11 =	vand.u32 $0xFFFF0000, v11;
	[tilespmem:v12+s12+$0x0] =	vst.idx.msk $0xffff, v14  }
0x1ec: {  	[tilespmem:v13+s12+$0x0] =	vst.idx.msk $0xffff, v11  }
0x1ed: {  	v11 =	vld [tilespmem:s21+$0x0]  }
0x1ee: {  	v12 =	vor.u32 s31, v7  }
0x1ef: {  	v13 =	vor.u32 s31, v8;
	_ =	sdelay $0x2  }
0x1f0: {  	v14 =	vshll.u32 v11, $0x10  }
0x1f1: {  	v11 =	vand.u32 $0xFFFF0000, v11;
	[tilespmem:v12+s12+$0x0] =	vst.idx.msk $0xffff, v14  }
0x1f2: {  	[tilespmem:v13+s12+$0x0] =	vst.idx.msk $0xffff, v11  }
0x1f3: {  	v12 =	vld [tilespmem:s21+$0x10]  }
0x1f4: {  	v13 =	vor.u32 s31, v9;
	_ =	sdelay $0x1  }
0x1f5: {  	v11 =	vor.u32 s31, v10;
	_ =	sdelay $0x1  }
0x1f6: {  	v14 =	vshll.u32 v12, $0x10  }
0x1f7: {  	s22 =	simm.s32 $0x1;
	v12 =	vand.u32 $0xFFFF0000, v12;
	[tilespmem:v13+s12+$0x0] =	vst.idx.msk $0xffff, v14  }
.LBB2_16:
0x1f8: {  	p0 =	sne.s32 s22, $0x7F  }
0x1f9: {  	[tilespmem:v11+s12+$0x0] =	vst.idx.msk $0xffff, v12;
	s21 =	sadd.s32 $0x40, s21;
	s16 =	smov.u32 s22;
	s22 =	sadd.s32 $0x1, s22  }
0x1fa: {  	v11 =	vld [tilespmem:s21+$0xFFFFFFE0];
	s16 =	sshll.u32 s16, $0x7  }
0x1fb: {  	v12 =	vor.u32 s16, v0  }
0x1fc: {  	v13 =	vor.u32 s16, v4;
	_ =	sdelay $0x2  }
0x1fd: {  	v14 =	vshll.u32 v11, $0x10  }
0x1fe: {  	v11 =	vand.u32 $0xFFFF0000, v11;
	[tilespmem:v12+s12+$0x0] =	vst.idx.msk $0xffff, v14  }
0x1ff: {  	[tilespmem:v13+s12+$0x0] =	vst.idx.msk $0xffff, v11  }
0x200: {  	v11 =	vld [tilespmem:s21+$0xFFFFFFF0]  }
0x201: {  	v12 =	vor.u32 s16, v5  }
0x202: {  	v13 =	vor.u32 s16, v6;
	_ =	sdelay $0x2  }
0x203: {  	v14 =	vshll.u32 v11, $0x10  }
0x204: {  	v11 =	vand.u32 $0xFFFF0000, v11;
	[tilespmem:v12+s12+$0x0] =	vst.idx.msk $0xffff, v14  }
0x205: {  	[tilespmem:v13+s12+$0x0] =	vst.idx.msk $0xffff, v11  }
0x206: {  	v11 =	vld [tilespmem:s21+$0x0]  }
0x207: {  	v12 =	vor.u32 s16, v7  }
0x208: {  	v13 =	vor.u32 s16, v8;
	_ =	sdelay $0x2  }
0x209: {  	v14 =	vshll.u32 v11, $0x10  }
0x20a: {  	v11 =	vand.u32 $0xFFFF0000, v11;
	[tilespmem:v12+s12+$0x0] =	vst.idx.msk $0xffff, v14  }
0x20b: {  	[tilespmem:v13+s12+$0x0] =	vst.idx.msk $0xffff, v11  }
0x20c: {  	v12 =	vld [tilespmem:s21+$0x10]  }
0x20d: {  	v13 =	vor.u32 s16, v9  }
.Ltmp7:
0x20e: {  	v11 =	vor.u32 s16, v10;
	(pc) =	sbr.rel @p0 .LBB2_16-.Ltmp7, $3  }
0x20f: {  	_ =	sdelay $0x1  }
0x210: {  	v14 =	vshll.u32 v12, $0x10  }
0x211: {  	v12 =	vand.u32 $0xFFFF0000, v12;
	[tilespmem:v13+s12+$0x0] =	vst.idx.msk $0xffff, v14  }
0x212: {  	_ =	sdelay $0x3  }
0x213: {  	[tilespmem:v11+s12+$0x0] =	vst.idx.msk $0xffff, v12;
	s16 =	simm.s32 $0x0;
	s17 =	rddreg [dreg:$0x11]  }
0x214: {  	[hbm4b:s17+s16] =	stream.linear.scatter [tilespmem:s12], [sflag:$0x9], $0x4000, $0x38;
	[tilespmem:$0x18C00] =	vst v63  }
0x215: {  	_ =	swait.ge [sflag:s26], $0x4000  }
0x216: {  	[sflag:s26] =	ssyncset.done $0x0  }
0x217: {  	s30 =	rddreg [dreg:$0x13];
	[sflag:s26] =	ssyncadd.s32 $0xFFFFC000  }
0x218: {  	[hbm4b:s30+s16] =	stream.linear.scatter [tilespmem:s4], [sflag:$0x9], $0x2800, $0x38;
	[tilespmem:$0x18C00] =	vst v63  }
0x219: {  	_ =	swait.ge [sflag:s26], $0x2800  }
0x21a: {  	s20 =	sadd.s32 $0x1, s20;
	s31 =	rddreg [dreg:$0x14]  }
0x21b: {  	p0 =	sne.s32 s20, s31  }
.Ltmp8:
0x21c: {  	_ = 	snop;
	(pc) =	sbr.rel @p0 .LBB2_1-.Ltmp8, $3  }
0x21d: {  	_ =	sdelay $0x1  }
0x21e: {  	[sflag:s26] =	ssyncset.done $0x0  }
0x21f: {  	[sflag:s26] =	ssyncadd.s32 $0xFFFFD800  }
0x220: {  	_ =	sfence.sel $0x180000  }
0x221: {  	[bflag:$0x0] =	sbarrier.arrive $0xFFFF  }
0x222: {  	_ =	strace $0x90000047  }
0x223: {  	s0 =	stileid.u32;
	[bflag:$0x2] =	sbarrier.arrive $0xFFFF  }
0x224: {  	p0 =	sne.s32 s0, $0x0;
	s0 =	rddreg [dreg:$0x3]  }
0x225: {  	s0 =	sadd.s32 @!p0 $0x100000, s0  }
0x226: {  	[sflag:s0] =	ssyncadd.tile.s32 @!p0 $0x1;
	_ =	shalt  }
.Lfunc_end2:
_tile_overlayer_lowered:
.L_overlay_start_2:
0x227: {  	(tag) =	ssettag $0x2  }
0x228: {  	s0 =	rddreg [dreg:$0x0];
	s2 =	stileid.u32  }
0x229: {  	s1 =	rddreg [dreg:$0x1];
	p0 =	sne.s32 s2, $0x0  }
0x22a: {  	s3 =	rddreg [dreg:$0x2];
	[bflag:$0x3] =	sbarrier.arrive $0xFFFF;
	s2 =	simm.s32 @!p0 $0x1C09  }
0x22b: {  	[timem:s3], [sflag:s2] =	dma.local @!p0 [hbm:s0], s1  }
0x22c: {  	s0 =	simm.s32 @!p0 $0x9  }
0x22d: {  	_ =	swait.ge @!p0 [sflag:s0], s1  }
0x22e: {  	s1 =	ssub.s32 @!p0 $0x0, s1;
	[sflag:s0] =	ssyncset.done @!p0 $0x0  }
0x22f: {  	[sflag:s0] =	ssyncadd.s32 @!p0 s1  }
0x230: {  	[bflag:$0x3] =	sbarrier.arrive $0xFFFF  }
0x231: {  	_ =	shalt  }

</sc_bundles>
